<compile_context>
chip_gen: v7x
topology: tpu7x:2x2x1
jax: 0.10.2.dev20260603
libtpu: 0.0.44.dev20260713+nightly
codegen_flags: <defaults>
</compile_context>

<pallas_src>
import functools

import jax
import jax.numpy as jnp
from jax import lax
from jax.experimental import pallas as pl
from jax.experimental.pallas import tpu as pltpu
from jax.experimental.pallas import tpu_sc as plsc

_HOTN = 100000
_MEDIAN_N = 200000
_HASH_SIZE = 500000
_D = 64
_B = 4096
_N = 81920

_NC = 2
_NS = 16
_NW = _NC * _NS
_EPW = _N // _NW
_VPW = _EPW // 16
_BPW = _B // _NW
_G = 128
_LIST = _EPW + _G + 16
_ACC_ROWS = _NS * 257
_ZROWS = 257


def _sc_body(dic, offsets, hot, w_h, w_hash, w_med,
             partial_out, inv_out,
             offs_v, hot_v, dic_v,
             lh_i, lh_b, ls_i, ls_b, lm_i, lm_b,
             bagbuf0, bagbuf1, rowbuf0, rowbuf1, zbuf, invbuf,
             sem0, sem1, acc):
    c = lax.axis_index("c")
    s = lax.axis_index("s")
    wid = s * _NC + c

    def _zb(i, _):
        for q in range(_D // 16):
            zbuf[i, pl.ds(q * 16, 16)] = jnp.zeros((16,), jnp.float32)
        return 0
    lax.fori_loop(0, _ZROWS, _zb, 0)
    pltpu.sync_copy(zbuf, acc.at[pl.ds(s * _ZROWS, _ZROWS)])

    pltpu.sync_copy(offsets, offs_v)
    pltpu.sync_copy(hot, hot_v)
    pltpu.sync_copy(dic.at[pl.ds(wid * _EPW, _EPW)], dic_v)

    plsc.subcore_barrier()

    lane = lax.broadcasted_iota(jnp.int32, (16,), 0)

    def _p1(i, carry):
        ph, ps, pm = carry
        pos = wid * _EPW + i * 16 + lane
        seg = jnp.zeros((16,), jnp.int32)
        step = 2048
        while step >= 1:
            cand = seg + step
            val = plsc.load_gather(offs_v, [cand])
            seg = jnp.where(val <= pos, cand, seg)
            step //= 2
        code = plsc.load_gather(hot_v, [seg])
        hotb = (code & 1) != 0
        d = dic_v[pl.ds(i * 16, 16)]
        mask_s = jnp.logical_not(hotb)
        mask_m = code == 2

        plsc.store_compressed(lh_i.at[pl.ds(ph, 16)], d % _HOTN, mask=hotb)
        plsc.store_compressed(lh_b.at[pl.ds(ph, 16)], seg, mask=hotb)
        plsc.store_compressed(ls_i.at[pl.ds(ps, 16)], d % _HASH_SIZE, mask=mask_s)
        plsc.store_compressed(ls_b.at[pl.ds(ps, 16)], seg, mask=mask_s)
        plsc.store_compressed(lm_i.at[pl.ds(pm, 16)], d % _MEDIAN_N, mask=mask_m)
        plsc.store_compressed(lm_b.at[pl.ds(pm, 16)], seg, mask=mask_m)
        ph = ph + jnp.sum(hotb.astype(jnp.int32))
        ps = ps + jnp.sum(mask_s.astype(jnp.int32))
        pm = pm + jnp.sum(mask_m.astype(jnp.int32))
        return ph, ps, pm

    nh, ns_, nm = lax.fori_loop(0, _VPW, _p1, (jnp.int32(0), jnp.int32(0), jnp.int32(0)))

    zero16 = jnp.zeros((16,), jnp.int32)
    trash16 = jnp.full((16,), _B, jnp.int32)
    all16 = lane >= 0
    for li, lb, n in ((lh_i, lh_b, nh), (ls_i, ls_b, ns_), (lm_i, lm_b, nm)):
        for k in range(_G // 16):
            plsc.store_compressed(li.at[pl.ds(n + k * 16, 16)], zero16, mask=all16)
            plsc.store_compressed(lb.at[pl.ds(n + k * 16, 16)], trash16, mask=all16)

    rows = (rowbuf0, rowbuf1)
    bags = (bagbuf0, bagbuf1)
    sems = (sem0, sem1)

    def _sweep(table, li, lb, n):
        nch = (n + _G - 1) // _G

        @pl.when(nch > 0)
        def _():
            pltpu.async_copy(table.at[li.at[pl.ds(0, _G)]], rows[0], sems[0])

        def _pair(p, _):
            for b in range(2):
                g = p * 2 + b

                @pl.when(g < nch)
                def _(g=g, b=b):
                    @pl.when(g + 1 < nch)
                    def _():
                        pltpu.async_copy(
                            table.at[li.at[pl.ds((g + 1) * _G, _G)]],
                            rows[1 - b], sems[1 - b])
                    for k in range(_G // 16):
                        bags[b][pl.ds(k * 16, 16)] = lb[pl.ds(g * _G + k * 16, 16)]
                    pltpu.make_async_copy(
                        table.at[pl.ds(0, _G)], rows[b], sems[b]).wait()
                    pltpu.sync_copy(rows[b], acc.at[bags[b]], add=True)
            return 0
        lax.fori_loop(0, (nch + 1) // 2, _pair, 0)

    _sweep(w_h, lh_i, lh_b, nh)
    _sweep(w_hash, ls_i, ls_b, ns_)
    _sweep(w_med, lm_i, lm_b, nm)

    @pl.when(c == 0)
    def _():
        nb = _B // _NS
        def _inv(i, _):
            base = s * nb + i * 16
            lo = offs_v[pl.ds(base, 16)]
            hi = plsc.load_gather(offs_v, [base + lane + 1],
                                  mask=(base + lane) < (_B - 1))
            hi = jnp.where((base + lane) == (_B - 1), _N, hi)
            cnt = jnp.maximum(hi - lo, 1).astype(jnp.float32)
            invbuf[pl.ds(i * 16, 16)] = 1.0 / cnt
            return 0
        lax.fori_loop(0, nb // 16, _inv, 0)
        pltpu.sync_copy(invbuf, inv_out.at[pl.ds(s * nb, nb)])

    plsc.subcore_barrier()

    for k in range(2):
        r0 = s * 256 + k * 128
        pltpu.sync_copy(acc.at[pl.ds(r0, 128)], rows[k])
        pltpu.sync_copy(rows[k], partial_out.at[c, pl.ds(r0, 128)])


_sc_kernel = functools.partial(
    pl.kernel,
    out_type=(
        jax.ShapeDtypeStruct((_NC, _B, _D), jnp.float32),
        jax.ShapeDtypeStruct((_B,), jnp.float32),
    ),
    mesh=plsc.VectorSubcoreMesh(core_axis_name="c", subcore_axis_name="s",
                                num_cores=_NC, num_subcores=_NS),
    compiler_params=pltpu.CompilerParams(needs_layout_passes=False,
                                         use_tc_tiling_on_sc=False),
    scratch_types=[
        pltpu.VMEM((_B,), jnp.int32),
        pltpu.VMEM((_B,), jnp.int32),
        pltpu.VMEM((_EPW,), jnp.int32),
        pltpu.VMEM((_LIST,), jnp.int32),
        pltpu.VMEM((_LIST,), jnp.int32),
        pltpu.VMEM((_LIST,), jnp.int32),
        pltpu.VMEM((_LIST,), jnp.int32),
        pltpu.VMEM((_LIST,), jnp.int32),
        pltpu.VMEM((_LIST,), jnp.int32),
        pltpu.VMEM((_G,), jnp.int32),
        pltpu.VMEM((_G,), jnp.int32),
        pltpu.VMEM((_G, _D), jnp.float32),
        pltpu.VMEM((_G, _D), jnp.float32),
        pltpu.VMEM((_ZROWS, _D), jnp.float32),
        pltpu.VMEM((_B // _NS,), jnp.float32),
        pltpu.SemaphoreType.DMA,
        pltpu.SemaphoreType.DMA,
        pltpu.VMEM_SHARED((_ACC_ROWS, _D), jnp.float32),
    ],
)(_sc_body)


def _tc_body(p_ref, inv_ref, o_ref):
    o_ref[...] = (p_ref[0] + p_ref[1]) * inv_ref[...]


def _tc_finalize(partial, inv):
    blk = 512
    return pl.pallas_call(
        _tc_body,
        out_shape=jax.ShapeDtypeStruct((_B, _D), jnp.float32),
        grid=(_B // blk,),
        in_specs=[
            pl.BlockSpec((_NC, blk, _D), lambda i: (0, i, 0)),
            pl.BlockSpec((blk, 1), lambda i: (i, 0)),
        ],
        out_specs=pl.BlockSpec((blk, _D), lambda i: (i, 0)),
    )(partial, inv)


@jax.jit
def kernel(dic, offsets, dic_mask, dic_mask_median, weight_h, weight_hash, weight_median):
    code = (dic_mask.reshape(_B).astype(jnp.int32)
            + 2 * dic_mask_median.reshape(_B).astype(jnp.int32))
    partial, inv = _sc_kernel(dic.astype(jnp.int32), offsets.astype(jnp.int32),
                              code, weight_h, weight_hash, weight_median)
    return _tc_finalize(partial, inv.reshape(_B, 1))

# --- scband reference (transcript-rebuilt; emitter-appended) ---
"""Pipeline reference for scband-mlembedding-bag-83107617178482 (READ-ONLY COPY).

The authoritative reference and input builder live on the scoring server;
editing this copy changes nothing except your own understanding.
"""

import jax, jax.numpy as jnp
import numpy as np

HOTN = 100000
MEDIAN_N = 200000
HASH_SIZE = 500000
NUM_CATEGORIES = 1000000
D = 64
B = 4096
L = 20
N = B * L


def setup_inputs(seed: int = 0) -> dict:
    key = jax.random.key(seed)
    k1, k2, k3, k4, k5, k6, k7 = jax.random.split(key, 7)
    dic = jax.random.randint(k1, (N,), 0, NUM_CATEGORIES)
    offsets = jnp.sort(jax.random.randint(k2, (B,), 0, N))
    offsets = offsets.at[0].set(0)
    # masks that the original module obtains from its ctypes hash-table
    # (dic_mask: 'is hot id' per bag; dic_mask_median: 'is median-frequency id' per bag)
    dic_mask = jax.random.bernoulli(k3, 0.1, (B, 1))
    dic_mask_median = jax.random.bernoulli(k4, 0.5, (B, 1))
    bound = float(np.sqrt(1.0 / NUM_CATEGORIES))
    weight_h = jax.random.uniform(k5, (HOTN, D), minval=-bound, maxval=bound, dtype=jnp.float32)
    weight_hash = jax.random.uniform(k6, (HASH_SIZE, D), minval=-bound, maxval=bound, dtype=jnp.float32)
    weight_median = jax.random.uniform(k7, (MEDIAN_N, D), minval=-bound, maxval=bound, dtype=jnp.float32)
    return {
        "dic": dic,
        "offsets": offsets,
        "dic_mask": dic_mask,
        "dic_mask_median": dic_mask_median,
        "weight_h": weight_h,
        "weight_hash": weight_hash,
        "weight_median": weight_median,
    }


def _bag_mean(table, idx, seg, num_bags):
    # F.embedding_bag default mode='mean': gather then per-bag mean
    emb = jnp.take(table, idx, axis=0)
    s = jax.ops.segment_sum(emb, seg, num_segments=num_bags)
    cnt = jax.ops.segment_sum(jnp.ones((idx.shape[0], 1), dtype=emb.dtype), seg, num_segments=num_bags)
    return s / jnp.maximum(cnt, 1.0)


def reference(dic, offsets, dic_mask, dic_mask_median, weight_h, weight_hash, weight_median):
    n = dic.shape[0]
    num_bags = offsets.shape[0]
    # map each flat index position to its bag via the offsets array
    seg = jnp.clip(jnp.searchsorted(offsets, jnp.arange(n), side="right") - 1, 0, num_bags - 1)
    embed_high = _bag_mean(weight_h, dic % HOTN, seg, num_bags)
    embed_hash1 = _bag_mean(weight_hash, dic % HASH_SIZE, seg, num_bags)
    embed_hash2 = _bag_mean(weight_median, dic % MEDIAN_N, seg, num_bags)
    embed_hash2 = jnp.where(dic_mask_median, embed_hash2, 0.0)
    embed = jnp.where(dic_mask, embed_high, embed_hash1 + embed_hash2)
    return embed

if __name__ == "__main__":
    import jax
    _d = setup_inputs()
    print(jax.jit(kernel)(*tuple(_d.values())))

</pallas_src>

<mosaic_0001>
#map = affine_map<(d0, d1) -> (0)>
#map1 = affine_map<(d0, d1) -> (0, 0)>
#map2 = affine_map<(d0, d1) -> (0, 0, 0)>
module attributes {stable_mosaic.version = 14 : i64} {
  func.func @_sc_body(%arg0: i32, %arg1: i32, %arg2: memref<81920xi32, #tpu.memory_space<hbm>>, %arg3: memref<4096xi32, #tpu.memory_space<hbm>>, %arg4: memref<4096xi32, #tpu.memory_space<hbm>>, %arg5: memref<100000x64xf32, #tpu.memory_space<hbm>>, %arg6: memref<500000x64xf32, #tpu.memory_space<hbm>>, %arg7: memref<200000x64xf32, #tpu.memory_space<hbm>>, %arg8: memref<2x4096x64xf32, #tpu.memory_space<hbm>>, %arg9: memref<4096xf32, #tpu.memory_space<hbm>>, %arg10: memref<4096xi32, #tpu.memory_space<vmem>>, %arg11: memref<4096xi32, #tpu.memory_space<vmem>>, %arg12: memref<2560xi32, #tpu.memory_space<vmem>>, %arg13: memref<2704xi32, #tpu.memory_space<vmem>>, %arg14: memref<2704xi32, #tpu.memory_space<vmem>>, %arg15: memref<2704xi32, #tpu.memory_space<vmem>>, %arg16: memref<2704xi32, #tpu.memory_space<vmem>>, %arg17: memref<2704xi32, #tpu.memory_space<vmem>>, %arg18: memref<2704xi32, #tpu.memory_space<vmem>>, %arg19: memref<128xi32, #tpu.memory_space<vmem>>, %arg20: memref<128xi32, #tpu.memory_space<vmem>>, %arg21: memref<128x64xf32, #tpu.memory_space<vmem>>, %arg22: memref<128x64xf32, #tpu.memory_space<vmem>>, %arg23: memref<257x64xf32, #tpu.memory_space<vmem>>, %arg24: memref<256xf32, #tpu.memory_space<vmem>>, %arg25: memref<!tpu.dma_semaphore, #tpu.memory_space<semaphore_mem>>, %arg26: memref<!tpu.dma_semaphore, #tpu.memory_space<semaphore_mem>>, %arg27: memref<4112x64xf32, #tpu.memory_space<vmem_shared>>) attributes {dimension_semantics = [#tpu.dimension_semantics<core_parallel>, #tpu.dimension_semantics<subcore_parallel>], iteration_bounds = array<i64: 2, 16>, scalar_prefetch = 0 : i64, scratch_operands = 18 : i64, tpu.core_type = #tpu.core_type<sc_vector_subcore>, window_params = [{transform_indices = #map}, {transform_indices = #map}, {transform_indices = #map}, {transform_indices = #map1}, {transform_indices = #map1}, {transform_indices = #map1}, {transform_indices = #map2}, {transform_indices = #map}]} {
    %mul3A = arith.constant 2 : i32
    %mul3A_0 = arith.muli %arg1, %mul3A : i32
    %add3A = arith.addi %mul3A_0, %arg0 : i32
    %scan3A = arith.constant 0 : i32
    %scan3A_1 = arith.constant 0 : i32
    %scan3A_2 = arith.constant 257 : i32
    %scan3A_3 = arith.addi %scan3A_1, %scan3A_2 : i32
    %scan3A_4 = arith.constant 1 : i32
    %scan3A_5 = scf.for %scan3A_430 = %scan3A_1 to %scan3A_3 step %scan3A_4 iter_args(%scan3A_431 = %scan3A) -> (i32)  : i32 {
      %broadcast_in_dim3A_432 = arith.constant 0.000000e+00 : f32
      %broadcast_in_dim3A_433 = vector.broadcast %broadcast_in_dim3A_432 : f32 to vector<16xf32>
      %swap3A_434 = arith.index_cast %scan3A_430 : i32 to index
      %swap3A_435 = arith.constant 0 : index
      %swap3A_436 = tpu.vector_load %arg23[%swap3A_434, %swap3A_435] {strides = array<i32>} : memref<257x64xf32, #tpu.memory_space<vmem>>, vector<16xf32>,
      tpu.vector_store %arg23[%swap3A_434, %swap3A_435], %broadcast_in_dim3A_433 {strides = array<i32>} : memref<257x64xf32, #tpu.memory_space<vmem>>, vector<16xf32>,
      %broadcast_in_dim3A_437 = arith.constant 0.000000e+00 : f32
      %broadcast_in_dim3A_438 = vector.broadcast %broadcast_in_dim3A_437 : f32 to vector<16xf32>
      %swap3A_439 = arith.index_cast %scan3A_430 : i32 to index
      %swap3A_440 = arith.constant 16 : index
      %swap3A_441 = tpu.vector_load %arg23[%swap3A_439, %swap3A_440] {strides = array<i32>} : memref<257x64xf32, #tpu.memory_space<vmem>>, vector<16xf32>,
      tpu.vector_store %arg23[%swap3A_439, %swap3A_440], %broadcast_in_dim3A_438 {strides = array<i32>} : memref<257x64xf32, #tpu.memory_space<vmem>>, vector<16xf32>,
      %broadcast_in_dim3A_442 = arith.constant 0.000000e+00 : f32
      %broadcast_in_dim3A_443 = vector.broadcast %broadcast_in_dim3A_442 : f32 to vector<16xf32>
      %swap3A_444 = arith.index_cast %scan3A_430 : i32 to index
      %swap3A_445 = arith.constant 32 : index
      %swap3A_446 = tpu.vector_load %arg23[%swap3A_444, %swap3A_445] {strides = array<i32>} : memref<257x64xf32, #tpu.memory_space<vmem>>, vector<16xf32>,
      tpu.vector_store %arg23[%swap3A_444, %swap3A_445], %broadcast_in_dim3A_443 {strides = array<i32>} : memref<257x64xf32, #tpu.memory_space<vmem>>, vector<16xf32>,
      %broadcast_in_dim3A_447 = arith.constant 0.000000e+00 : f32
      %broadcast_in_dim3A_448 = vector.broadcast %broadcast_in_dim3A_447 : f32 to vector<16xf32>
      %swap3A_449 = arith.index_cast %scan3A_430 : i32 to index
      %swap3A_450 = arith.constant 48 : index
      %swap3A_451 = tpu.vector_load %arg23[%swap3A_449, %swap3A_450] {strides = array<i32>} : memref<257x64xf32, #tpu.memory_space<vmem>>, vector<16xf32>,
      tpu.vector_store %arg23[%swap3A_449, %swap3A_450], %broadcast_in_dim3A_448 {strides = array<i32>} : memref<257x64xf32, #tpu.memory_space<vmem>>, vector<16xf32>,
      %scan3A_452 = arith.constant 0 : i32
      scf.yield %scan3A_452 : i32
    }
    %scan3A_6 = arith.constant 257 : i32
    %mul3A_7 = arith.constant 257 : i32
    %mul3A_8 = arith.muli %arg1, %mul3A_7 : i32
    "tpu.region"() ({
      %run_scoped3A = tpu.sem_alloc : memref<!tpu.dma_semaphore, #tpu.memory_space<semaphore_mem>>
      %dma_start3A = arith.constant 0 : i32
      %dma_start3A_430 = tpu.memref_slice %arg27[%mul3A_8, %dma_start3A] : memref<4112x64xf32, #tpu.memory_space<vmem_shared>> -> memref<257x64xf32, #tpu.memory_space<vmem_shared>>
      %dma_start3A_431 = arith.constant 0 : i32
      %dma_start3A_432 = tpu.memref_slice %arg27[%mul3A_8, %dma_start3A_431] : memref<4112x64xf32, #tpu.memory_space<vmem_shared>> -> memref<257x64xf32, #tpu.memory_space<vmem_shared>>
      tpu.enqueue_dma source(%arg23 : memref<257x64xf32, #tpu.memory_space<vmem>>) target(%dma_start3A_432 : memref<257x64xf32, #tpu.memory_space<vmem_shared>>) target_semaphore(%run_scoped3A : memref<!tpu.dma_semaphore, #tpu.memory_space<semaphore_mem>>)
      %dma_wait3A = arith.constant 0 : i32
      %dma_wait3A_433 = tpu.memref_slice %arg27[%mul3A_8, %dma_wait3A] : memref<4112x64xf32, #tpu.memory_space<vmem_shared>> -> memref<257x64xf32, #tpu.memory_space<vmem_shared>>
      %dma_wait3A_434 = arith.constant 0 : i32
      %dma_wait3A_435 = tpu.memref_slice %arg27[%mul3A_8, %dma_wait3A_434] : memref<4112x64xf32, #tpu.memory_space<vmem_shared>> -> memref<257x64xf32, #tpu.memory_space<vmem_shared>>
      tpu.wait_dma2 semaphore(%run_scoped3A : memref<!tpu.dma_semaphore, #tpu.memory_space<semaphore_mem>>) src(%arg23 : memref<257x64xf32, #tpu.memory_space<vmem>>) dst(%dma_wait3A_435 : memref<257x64xf32, #tpu.memory_space<vmem_shared>>)
      tpu.yield
    }) : () -> ()
    "tpu.region"() ({
      %run_scoped3A = tpu.sem_alloc : memref<!tpu.dma_semaphore, #tpu.memory_space<semaphore_mem>>
      tpu.enqueue_dma source(%arg3 : memref<4096xi32, #tpu.memory_space<hbm>>) target(%arg10 : memref<4096xi32, #tpu.memory_space<vmem>>) target_semaphore(%run_scoped3A : memref<!tpu.dma_semaphore, #tpu.memory_space<semaphore_mem>>)
      tpu.wait_dma2 semaphore(%run_scoped3A : memref<!tpu.dma_semaphore, #tpu.memory_space<semaphore_mem>>) src(%arg3 : memref<4096xi32, #tpu.memory_space<hbm>>) dst(%arg10 : memref<4096xi32, #tpu.memory_space<vmem>>)
      tpu.yield
    }) : () -> ()
    "tpu.region"() ({
      %run_scoped3A = tpu.sem_alloc : memref<!tpu.dma_semaphore, #tpu.memory_space<semaphore_mem>>
      tpu.enqueue_dma source(%arg4 : memref<4096xi32, #tpu.memory_space<hbm>>) target(%arg11 : memref<4096xi32, #tpu.memory_space<vmem>>) target_semaphore(%run_scoped3A : memref<!tpu.dma_semaphore, #tpu.memory_space<semaphore_mem>>)
      tpu.wait_dma2 semaphore(%run_scoped3A : memref<!tpu.dma_semaphore, #tpu.memory_space<semaphore_mem>>) src(%arg4 : memref<4096xi32, #tpu.memory_space<hbm>>) dst(%arg11 : memref<4096xi32, #tpu.memory_space<vmem>>)
      tpu.yield
    }) : () -> ()
    %mul3A_9 = arith.constant 2560 : i32
    %mul3A_10 = arith.muli %add3A, %mul3A_9 : i32
    "tpu.region"() ({
      %run_scoped3A = tpu.sem_alloc : memref<!tpu.dma_semaphore, #tpu.memory_space<semaphore_mem>>
      %dma_start3A = tpu.memref_slice %arg2[%mul3A_10] : memref<81920xi32, #tpu.memory_space<hbm>> -> memref<2560xi32, #tpu.memory_space<hbm>>
      %dma_start3A_430 = tpu.memref_slice %arg2[%mul3A_10] : memref<81920xi32, #tpu.memory_space<hbm>> -> memref<2560xi32, #tpu.memory_space<hbm>>
      tpu.enqueue_dma source(%dma_start3A_430 : memref<2560xi32, #tpu.memory_space<hbm>>) target(%arg12 : memref<2560xi32, #tpu.memory_space<vmem>>) target_semaphore(%run_scoped3A : memref<!tpu.dma_semaphore, #tpu.memory_space<semaphore_mem>>)
      %dma_wait3A = tpu.memref_slice %arg2[%mul3A_10] : memref<81920xi32, #tpu.memory_space<hbm>> -> memref<2560xi32, #tpu.memory_space<hbm>>
      %dma_wait3A_431 = tpu.memref_slice %arg2[%mul3A_10] : memref<81920xi32, #tpu.memory_space<hbm>> -> memref<2560xi32, #tpu.memory_space<hbm>>
      tpu.wait_dma2 semaphore(%run_scoped3A : memref<!tpu.dma_semaphore, #tpu.memory_space<semaphore_mem>>) src(%dma_wait3A_431 : memref<2560xi32, #tpu.memory_space<hbm>>) dst(%arg12 : memref<2560xi32, #tpu.memory_space<vmem>>)
      tpu.yield
    }) : () -> ()
    %barrier3A = arith.constant 0 : index
    tpu.barrier barrier_id(%barrier3A)
    %iota3A = tpu.iota {dimensions = array<i32: 0>} : vector<16xi32>
    %scan3A_11 = arith.constant 0 : i32
    %scan3A_12 = arith.constant 0 : i32
    %scan3A_13 = arith.constant 0 : i32
    %scan3A_14 = arith.constant 0 : i32
    %scan3A_15 = arith.constant 160 : i32
    %scan3A_16 = arith.addi %scan3A_14, %scan3A_15 : i32
    %scan3A_17 = arith.constant 1 : i32
    %scan3A_18:3 = scf.for %scan3A_430 = %scan3A_14 to %scan3A_16 step %scan3A_17 iter_args(%scan3A_431 = %scan3A_11, %scan3A_432 = %scan3A_12, %scan3A_433 = %scan3A_13) -> (i32, i32, i32)  : i32 {
      %mul3A_434 = arith.constant 2560 : i32
      %mul3A_435 = arith.muli %add3A, %mul3A_434 : i32
      %mul3A_436 = arith.constant 16 : i32
      %mul3A_437 = arith.muli %scan3A_430, %mul3A_436 : i32
      %add3A_438 = arith.addi %mul3A_435, %mul3A_437 : i32
      %add3A_439 = vector.broadcast %add3A_438 : i32 to vector<16xi32>
      %add3A_440 = arith.addi %add3A_439, %iota3A : vector<16xi32>
      %broadcast_in_dim3A_441 = arith.constant 0 : i32
      %broadcast_in_dim3A_442 = vector.broadcast %broadcast_in_dim3A_441 : i32 to vector<16xi32>
      %add3A_443 = arith.constant 2048 : i32
      %add3A_444 = vector.broadcast %add3A_443 : i32 to vector<16xi32>
      %add3A_445 = arith.addi %broadcast_in_dim3A_442, %add3A_444 : vector<16xi32>
      %gather3A = tpu.vector_load_idx %arg10[%add3A_445] : memref<4096xi32, #tpu.memory_space<vmem>>[vector<16xi32>], vector<16xi32>,
      %le3A = arith.cmpi sle, %gather3A, %add3A_440 : vector<16xi32>
      %select_n3A_446 = arith.select %le3A, %add3A_445, %broadcast_in_dim3A_442 : vector<16xi1>, vector<16xi32>
      %add3A_447 = arith.constant 1024 : i32
      %add3A_448 = vector.broadcast %add3A_447 : i32 to vector<16xi32>
      %add3A_449 = arith.addi %select_n3A_446, %add3A_448 : vector<16xi32>
      %gather3A_450 = tpu.vector_load_idx %arg10[%add3A_449] : memref<4096xi32, #tpu.memory_space<vmem>>[vector<16xi32>], vector<16xi32>,
      %le3A_451 = arith.cmpi sle, %gather3A_450, %add3A_440 : vector<16xi32>
      %select_n3A_452 = arith.select %le3A_451, %add3A_449, %select_n3A_446 : vector<16xi1>, vector<16xi32>
      %add3A_453 = arith.constant 512 : i32
      %add3A_454 = vector.broadcast %add3A_453 : i32 to vector<16xi32>
      %add3A_455 = arith.addi %select_n3A_452, %add3A_454 : vector<16xi32>
      %gather3A_456 = tpu.vector_load_idx %arg10[%add3A_455] : memref<4096xi32, #tpu.memory_space<vmem>>[vector<16xi32>], vector<16xi32>,
      %le3A_457 = arith.cmpi sle, %gather3A_456, %add3A_440 : vector<16xi32>
      %select_n3A_458 = arith.select %le3A_457, %add3A_455, %select_n3A_452 : vector<16xi1>, vector<16xi32>
      %add3A_459 = arith.constant 256 : i32
      %add3A_460 = vector.broadcast %add3A_459 : i32 to vector<16xi32>
      %add3A_461 = arith.addi %select_n3A_458, %add3A_460 : vector<16xi32>
      %gather3A_462 = tpu.vector_load_idx %arg10[%add3A_461] : memref<4096xi32, #tpu.memory_space<vmem>>[vector<16xi32>], vector<16xi32>,
      %le3A_463 = arith.cmpi sle, %gather3A_462, %add3A_440 : vector<16xi32>
      %select_n3A_464 = arith.select %le3A_463, %add3A_461, %select_n3A_458 : vector<16xi1>, vector<16xi32>
      %add3A_465 = arith.constant 128 : i32
      %add3A_466 = vector.broadcast %add3A_465 : i32 to vector<16xi32>
      %add3A_467 = arith.addi %select_n3A_464, %add3A_466 : vector<16xi32>
      %gather3A_468 = tpu.vector_load_idx %arg10[%add3A_467] : memref<4096xi32, #tpu.memory_space<vmem>>[vector<16xi32>], vector<16xi32>,
      %le3A_469 = arith.cmpi sle, %gather3A_468, %add3A_440 : vector<16xi32>
      %select_n3A_470 = arith.select %le3A_469, %add3A_467, %select_n3A_464 : vector<16xi1>, vector<16xi32>
      %add3A_471 = arith.constant 64 : i32
      %add3A_472 = vector.broadcast %add3A_471 : i32 to vector<16xi32>
      %add3A_473 = arith.addi %select_n3A_470, %add3A_472 : vector<16xi32>
      %gather3A_474 = tpu.vector_load_idx %arg10[%add3A_473] : memref<4096xi32, #tpu.memory_space<vmem>>[vector<16xi32>], vector<16xi32>,
      %le3A_475 = arith.cmpi sle, %gather3A_474, %add3A_440 : vector<16xi32>
      %select_n3A_476 = arith.select %le3A_475, %add3A_473, %select_n3A_470 : vector<16xi1>, vector<16xi32>
      %add3A_477 = arith.constant 32 : i32
      %add3A_478 = vector.broadcast %add3A_477 : i32 to vector<16xi32>
      %add3A_479 = arith.addi %select_n3A_476, %add3A_478 : vector<16xi32>
      %gather3A_480 = tpu.vector_load_idx %arg10[%add3A_479] : memref<4096xi32, #tpu.memory_space<vmem>>[vector<16xi32>], vector<16xi32>,
      %le3A_481 = arith.cmpi sle, %gather3A_480, %add3A_440 : vector<16xi32>
      %select_n3A_482 = arith.select %le3A_481, %add3A_479, %select_n3A_476 : vector<16xi1>, vector<16xi32>
      %add3A_483 = arith.constant 16 : i32
      %add3A_484 = vector.broadcast %add3A_483 : i32 to vector<16xi32>
      %add3A_485 = arith.addi %select_n3A_482, %add3A_484 : vector<16xi32>
      %gather3A_486 = tpu.vector_load_idx %arg10[%add3A_485] : memref<4096xi32, #tpu.memory_space<vmem>>[vector<16xi32>], vector<16xi32>,
      %le3A_487 = arith.cmpi sle, %gather3A_486, %add3A_440 : vector<16xi32>
      %select_n3A_488 = arith.select %le3A_487, %add3A_485, %select_n3A_482 : vector<16xi1>, vector<16xi32>
      %add3A_489 = arith.constant 8 : i32
      %add3A_490 = vector.broadcast %add3A_489 : i32 to vector<16xi32>
      %add3A_491 = arith.addi %select_n3A_488, %add3A_490 : vector<16xi32>
      %gather3A_492 = tpu.vector_load_idx %arg10[%add3A_491] : memref<4096xi32, #tpu.memory_space<vmem>>[vector<16xi32>], vector<16xi32>,
      %le3A_493 = arith.cmpi sle, %gather3A_492, %add3A_440 : vector<16xi32>
      %select_n3A_494 = arith.select %le3A_493, %add3A_491, %select_n3A_488 : vector<16xi1>, vector<16xi32>
      %add3A_495 = arith.constant 4 : i32
      %add3A_496 = vector.broadcast %add3A_495 : i32 to vector<16xi32>
      %add3A_497 = arith.addi %select_n3A_494, %add3A_496 : vector<16xi32>
      %gather3A_498 = tpu.vector_load_idx %arg10[%add3A_497] : memref<4096xi32, #tpu.memory_space<vmem>>[vector<16xi32>], vector<16xi32>,
      %le3A_499 = arith.cmpi sle, %gather3A_498, %add3A_440 : vector<16xi32>
      %select_n3A_500 = arith.select %le3A_499, %add3A_497, %select_n3A_494 : vector<16xi1>, vector<16xi32>
      %add3A_501 = arith.constant 2 : i32
      %add3A_502 = vector.broadcast %add3A_501 : i32 to vector<16xi32>
      %add3A_503 = arith.addi %select_n3A_500, %add3A_502 : vector<16xi32>
      %gather3A_504 = tpu.vector_load_idx %arg10[%add3A_503] : memref<4096xi32, #tpu.memory_space<vmem>>[vector<16xi32>], vector<16xi32>,
      %le3A_505 = arith.cmpi sle, %gather3A_504, %add3A_440 : vector<16xi32>
      %select_n3A_506 = arith.select %le3A_505, %add3A_503, %select_n3A_500 : vector<16xi1>, vector<16xi32>
      %add3A_507 = arith.constant 1 : i32
      %add3A_508 = vector.broadcast %add3A_507 : i32 to vector<16xi32>
      %add3A_509 = arith.addi %select_n3A_506, %add3A_508 : vector<16xi32>
      %gather3A_510 = tpu.vector_load_idx %arg10[%add3A_509] : memref<4096xi32, #tpu.memory_space<vmem>>[vector<16xi32>], vector<16xi32>,
      %le3A_511 = arith.cmpi sle, %gather3A_510, %add3A_440 : vector<16xi32>
      %select_n3A_512 = arith.select %le3A_511, %add3A_509, %select_n3A_506 : vector<16xi1>, vector<16xi32>
      %gather3A_513 = tpu.vector_load_idx %arg11[%select_n3A_512] : memref<4096xi32, #tpu.memory_space<vmem>>[vector<16xi32>], vector<16xi32>,
      %and3A_514 = arith.constant 1 : i32
      %and3A_515 = vector.broadcast %and3A_514 : i32 to vector<16xi32>
      %and3A_516 = arith.andi %gather3A_513, %and3A_515 : vector<16xi32>
      %ne3A_517 = arith.constant 0 : i32
      %ne3A_518 = vector.broadcast %ne3A_517 : i32 to vector<16xi32>
      %ne3A_519 = arith.cmpi ne, %and3A_516, %ne3A_518 : vector<16xi32>
      %mul3A_520 = arith.constant 16 : i32
      %mul3A_521 = arith.muli %scan3A_430, %mul3A_520 : i32
      %get3A = arith.index_cast %mul3A_521 : i32 to index
      %get3A_522 = tpu.vector_load %arg12[%get3A] {strides = array<i32>} : memref<2560xi32, #tpu.memory_space<vmem>>, vector<16xi32>,
      %not3A = arith.constant dense<true> : vector<16xi1>
      %not3A_523 = arith.xori %ne3A_519, %not3A : vector<16xi1>
      %eq3A_524 = arith.constant 2 : i32
      %eq3A_525 = vector.broadcast %eq3A_524 : i32 to vector<16xi32>
      %eq3A_526 = arith.cmpi eq, %gather3A_513, %eq3A_525 : vector<16xi32>
      %jit3A_527 = arith.constant 100000 : i32
      %eq3A_528 = arith.constant 0 : i32
      %eq3A_529 = arith.cmpi eq, %jit3A_527, %eq3A_528 : i32
      %jit3A_530 = arith.constant 1 : i32
      %select_n3A_531 = arith.select %eq3A_529, %jit3A_530, %jit3A_527 : i32
      %rem3A_532 = vector.broadcast %select_n3A_531 : i32 to vector<16xi32>
      %rem3A_533 = arith.remsi %get3A_522, %rem3A_532 : vector<16xi32>
      %ne3A_534 = arith.constant 0 : i32
      %ne3A_535 = vector.broadcast %ne3A_534 : i32 to vector<16xi32>
      %ne3A_536 = arith.cmpi ne, %rem3A_533, %ne3A_535 : vector<16xi32>
      %lt3A = arith.constant 0 : i32
      %lt3A_537 = vector.broadcast %lt3A : i32 to vector<16xi32>
      %lt3A_538 = arith.cmpi slt, %rem3A_533, %lt3A_537 : vector<16xi32>
      %lt3A_539 = arith.constant 0 : i32
      %lt3A_540 = arith.cmpi slt, %select_n3A_531, %lt3A_539 : i32
      %ne3A_541 = vector.broadcast %lt3A_540 : i1 to vector<16xi1>
      %ne3A_542 = vector.broadcast %ne3A_541 : vector<16xi1> to vector<16xi1>
      %ne3A_543 = arith.xori %lt3A_538, %ne3A_542 : vector<16xi1>
      %and3A_544 = arith.andi %ne3A_543, %ne3A_536 : vector<16xi1>
      %add3A_545 = vector.broadcast %select_n3A_531 : i32 to vector<16xi32>
      %add3A_546 = arith.addi %rem3A_533, %add3A_545 : vector<16xi32>
      %select_n3A_547 = arith.select %and3A_544, %add3A_546, %rem3A_533 : vector<16xi1>, vector<16xi32>
      %swap3A_548 = arith.index_cast %scan3A_431 : i32 to index
      %swap3A_549 = tpu.vector_load %arg13[%swap3A_548] masked %ne3A_519 {strides = array<i32>} : memref<2704xi32, #tpu.memory_space<vmem>>, vector<16xi32>, vector<16xi1>
      tpu.vector_store %arg13[%swap3A_548], %select_n3A_547 masked %ne3A_519 {strides = array<i32>} : memref<2704xi32, #tpu.memory_space<vmem>>, vector<16xi32>, vector<16xi1>
      %swap3A_550 = arith.index_cast %scan3A_431 : i32 to index
      %swap3A_551 = tpu.vector_load %arg14[%swap3A_550] masked %ne3A_519 {strides = array<i32>} : memref<2704xi32, #tpu.memory_space<vmem>>, vector<16xi32>, vector<16xi1>
      tpu.vector_store %arg14[%swap3A_550], %select_n3A_512 masked %ne3A_519 {strides = array<i32>} : memref<2704xi32, #tpu.memory_space<vmem>>, vector<16xi32>, vector<16xi1>
      %jit3A_552 = arith.constant 500000 : i32
      %eq3A_553 = arith.constant 0 : i32
      %eq3A_554 = arith.cmpi eq, %jit3A_552, %eq3A_553 : i32
      %jit3A_555 = arith.constant 1 : i32
      %select_n3A_556 = arith.select %eq3A_554, %jit3A_555, %jit3A_552 : i32
      %rem3A_557 = vector.broadcast %select_n3A_556 : i32 to vector<16xi32>
      %rem3A_558 = arith.remsi %get3A_522, %rem3A_557 : vector<16xi32>
      %ne3A_559 = arith.constant 0 : i32
      %ne3A_560 = vector.broadcast %ne3A_559 : i32 to vector<16xi32>
      %ne3A_561 = arith.cmpi ne, %rem3A_558, %ne3A_560 : vector<16xi32>
      %lt3A_562 = arith.constant 0 : i32
      %lt3A_563 = vector.broadcast %lt3A_562 : i32 to vector<16xi32>
      %lt3A_564 = arith.cmpi slt, %rem3A_558, %lt3A_563 : vector<16xi32>
      %lt3A_565 = arith.constant 0 : i32
      %lt3A_566 = arith.cmpi slt, %select_n3A_556, %lt3A_565 : i32
      %ne3A_567 = vector.broadcast %lt3A_566 : i1 to vector<16xi1>
      %ne3A_568 = vector.broadcast %ne3A_567 : vector<16xi1> to vector<16xi1>
      %ne3A_569 = arith.xori %lt3A_564, %ne3A_568 : vector<16xi1>
      %and3A_570 = arith.andi %ne3A_569, %ne3A_561 : vector<16xi1>
      %add3A_571 = vector.broadcast %select_n3A_556 : i32 to vector<16xi32>
      %add3A_572 = arith.addi %rem3A_558, %add3A_571 : vector<16xi32>
      %select_n3A_573 = arith.select %and3A_570, %add3A_572, %rem3A_558 : vector<16xi1>, vector<16xi32>
      %swap3A_574 = arith.index_cast %scan3A_432 : i32 to index
      %swap3A_575 = tpu.vector_load %arg15[%swap3A_574] masked %not3A_523 {strides = array<i32>} : memref<2704xi32, #tpu.memory_space<vmem>>, vector<16xi32>, vector<16xi1>
      tpu.vector_store %arg15[%swap3A_574], %select_n3A_573 masked %not3A_523 {strides = array<i32>} : memref<2704xi32, #tpu.memory_space<vmem>>, vector<16xi32>, vector<16xi1>
      %swap3A_576 = arith.index_cast %scan3A_432 : i32 to index
      %swap3A_577 = tpu.vector_load %arg16[%swap3A_576] masked %not3A_523 {strides = array<i32>} : memref<2704xi32, #tpu.memory_space<vmem>>, vector<16xi32>, vector<16xi1>
      tpu.vector_store %arg16[%swap3A_576], %select_n3A_512 masked %not3A_523 {strides = array<i32>} : memref<2704xi32, #tpu.memory_space<vmem>>, vector<16xi32>, vector<16xi1>
      %jit3A_578 = arith.constant 200000 : i32
      %eq3A_579 = arith.constant 0 : i32
      %eq3A_580 = arith.cmpi eq, %jit3A_578, %eq3A_579 : i32
      %jit3A_581 = arith.constant 1 : i32
      %select_n3A_582 = arith.select %eq3A_580, %jit3A_581, %jit3A_578 : i32
      %rem3A_583 = vector.broadcast %select_n3A_582 : i32 to vector<16xi32>
      %rem3A_584 = arith.remsi %get3A_522, %rem3A_583 : vector<16xi32>
      %ne3A_585 = arith.constant 0 : i32
      %ne3A_586 = vector.broadcast %ne3A_585 : i32 to vector<16xi32>
      %ne3A_587 = arith.cmpi ne, %rem3A_584, %ne3A_586 : vector<16xi32>
      %lt3A_588 = arith.constant 0 : i32
      %lt3A_589 = vector.broadcast %lt3A_588 : i32 to vector<16xi32>
      %lt3A_590 = arith.cmpi slt, %rem3A_584, %lt3A_589 : vector<16xi32>
      %lt3A_591 = arith.constant 0 : i32
      %lt3A_592 = arith.cmpi slt, %select_n3A_582, %lt3A_591 : i32
      %ne3A_593 = vector.broadcast %lt3A_592 : i1 to vector<16xi1>
      %ne3A_594 = vector.broadcast %ne3A_593 : vector<16xi1> to vector<16xi1>
      %ne3A_595 = arith.xori %lt3A_590, %ne3A_594 : vector<16xi1>
      %and3A_596 = arith.andi %ne3A_595, %ne3A_587 : vector<16xi1>
      %add3A_597 = vector.broadcast %select_n3A_582 : i32 to vector<16xi32>
      %add3A_598 = arith.addi %rem3A_584, %add3A_597 : vector<16xi32>
      %select_n3A_599 = arith.select %and3A_596, %add3A_598, %rem3A_584 : vector<16xi1>, vector<16xi32>
      %swap3A_600 = arith.index_cast %scan3A_433 : i32 to index
      %swap3A_601 = tpu.vector_load %arg17[%swap3A_600] masked %eq3A_526 {strides = array<i32>} : memref<2704xi32, #tpu.memory_space<vmem>>, vector<16xi32>, vector<16xi1>
      tpu.vector_store %arg17[%swap3A_600], %select_n3A_599 masked %eq3A_526 {strides = array<i32>} : memref<2704xi32, #tpu.memory_space<vmem>>, vector<16xi32>, vector<16xi1>
      %swap3A_602 = arith.index_cast %scan3A_433 : i32 to index
      %swap3A_603 = tpu.vector_load %arg18[%swap3A_602] masked %eq3A_526 {strides = array<i32>} : memref<2704xi32, #tpu.memory_space<vmem>>, vector<16xi32>, vector<16xi1>
      tpu.vector_store %arg18[%swap3A_602], %select_n3A_512 masked %eq3A_526 {strides = array<i32>} : memref<2704xi32, #tpu.memory_space<vmem>>, vector<16xi32>, vector<16xi1>
      %convert_element_type3A_604 = arith.extui %ne3A_519 : vector<16xi1> to vector<16xi32>
      %reduce_sum3A = arith.constant true
      %reduce_sum3A_605 = vector.broadcast %reduce_sum3A : i1 to vector<16xi1>
      %reduce_sum3A_606 = tpu.scan <sum>, %convert_element_type3A_604 masked %reduce_sum3A_605 : vector<16xi32>, vector<16xi1> -> vector<16xi32>
      %reduce_sum3A_607 = vector.extract %reduce_sum3A_606[15] : i32 from vector<16xi32>
      %add3A_608 = arith.addi %scan3A_431, %reduce_sum3A_607 : i32
      %convert_element_type3A_609 = arith.extui %not3A_523 : vector<16xi1> to vector<16xi32>
      %reduce_sum3A_610 = arith.constant true
      %reduce_sum3A_611 = vector.broadcast %reduce_sum3A_610 : i1 to vector<16xi1>
      %reduce_sum3A_612 = tpu.scan <sum>, %convert_element_type3A_609 masked %reduce_sum3A_611 : vector<16xi32>, vector<16xi1> -> vector<16xi32>
      %reduce_sum3A_613 = vector.extract %reduce_sum3A_612[15] : i32 from vector<16xi32>
      %add3A_614 = arith.addi %scan3A_432, %reduce_sum3A_613 : i32
      %convert_element_type3A_615 = arith.extui %eq3A_526 : vector<16xi1> to vector<16xi32>
      %reduce_sum3A_616 = arith.constant true
      %reduce_sum3A_617 = vector.broadcast %reduce_sum3A_616 : i1 to vector<16xi1>
      %reduce_sum3A_618 = tpu.scan <sum>, %convert_element_type3A_615 masked %reduce_sum3A_617 : vector<16xi32>, vector<16xi1> -> vector<16xi32>
      %reduce_sum3A_619 = vector.extract %reduce_sum3A_618[15] : i32 from vector<16xi32>
      %add3A_620 = arith.addi %scan3A_433, %reduce_sum3A_619 : i32
      scf.yield %add3A_608, %add3A_614, %add3A_620 : i32, i32, i32
    }
    %scan3A_19 = arith.constant 160 : i32
    %broadcast_in_dim3A = arith.constant 0 : i32
    %broadcast_in_dim3A_20 = vector.broadcast %broadcast_in_dim3A : i32 to vector<16xi32>
    %broadcast_in_dim3A_21 = arith.constant 4096 : i32
    %broadcast_in_dim3A_22 = vector.broadcast %broadcast_in_dim3A_21 : i32 to vector<16xi32>
    %ge3A = arith.constant 0 : i32
    %ge3A_23 = vector.broadcast %ge3A : i32 to vector<16xi32>
    %ge3A_24 = arith.cmpi sge, %iota3A, %ge3A_23 : vector<16xi32>
    %add3A_25 = arith.constant 0 : i32
    %add3A_26 = arith.addi %scan3A_18#0, %add3A_25 : i32
    %swap3A = arith.index_cast %add3A_26 : i32 to index
    %swap3A_27 = tpu.vector_load %arg13[%swap3A] masked %ge3A_24 {strides = array<i32>} : memref<2704xi32, #tpu.memory_space<vmem>>, vector<16xi32>, vector<16xi1>
    tpu.vector_store %arg13[%swap3A], %broadcast_in_dim3A_20 masked %ge3A_24 {strides = array<i32>} : memref<2704xi32, #tpu.memory_space<vmem>>, vector<16xi32>, vector<16xi1>
    %add3A_28 = arith.constant 0 : i32
    %add3A_29 = arith.addi %scan3A_18#0, %add3A_28 : i32
    %swap3A_30 = arith.index_cast %add3A_29 : i32 to index
    %swap3A_31 = tpu.vector_load %arg14[%swap3A_30] masked %ge3A_24 {strides = array<i32>} : memref<2704xi32, #tpu.memory_space<vmem>>, vector<16xi32>, vector<16xi1>
    tpu.vector_store %arg14[%swap3A_30], %broadcast_in_dim3A_22 masked %ge3A_24 {strides = array<i32>} : memref<2704xi32, #tpu.memory_space<vmem>>, vector<16xi32>, vector<16xi1>
    %add3A_32 = arith.constant 16 : i32
    %add3A_33 = arith.addi %scan3A_18#0, %add3A_32 : i32
    %swap3A_34 = arith.index_cast %add3A_33 : i32 to index
    %swap3A_35 = tpu.vector_load %arg13[%swap3A_34] masked %ge3A_24 {strides = array<i32>} : memref<2704xi32, #tpu.memory_space<vmem>>, vector<16xi32>, vector<16xi1>
    tpu.vector_store %arg13[%swap3A_34], %broadcast_in_dim3A_20 masked %ge3A_24 {strides = array<i32>} : memref<2704xi32, #tpu.memory_space<vmem>>, vector<16xi32>, vector<16xi1>
    %add3A_36 = arith.constant 16 : i32
    %add3A_37 = arith.addi %scan3A_18#0, %add3A_36 : i32
    %swap3A_38 = arith.index_cast %add3A_37 : i32 to index
    %swap3A_39 = tpu.vector_load %arg14[%swap3A_38] masked %ge3A_24 {strides = array<i32>} : memref<2704xi32, #tpu.memory_space<vmem>>, vector<16xi32>, vector<16xi1>
    tpu.vector_store %arg14[%swap3A_38], %broadcast_in_dim3A_22 masked %ge3A_24 {strides = array<i32>} : memref<2704xi32, #tpu.memory_space<vmem>>, vector<16xi32>, vector<16xi1>
    %add3A_40 = arith.constant 32 : i32
    %add3A_41 = arith.addi %scan3A_18#0, %add3A_40 : i32
    %swap3A_42 = arith.index_cast %add3A_41 : i32 to index
    %swap3A_43 = tpu.vector_load %arg13[%swap3A_42] masked %ge3A_24 {strides = array<i32>} : memref<2704xi32, #tpu.memory_space<vmem>>, vector<16xi32>, vector<16xi1>
    tpu.vector_store %arg13[%swap3A_42], %broadcast_in_dim3A_20 masked %ge3A_24 {strides = array<i32>} : memref<2704xi32, #tpu.memory_space<vmem>>, vector<16xi32>, vector<16xi1>
    %add3A_44 = arith.constant 32 : i32
    %add3A_45 = arith.addi %scan3A_18#0, %add3A_44 : i32
    %swap3A_46 = arith.index_cast %add3A_45 : i32 to index
    %swap3A_47 = tpu.vector_load %arg14[%swap3A_46] masked %ge3A_24 {strides = array<i32>} : memref<2704xi32, #tpu.memory_space<vmem>>, vector<16xi32>, vector<16xi1>
    tpu.vector_store %arg14[%swap3A_46], %broadcast_in_dim3A_22 masked %ge3A_24 {strides = array<i32>} : memref<2704xi32, #tpu.memory_space<vmem>>, vector<16xi32>, vector<16xi1>
    %add3A_48 = arith.constant 48 : i32
    %add3A_49 = arith.addi %scan3A_18#0, %add3A_48 : i32
    %swap3A_50 = arith.index_cast %add3A_49 : i32 to index
    %swap3A_51 = tpu.vector_load %arg13[%swap3A_50] masked %ge3A_24 {strides = array<i32>} : memref<2704xi32, #tpu.memory_space<vmem>>, vector<16xi32>, vector<16xi1>
    tpu.vector_store %arg13[%swap3A_50], %broadcast_in_dim3A_20 masked %ge3A_24 {strides = array<i32>} : memref<2704xi32, #tpu.memory_space<vmem>>, vector<16xi32>, vector<16xi1>
    %add3A_52 = arith.constant 48 : i32
    %add3A_53 = arith.addi %scan3A_18#0, %add3A_52 : i32
    %swap3A_54 = arith.index_cast %add3A_53 : i32 to index
    %swap3A_55 = tpu.vector_load %arg14[%swap3A_54] masked %ge3A_24 {strides = array<i32>} : memref<2704xi32, #tpu.memory_space<vmem>>, vector<16xi32>, vector<16xi1>
    tpu.vector_store %arg14[%swap3A_54], %broadcast_in_dim3A_22 masked %ge3A_24 {strides = array<i32>} : memref<2704xi32, #tpu.memory_space<vmem>>, vector<16xi32>, vector<16xi1>
    %add3A_56 = arith.constant 64 : i32
    %add3A_57 = arith.addi %scan3A_18#0, %add3A_56 : i32
    %swap3A_58 = arith.index_cast %add3A_57 : i32 to index
    %swap3A_59 = tpu.vector_load %arg13[%swap3A_58] masked %ge3A_24 {strides = array<i32>} : memref<2704xi32, #tpu.memory_space<vmem>>, vector<16xi32>, vector<16xi1>
    tpu.vector_store %arg13[%swap3A_58], %broadcast_in_dim3A_20 masked %ge3A_24 {strides = array<i32>} : memref<2704xi32, #tpu.memory_space<vmem>>, vector<16xi32>, vector<16xi1>
    %add3A_60 = arith.constant 64 : i32
    %add3A_61 = arith.addi %scan3A_18#0, %add3A_60 : i32
    %swap3A_62 = arith.index_cast %add3A_61 : i32 to index
    %swap3A_63 = tpu.vector_load %arg14[%swap3A_62] masked %ge3A_24 {strides = array<i32>} : memref<2704xi32, #tpu.memory_space<vmem>>, vector<16xi32>, vector<16xi1>
    tpu.vector_store %arg14[%swap3A_62], %broadcast_in_dim3A_22 masked %ge3A_24 {strides = array<i32>} : memref<2704xi32, #tpu.memory_space<vmem>>, vector<16xi32>, vector<16xi1>
    %add3A_64 = arith.constant 80 : i32
    %add3A_65 = arith.addi %scan3A_18#0, %add3A_64 : i32
    %swap3A_66 = arith.index_cast %add3A_65 : i32 to index
    %swap3A_67 = tpu.vector_load %arg13[%swap3A_66] masked %ge3A_24 {strides = array<i32>} : memref<2704xi32, #tpu.memory_space<vmem>>, vector<16xi32>, vector<16xi1>
    tpu.vector_store %arg13[%swap3A_66], %broadcast_in_dim3A_20 masked %ge3A_24 {strides = array<i32>} : memref<2704xi32, #tpu.memory_space<vmem>>, vector<16xi32>, vector<16xi1>
    %add3A_68 = arith.constant 80 : i32
    %add3A_69 = arith.addi %scan3A_18#0, %add3A_68 : i32
    %swap3A_70 = arith.index_cast %add3A_69 : i32 to index
    %swap3A_71 = tpu.vector_load %arg14[%swap3A_70] masked %ge3A_24 {strides = array<i32>} : memref<2704xi32, #tpu.memory_space<vmem>>, vector<16xi32>, vector<16xi1>
    tpu.vector_store %arg14[%swap3A_70], %broadcast_in_dim3A_22 masked %ge3A_24 {strides = array<i32>} : memref<2704xi32, #tpu.memory_space<vmem>>, vector<16xi32>, vector<16xi1>
    %add3A_72 = arith.constant 96 : i32
    %add3A_73 = arith.addi %scan3A_18#0, %add3A_72 : i32
    %swap3A_74 = arith.index_cast %add3A_73 : i32 to index
    %swap3A_75 = tpu.vector_load %arg13[%swap3A_74] masked %ge3A_24 {strides = array<i32>} : memref<2704xi32, #tpu.memory_space<vmem>>, vector<16xi32>, vector<16xi1>
    tpu.vector_store %arg13[%swap3A_74], %broadcast_in_dim3A_20 masked %ge3A_24 {strides = array<i32>} : memref<2704xi32, #tpu.memory_space<vmem>>, vector<16xi32>, vector<16xi1>
    %add3A_76 = arith.constant 96 : i32
    %add3A_77 = arith.addi %scan3A_18#0, %add3A_76 : i32
    %swap3A_78 = arith.index_cast %add3A_77 : i32 to index
    %swap3A_79 = tpu.vector_load %arg14[%swap3A_78] masked %ge3A_24 {strides = array<i32>} : memref<2704xi32, #tpu.memory_space<vmem>>, vector<16xi32>, vector<16xi1>
    tpu.vector_store %arg14[%swap3A_78], %broadcast_in_dim3A_22 masked %ge3A_24 {strides = array<i32>} : memref<2704xi32, #tpu.memory_space<vmem>>, vector<16xi32>, vector<16xi1>
    %add3A_80 = arith.constant 112 : i32
    %add3A_81 = arith.addi %scan3A_18#0, %add3A_80 : i32
    %swap3A_82 = arith.index_cast %add3A_81 : i32 to index
    %swap3A_83 = tpu.vector_load %arg13[%swap3A_82] masked %ge3A_24 {strides = array<i32>} : memref<2704xi32, #tpu.memory_space<vmem>>, vector<16xi32>, vector<16xi1>
    tpu.vector_store %arg13[%swap3A_82], %broadcast_in_dim3A_20 masked %ge3A_24 {strides = array<i32>} : memref<2704xi32, #tpu.memory_space<vmem>>, vector<16xi32>, vector<16xi1>
    %add3A_84 = arith.constant 112 : i32
    %add3A_85 = arith.addi %scan3A_18#0, %add3A_84 : i32
    %swap3A_86 = arith.index_cast %add3A_85 : i32 to index
    %swap3A_87 = tpu.vector_load %arg14[%swap3A_86] masked %ge3A_24 {strides = array<i32>} : memref<2704xi32, #tpu.memory_space<vmem>>, vector<16xi32>, vector<16xi1>
    tpu.vector_store %arg14[%swap3A_86], %broadcast_in_dim3A_22 masked %ge3A_24 {strides = array<i32>} : memref<2704xi32, #tpu.memory_space<vmem>>, vector<16xi32>, vector<16xi1>
    %add3A_88 = arith.constant 0 : i32
    %add3A_89 = arith.addi %scan3A_18#1, %add3A_88 : i32
    %swap3A_90 = arith.index_cast %add3A_89 : i32 to index
    %swap3A_91 = tpu.vector_load %arg15[%swap3A_90] masked %ge3A_24 {strides = array<i32>} : memref<2704xi32, #tpu.memory_space<vmem>>, vector<16xi32>, vector<16xi1>
    tpu.vector_store %arg15[%swap3A_90], %broadcast_in_dim3A_20 masked %ge3A_24 {strides = array<i32>} : memref<2704xi32, #tpu.memory_space<vmem>>, vector<16xi32>, vector<16xi1>
    %add3A_92 = arith.constant 0 : i32
    %add3A_93 = arith.addi %scan3A_18#1, %add3A_92 : i32
    %swap3A_94 = arith.index_cast %add3A_93 : i32 to index
    %swap3A_95 = tpu.vector_load %arg16[%swap3A_94] masked %ge3A_24 {strides = array<i32>} : memref<2704xi32, #tpu.memory_space<vmem>>, vector<16xi32>, vector<16xi1>
    tpu.vector_store %arg16[%swap3A_94], %broadcast_in_dim3A_22 masked %ge3A_24 {strides = array<i32>} : memref<2704xi32, #tpu.memory_space<vmem>>, vector<16xi32>, vector<16xi1>
    %add3A_96 = arith.constant 16 : i32
    %add3A_97 = arith.addi %scan3A_18#1, %add3A_96 : i32
    %swap3A_98 = arith.index_cast %add3A_97 : i32 to index
    %swap3A_99 = tpu.vector_load %arg15[%swap3A_98] masked %ge3A_24 {strides = array<i32>} : memref<2704xi32, #tpu.memory_space<vmem>>, vector<16xi32>, vector<16xi1>
    tpu.vector_store %arg15[%swap3A_98], %broadcast_in_dim3A_20 masked %ge3A_24 {strides = array<i32>} : memref<2704xi32, #tpu.memory_space<vmem>>, vector<16xi32>, vector<16xi1>
    %add3A_100 = arith.constant 16 : i32
    %add3A_101 = arith.addi %scan3A_18#1, %add3A_100 : i32
    %swap3A_102 = arith.index_cast %add3A_101 : i32 to index
    %swap3A_103 = tpu.vector_load %arg16[%swap3A_102] masked %ge3A_24 {strides = array<i32>} : memref<2704xi32, #tpu.memory_space<vmem>>, vector<16xi32>, vector<16xi1>
    tpu.vector_store %arg16[%swap3A_102], %broadcast_in_dim3A_22 masked %ge3A_24 {strides = array<i32>} : memref<2704xi32, #tpu.memory_space<vmem>>, vector<16xi32>, vector<16xi1>
    %add3A_104 = arith.constant 32 : i32
    %add3A_105 = arith.addi %scan3A_18#1, %add3A_104 : i32
    %swap3A_106 = arith.index_cast %add3A_105 : i32 to index
    %swap3A_107 = tpu.vector_load %arg15[%swap3A_106] masked %ge3A_24 {strides = array<i32>} : memref<2704xi32, #tpu.memory_space<vmem>>, vector<16xi32>, vector<16xi1>
    tpu.vector_store %arg15[%swap3A_106], %broadcast_in_dim3A_20 masked %ge3A_24 {strides = array<i32>} : memref<2704xi32, #tpu.memory_space<vmem>>, vector<16xi32>, vector<16xi1>
    %add3A_108 = arith.constant 32 : i32
    %add3A_109 = arith.addi %scan3A_18#1, %add3A_108 : i32
    %swap3A_110 = arith.index_cast %add3A_109 : i32 to index
    %swap3A_111 = tpu.vector_load %arg16[%swap3A_110] masked %ge3A_24 {strides = array<i32>} : memref<2704xi32, #tpu.memory_space<vmem>>, vector<16xi32>, vector<16xi1>
    tpu.vector_store %arg16[%swap3A_110], %broadcast_in_dim3A_22 masked %ge3A_24 {strides = array<i32>} : memref<2704xi32, #tpu.memory_space<vmem>>, vector<16xi32>, vector<16xi1>
    %add3A_112 = arith.constant 48 : i32
    %add3A_113 = arith.addi %scan3A_18#1, %add3A_112 : i32
    %swap3A_114 = arith.index_cast %add3A_113 : i32 to index
    %swap3A_115 = tpu.vector_load %arg15[%swap3A_114] masked %ge3A_24 {strides = array<i32>} : memref<2704xi32, #tpu.memory_space<vmem>>, vector<16xi32>, vector<16xi1>
    tpu.vector_store %arg15[%swap3A_114], %broadcast_in_dim3A_20 masked %ge3A_24 {strides = array<i32>} : memref<2704xi32, #tpu.memory_space<vmem>>, vector<16xi32>, vector<16xi1>
    %add3A_116 = arith.constant 48 : i32
    %add3A_117 = arith.addi %scan3A_18#1, %add3A_116 : i32
    %swap3A_118 = arith.index_cast %add3A_117 : i32 to index
    %swap3A_119 = tpu.vector_load %arg16[%swap3A_118] masked %ge3A_24 {strides = array<i32>} : memref<2704xi32, #tpu.memory_space<vmem>>, vector<16xi32>, vector<16xi1>
    tpu.vector_store %arg16[%swap3A_118], %broadcast_in_dim3A_22 masked %ge3A_24 {strides = array<i32>} : memref<2704xi32, #tpu.memory_space<vmem>>, vector<16xi32>, vector<16xi1>
    %add3A_120 = arith.constant 64 : i32
    %add3A_121 = arith.addi %scan3A_18#1, %add3A_120 : i32
    %swap3A_122 = arith.index_cast %add3A_121 : i32 to index
    %swap3A_123 = tpu.vector_load %arg15[%swap3A_122] masked %ge3A_24 {strides = array<i32>} : memref<2704xi32, #tpu.memory_space<vmem>>, vector<16xi32>, vector<16xi1>
    tpu.vector_store %arg15[%swap3A_122], %broadcast_in_dim3A_20 masked %ge3A_24 {strides = array<i32>} : memref<2704xi32, #tpu.memory_space<vmem>>, vector<16xi32>, vector<16xi1>
    %add3A_124 = arith.constant 64 : i32
    %add3A_125 = arith.addi %scan3A_18#1, %add3A_124 : i32
    %swap3A_126 = arith.index_cast %add3A_125 : i32 to index
    %swap3A_127 = tpu.vector_load %arg16[%swap3A_126] masked %ge3A_24 {strides = array<i32>} : memref<2704xi32, #tpu.memory_space<vmem>>, vector<16xi32>, vector<16xi1>
    tpu.vector_store %arg16[%swap3A_126], %broadcast_in_dim3A_22 masked %ge3A_24 {strides = array<i32>} : memref<2704xi32, #tpu.memory_space<vmem>>, vector<16xi32>, vector<16xi1>
    %add3A_128 = arith.constant 80 : i32
    %add3A_129 = arith.addi %scan3A_18#1, %add3A_128 : i32
    %swap3A_130 = arith.index_cast %add3A_129 : i32 to index
    %swap3A_131 = tpu.vector_load %arg15[%swap3A_130] masked %ge3A_24 {strides = array<i32>} : memref<2704xi32, #tpu.memory_space<vmem>>, vector<16xi32>, vector<16xi1>
    tpu.vector_store %arg15[%swap3A_130], %broadcast_in_dim3A_20 masked %ge3A_24 {strides = array<i32>} : memref<2704xi32, #tpu.memory_space<vmem>>, vector<16xi32>, vector<16xi1>
    %add3A_132 = arith.constant 80 : i32
    %add3A_133 = arith.addi %scan3A_18#1, %add3A_132 : i32
    %swap3A_134 = arith.index_cast %add3A_133 : i32 to index
    %swap3A_135 = tpu.vector_load %arg16[%swap3A_134] masked %ge3A_24 {strides = array<i32>} : memref<2704xi32, #tpu.memory_space<vmem>>, vector<16xi32>, vector<16xi1>
    tpu.vector_store %arg16[%swap3A_134], %broadcast_in_dim3A_22 masked %ge3A_24 {strides = array<i32>} : memref<2704xi32, #tpu.memory_space<vmem>>, vector<16xi32>, vector<16xi1>
    %add3A_136 = arith.constant 96 : i32
    %add3A_137 = arith.addi %scan3A_18#1, %add3A_136 : i32
    %swap3A_138 = arith.index_cast %add3A_137 : i32 to index
    %swap3A_139 = tpu.vector_load %arg15[%swap3A_138] masked %ge3A_24 {strides = array<i32>} : memref<2704xi32, #tpu.memory_space<vmem>>, vector<16xi32>, vector<16xi1>
    tpu.vector_store %arg15[%swap3A_138], %broadcast_in_dim3A_20 masked %ge3A_24 {strides = array<i32>} : memref<2704xi32, #tpu.memory_space<vmem>>, vector<16xi32>, vector<16xi1>
    %add3A_140 = arith.constant 96 : i32
    %add3A_141 = arith.addi %scan3A_18#1, %add3A_140 : i32
    %swap3A_142 = arith.index_cast %add3A_141 : i32 to index
    %swap3A_143 = tpu.vector_load %arg16[%swap3A_142] masked %ge3A_24 {strides = array<i32>} : memref<2704xi32, #tpu.memory_space<vmem>>, vector<16xi32>, vector<16xi1>
    tpu.vector_store %arg16[%swap3A_142], %broadcast_in_dim3A_22 masked %ge3A_24 {strides = array<i32>} : memref<2704xi32, #tpu.memory_space<vmem>>, vector<16xi32>, vector<16xi1>
    %add3A_144 = arith.constant 112 : i32
    %add3A_145 = arith.addi %scan3A_18#1, %add3A_144 : i32
    %swap3A_146 = arith.index_cast %add3A_145 : i32 to index
    %swap3A_147 = tpu.vector_load %arg15[%swap3A_146] masked %ge3A_24 {strides = array<i32>} : memref<2704xi32, #tpu.memory_space<vmem>>, vector<16xi32>, vector<16xi1>
    tpu.vector_store %arg15[%swap3A_146], %broadcast_in_dim3A_20 masked %ge3A_24 {strides = array<i32>} : memref<2704xi32, #tpu.memory_space<vmem>>, vector<16xi32>, vector<16xi1>
    %add3A_148 = arith.constant 112 : i32
    %add3A_149 = arith.addi %scan3A_18#1, %add3A_148 : i32
    %swap3A_150 = arith.index_cast %add3A_149 : i32 to index
    %swap3A_151 = tpu.vector_load %arg16[%swap3A_150] masked %ge3A_24 {strides = array<i32>} : memref<2704xi32, #tpu.memory_space<vmem>>, vector<16xi32>, vector<16xi1>
    tpu.vector_store %arg16[%swap3A_150], %broadcast_in_dim3A_22 masked %ge3A_24 {strides = array<i32>} : memref<2704xi32, #tpu.memory_space<vmem>>, vector<16xi32>, vector<16xi1>
    %add3A_152 = arith.constant 0 : i32
    %add3A_153 = arith.addi %scan3A_18#2, %add3A_152 : i32
    %swap3A_154 = arith.index_cast %add3A_153 : i32 to index
    %swap3A_155 = tpu.vector_load %arg17[%swap3A_154] masked %ge3A_24 {strides = array<i32>} : memref<2704xi32, #tpu.memory_space<vmem>>, vector<16xi32>, vector<16xi1>
    tpu.vector_store %arg17[%swap3A_154], %broadcast_in_dim3A_20 masked %ge3A_24 {strides = array<i32>} : memref<2704xi32, #tpu.memory_space<vmem>>, vector<16xi32>, vector<16xi1>
    %add3A_156 = arith.constant 0 : i32
    %add3A_157 = arith.addi %scan3A_18#2, %add3A_156 : i32
    %swap3A_158 = arith.index_cast %add3A_157 : i32 to index
    %swap3A_159 = tpu.vector_load %arg18[%swap3A_158] masked %ge3A_24 {strides = array<i32>} : memref<2704xi32, #tpu.memory_space<vmem>>, vector<16xi32>, vector<16xi1>
    tpu.vector_store %arg18[%swap3A_158], %broadcast_in_dim3A_22 masked %ge3A_24 {strides = array<i32>} : memref<2704xi32, #tpu.memory_space<vmem>>, vector<16xi32>, vector<16xi1>
    %add3A_160 = arith.constant 16 : i32
    %add3A_161 = arith.addi %scan3A_18#2, %add3A_160 : i32
    %swap3A_162 = arith.index_cast %add3A_161 : i32 to index
    %swap3A_163 = tpu.vector_load %arg17[%swap3A_162] masked %ge3A_24 {strides = array<i32>} : memref<2704xi32, #tpu.memory_space<vmem>>, vector<16xi32>, vector<16xi1>
    tpu.vector_store %arg17[%swap3A_162], %broadcast_in_dim3A_20 masked %ge3A_24 {strides = array<i32>} : memref<2704xi32, #tpu.memory_space<vmem>>, vector<16xi32>, vector<16xi1>
    %add3A_164 = arith.constant 16 : i32
    %add3A_165 = arith.addi %scan3A_18#2, %add3A_164 : i32
    %swap3A_166 = arith.index_cast %add3A_165 : i32 to index
    %swap3A_167 = tpu.vector_load %arg18[%swap3A_166] masked %ge3A_24 {strides = array<i32>} : memref<2704xi32, #tpu.memory_space<vmem>>, vector<16xi32>, vector<16xi1>
    tpu.vector_store %arg18[%swap3A_166], %broadcast_in_dim3A_22 masked %ge3A_24 {strides = array<i32>} : memref<2704xi32, #tpu.memory_space<vmem>>, vector<16xi32>, vector<16xi1>
    %add3A_168 = arith.constant 32 : i32
    %add3A_169 = arith.addi %scan3A_18#2, %add3A_168 : i32
    %swap3A_170 = arith.index_cast %add3A_169 : i32 to index
    %swap3A_171 = tpu.vector_load %arg17[%swap3A_170] masked %ge3A_24 {strides = array<i32>} : memref<2704xi32, #tpu.memory_space<vmem>>, vector<16xi32>, vector<16xi1>
    tpu.vector_store %arg17[%swap3A_170], %broadcast_in_dim3A_20 masked %ge3A_24 {strides = array<i32>} : memref<2704xi32, #tpu.memory_space<vmem>>, vector<16xi32>, vector<16xi1>
    %add3A_172 = arith.constant 32 : i32
    %add3A_173 = arith.addi %scan3A_18#2, %add3A_172 : i32
    %swap3A_174 = arith.index_cast %add3A_173 : i32 to index
    %swap3A_175 = tpu.vector_load %arg18[%swap3A_174] masked %ge3A_24 {strides = array<i32>} : memref<2704xi32, #tpu.memory_space<vmem>>, vector<16xi32>, vector<16xi1>
    tpu.vector_store %arg18[%swap3A_174], %broadcast_in_dim3A_22 masked %ge3A_24 {strides = array<i32>} : memref<2704xi32, #tpu.memory_space<vmem>>, vector<16xi32>, vector<16xi1>
    %add3A_176 = arith.constant 48 : i32
    %add3A_177 = arith.addi %scan3A_18#2, %add3A_176 : i32
    %swap3A_178 = arith.index_cast %add3A_177 : i32 to index
    %swap3A_179 = tpu.vector_load %arg17[%swap3A_178] masked %ge3A_24 {strides = array<i32>} : memref<2704xi32, #tpu.memory_space<vmem>>, vector<16xi32>, vector<16xi1>
    tpu.vector_store %arg17[%swap3A_178], %broadcast_in_dim3A_20 masked %ge3A_24 {strides = array<i32>} : memref<2704xi32, #tpu.memory_space<vmem>>, vector<16xi32>, vector<16xi1>
    %add3A_180 = arith.constant 48 : i32
    %add3A_181 = arith.addi %scan3A_18#2, %add3A_180 : i32
    %swap3A_182 = arith.index_cast %add3A_181 : i32 to index
    %swap3A_183 = tpu.vector_load %arg18[%swap3A_182] masked %ge3A_24 {strides = array<i32>} : memref<2704xi32, #tpu.memory_space<vmem>>, vector<16xi32>, vector<16xi1>
    tpu.vector_store %arg18[%swap3A_182], %broadcast_in_dim3A_22 masked %ge3A_24 {strides = array<i32>} : memref<2704xi32, #tpu.memory_space<vmem>>, vector<16xi32>, vector<16xi1>
    %add3A_184 = arith.constant 64 : i32
    %add3A_185 = arith.addi %scan3A_18#2, %add3A_184 : i32
    %swap3A_186 = arith.index_cast %add3A_185 : i32 to index
    %swap3A_187 = tpu.vector_load %arg17[%swap3A_186] masked %ge3A_24 {strides = array<i32>} : memref<2704xi32, #tpu.memory_space<vmem>>, vector<16xi32>, vector<16xi1>
    tpu.vector_store %arg17[%swap3A_186], %broadcast_in_dim3A_20 masked %ge3A_24 {strides = array<i32>} : memref<2704xi32, #tpu.memory_space<vmem>>, vector<16xi32>, vector<16xi1>
    %add3A_188 = arith.constant 64 : i32
    %add3A_189 = arith.addi %scan3A_18#2, %add3A_188 : i32
    %swap3A_190 = arith.index_cast %add3A_189 : i32 to index
    %swap3A_191 = tpu.vector_load %arg18[%swap3A_190] masked %ge3A_24 {strides = array<i32>} : memref<2704xi32, #tpu.memory_space<vmem>>, vector<16xi32>, vector<16xi1>
    tpu.vector_store %arg18[%swap3A_190], %broadcast_in_dim3A_22 masked %ge3A_24 {strides = array<i32>} : memref<2704xi32, #tpu.memory_space<vmem>>, vector<16xi32>, vector<16xi1>
    %add3A_192 = arith.constant 80 : i32
    %add3A_193 = arith.addi %scan3A_18#2, %add3A_192 : i32
    %swap3A_194 = arith.index_cast %add3A_193 : i32 to index
    %swap3A_195 = tpu.vector_load %arg17[%swap3A_194] masked %ge3A_24 {strides = array<i32>} : memref<2704xi32, #tpu.memory_space<vmem>>, vector<16xi32>, vector<16xi1>
    tpu.vector_store %arg17[%swap3A_194], %broadcast_in_dim3A_20 masked %ge3A_24 {strides = array<i32>} : memref<2704xi32, #tpu.memory_space<vmem>>, vector<16xi32>, vector<16xi1>
    %add3A_196 = arith.constant 80 : i32
    %add3A_197 = arith.addi %scan3A_18#2, %add3A_196 : i32
    %swap3A_198 = arith.index_cast %add3A_197 : i32 to index
    %swap3A_199 = tpu.vector_load %arg18[%swap3A_198] masked %ge3A_24 {strides = array<i32>} : memref<2704xi32, #tpu.memory_space<vmem>>, vector<16xi32>, vector<16xi1>
    tpu.vector_store %arg18[%swap3A_198], %broadcast_in_dim3A_22 masked %ge3A_24 {strides = array<i32>} : memref<2704xi32, #tpu.memory_space<vmem>>, vector<16xi32>, vector<16xi1>
    %add3A_200 = arith.constant 96 : i32
    %add3A_201 = arith.addi %scan3A_18#2, %add3A_200 : i32
    %swap3A_202 = arith.index_cast %add3A_201 : i32 to index
    %swap3A_203 = tpu.vector_load %arg17[%swap3A_202] masked %ge3A_24 {strides = array<i32>} : memref<2704xi32, #tpu.memory_space<vmem>>, vector<16xi32>, vector<16xi1>
    tpu.vector_store %arg17[%swap3A_202], %broadcast_in_dim3A_20 masked %ge3A_24 {strides = array<i32>} : memref<2704xi32, #tpu.memory_space<vmem>>, vector<16xi32>, vector<16xi1>
    %add3A_204 = arith.constant 96 : i32
    %add3A_205 = arith.addi %scan3A_18#2, %add3A_204 : i32
    %swap3A_206 = arith.index_cast %add3A_205 : i32 to index
    %swap3A_207 = tpu.vector_load %arg18[%swap3A_206] masked %ge3A_24 {strides = array<i32>} : memref<2704xi32, #tpu.memory_space<vmem>>, vector<16xi32>, vector<16xi1>
    tpu.vector_store %arg18[%swap3A_206], %broadcast_in_dim3A_22 masked %ge3A_24 {strides = array<i32>} : memref<2704xi32, #tpu.memory_space<vmem>>, vector<16xi32>, vector<16xi1>
    %add3A_208 = arith.constant 112 : i32
    %add3A_209 = arith.addi %scan3A_18#2, %add3A_208 : i32
    %swap3A_210 = arith.index_cast %add3A_209 : i32 to index
    %swap3A_211 = tpu.vector_load %arg17[%swap3A_210] masked %ge3A_24 {strides = array<i32>} : memref<2704xi32, #tpu.memory_space<vmem>>, vector<16xi32>, vector<16xi1>
    tpu.vector_store %arg17[%swap3A_210], %broadcast_in_dim3A_20 masked %ge3A_24 {strides = array<i32>} : memref<2704xi32, #tpu.memory_space<vmem>>, vector<16xi32>, vector<16xi1>
    %add3A_212 = arith.constant 112 : i32
    %add3A_213 = arith.addi %scan3A_18#2, %add3A_212 : i32
    %swap3A_214 = arith.index_cast %add3A_213 : i32 to index
    %swap3A_215 = tpu.vector_load %arg18[%swap3A_214] masked %ge3A_24 {strides = array<i32>} : memref<2704xi32, #tpu.memory_space<vmem>>, vector<16xi32>, vector<16xi1>
    tpu.vector_store %arg18[%swap3A_214], %broadcast_in_dim3A_22 masked %ge3A_24 {strides = array<i32>} : memref<2704xi32, #tpu.memory_space<vmem>>, vector<16xi32>, vector<16xi1>
    %add3A_216 = arith.constant 128 : i32
    %add3A_217 = arith.addi %scan3A_18#0, %add3A_216 : i32
    %sub3A = arith.constant 1 : i32
    %sub3A_218 = arith.subi %add3A_217, %sub3A : i32
    %jit3A = arith.constant 128 : i32
    %div3A = arith.divsi %sub3A_218, %jit3A : i32
    %sign3A = arith.constant 0 : i32
    %sign3A_219 = arith.cmpi sgt, %sub3A_218, %sign3A : i32
    %sign3A_220 = arith.extui %sign3A_219 : i1 to i32
    %sign3A_221 = arith.constant 0 : i32
    %sign3A_222 = arith.cmpi slt, %sub3A_218, %sign3A_221 : i32
    %sign3A_223 = arith.extui %sign3A_222 : i1 to i32
    %sign3A_224 = arith.subi %sign3A_220, %sign3A_223 : i32
    %sign3A_225 = arith.constant 0 : i32
    %sign3A_226 = arith.cmpi sgt, %jit3A, %sign3A_225 : i32
    %sign3A_227 = arith.extui %sign3A_226 : i1 to i32
    %sign3A_228 = arith.constant 0 : i32
    %sign3A_229 = arith.cmpi slt, %jit3A, %sign3A_228 : i32
    %sign3A_230 = arith.extui %sign3A_229 : i1 to i32
    %sign3A_231 = arith.subi %sign3A_227, %sign3A_230 : i32
    %ne3A = arith.cmpi ne, %sign3A_224, %sign3A_231 : i32
    %rem3A = arith.remsi %sub3A_218, %jit3A : i32
    %ne3A_232 = arith.constant 0 : i32
    %ne3A_233 = arith.cmpi ne, %rem3A, %ne3A_232 : i32
    %and3A = arith.andi %ne3A, %ne3A_233 : i1
    %sub3A_234 = arith.constant 1 : i32
    %sub3A_235 = arith.subi %div3A, %sub3A_234 : i32
    %select_n3A = arith.select %and3A, %sub3A_235, %div3A : i32
    %gt3A = arith.constant 0 : i32
    %gt3A_236 = arith.cmpi sgt, %select_n3A, %gt3A : i32
    %convert_element_type3A = arith.extui %gt3A_236 : i1 to i32
    %cond3A = arith.constant 0 : i32
    %cond3A_237 = arith.cmpi ne, %convert_element_type3A, %cond3A : i32
    scf.if %cond3A_237 {
      %dma_start3A = arith.constant 0 : i32
      %dma_start3A_430 = tpu.memref_slice %arg13[%dma_start3A] : memref<2704xi32, #tpu.memory_space<vmem>> -> memref<128xi32, #tpu.memory_space<vmem>>
      %dma_start3A_431 = arith.constant 0 : i32
      %dma_start3A_432 = arith.constant 0 : i32
      %dma_start3A_433 = tpu.memref_slice %arg5[%dma_start3A_431, %dma_start3A_432] : memref<100000x64xf32, #tpu.memory_space<hbm>> -> memref<100000x64xf32, #tpu.memory_space<hbm>>
      tpu.enqueue_indirect_dma source(%dma_start3A_433 : memref<100000x64xf32, #tpu.memory_space<hbm>>) target(%arg21 : memref<128x64xf32, #tpu.memory_space<vmem>>) offsets(%dma_start3A_430 : memref<128xi32, #tpu.memory_space<vmem>>) semaphore(%arg25 : memref<!tpu.dma_semaphore, #tpu.memory_space<semaphore_mem>>)
    } else {
    }
    %add3A_238 = arith.constant 1 : i32
    %add3A_239 = arith.addi %select_n3A, %add3A_238 : i32
    %jit3A_240 = arith.constant 2 : i32
    %div3A_241 = arith.divsi %add3A_239, %jit3A_240 : i32
    %sign3A_242 = arith.constant 0 : i32
    %sign3A_243 = arith.cmpi sgt, %add3A_239, %sign3A_242 : i32
    %sign3A_244 = arith.extui %sign3A_243 : i1 to i32
    %sign3A_245 = arith.constant 0 : i32
    %sign3A_246 = arith.cmpi slt, %add3A_239, %sign3A_245 : i32
    %sign3A_247 = arith.extui %sign3A_246 : i1 to i32
    %sign3A_248 = arith.subi %sign3A_244, %sign3A_247 : i32
    %sign3A_249 = arith.constant 0 : i32
    %sign3A_250 = arith.cmpi sgt, %jit3A_240, %sign3A_249 : i32
    %sign3A_251 = arith.extui %sign3A_250 : i1 to i32
    %sign3A_252 = arith.constant 0 : i32
    %sign3A_253 = arith.cmpi slt, %jit3A_240, %sign3A_252 : i32
    %sign3A_254 = arith.extui %sign3A_253 : i1 to i32
    %sign3A_255 = arith.subi %sign3A_251, %sign3A_254 : i32
    %ne3A_256 = arith.cmpi ne, %sign3A_248, %sign3A_255 : i32
    %rem3A_257 = arith.remsi %add3A_239, %jit3A_240 : i32
    %ne3A_258 = arith.constant 0 : i32
    %ne3A_259 = arith.cmpi ne, %rem3A_257, %ne3A_258 : i32
    %and3A_260 = arith.andi %ne3A_256, %ne3A_259 : i1
    %sub3A_261 = arith.constant 1 : i32
    %sub3A_262 = arith.subi %div3A_241, %sub3A_261 : i32
    %select_n3A_263 = arith.select %and3A_260, %sub3A_262, %div3A_241 : i32
    %while3A = arith.constant 0 : i32
    %while3A_264 = arith.constant 0 : i32
    %while3A_265 = arith.subi %select_n3A_263, %while3A : i32
    %while3A_266 = arith.addi %while3A, %while3A_265 : i32
    %while3A_267 = arith.constant 1 : i32
    %while3A_268 = arith.divsi %while3A_265, %while3A_267 : i32
    %while3A_269 = arith.muli %while3A_268, %while3A_267 : i32
    %while3A_270 = arith.addi %while3A, %while3A_269 : i32
    %while3A_271 = arith.constant 1 : i32
    %while3A_272 = scf.for %while3A_430 = %while3A to %while3A_270 step %while3A_271 iter_args(%while3A_431 = %while3A_264) -> (i32)  : i32 {
      %mul3A_432 = arith.constant 2 : i32
      %mul3A_433 = arith.muli %while3A_430, %mul3A_432 : i32
      %add3A_434 = arith.constant 0 : i32
      %add3A_435 = arith.addi %mul3A_433, %add3A_434 : i32
      %lt3A = arith.cmpi slt, %add3A_435, %select_n3A : i32
      %convert_element_type3A_436 = arith.extui %lt3A : i1 to i32
      %cond3A_437 = arith.constant 0 : i32
      %cond3A_438 = arith.cmpi ne, %convert_element_type3A_436, %cond3A_437 : i32
      scf.if %cond3A_438 {
        %add3A_448 = arith.constant 1 : i32
        %add3A_449 = arith.addi %add3A_435, %add3A_448 : i32
        %lt3A_450 = arith.cmpi slt, %add3A_449, %select_n3A : i32
        %convert_element_type3A_451 = arith.extui %lt3A_450 : i1 to i32
        %cond3A_452 = arith.constant 0 : i32
        %cond3A_453 = arith.cmpi ne, %convert_element_type3A_451, %cond3A_452 : i32
        scf.if %cond3A_453 {
          %add3A_522 = arith.constant 1 : i32
          %add3A_523 = arith.addi %add3A_435, %add3A_522 : i32
          %mul3A_524 = arith.constant 128 : i32
          %mul3A_525 = arith.muli %add3A_523, %mul3A_524 : i32
          %dma_start3A = tpu.memref_slice %arg13[%mul3A_525] : memref<2704xi32, #tpu.memory_space<vmem>> -> memref<128xi32, #tpu.memory_space<vmem>>
          %dma_start3A_526 = arith.constant 0 : i32
          %dma_start3A_527 = arith.constant 0 : i32
          %dma_start3A_528 = tpu.memref_slice %arg5[%dma_start3A_526, %dma_start3A_527] : memref<100000x64xf32, #tpu.memory_space<hbm>> -> memref<100000x64xf32, #tpu.memory_space<hbm>>
          tpu.enqueue_indirect_dma source(%dma_start3A_528 : memref<100000x64xf32, #tpu.memory_space<hbm>>) target(%arg22 : memref<128x64xf32, #tpu.memory_space<vmem>>) offsets(%dma_start3A : memref<128xi32, #tpu.memory_space<vmem>>) semaphore(%arg26 : memref<!tpu.dma_semaphore, #tpu.memory_space<semaphore_mem>>)
        } else {
        }
        %mul3A_454 = arith.constant 128 : i32
        %mul3A_455 = arith.muli %add3A_435, %mul3A_454 : i32
        %add3A_456 = arith.constant 0 : i32
        %add3A_457 = arith.addi %mul3A_455, %add3A_456 : i32
        %get3A = arith.index_cast %add3A_457 : i32 to index
        %get3A_458 = tpu.vector_load %arg14[%get3A] {strides = array<i32>} : memref<2704xi32, #tpu.memory_space<vmem>>, vector<16xi32>,
        %swap3A_459 = arith.constant 0 : index
        %swap3A_460 = tpu.vector_load %arg19[%swap3A_459] {strides = array<i32>} : memref<128xi32, #tpu.memory_space<vmem>>, vector<16xi32>,
        tpu.vector_store %arg19[%swap3A_459], %get3A_458 {strides = array<i32>} : memref<128xi32, #tpu.memory_space<vmem>>, vector<16xi32>,
        %mul3A_461 = arith.constant 128 : i32
        %mul3A_462 = arith.muli %add3A_435, %mul3A_461 : i32
        %add3A_463 = arith.constant 16 : i32
        %add3A_464 = arith.addi %mul3A_462, %add3A_463 : i32
        %get3A_465 = arith.index_cast %add3A_464 : i32 to index
        %get3A_466 = tpu.vector_load %arg14[%get3A_465] {strides = array<i32>} : memref<2704xi32, #tpu.memory_space<vmem>>, vector<16xi32>,
        %swap3A_467 = arith.constant 16 : index
        %swap3A_468 = tpu.vector_load %arg19[%swap3A_467] {strides = array<i32>} : memref<128xi32, #tpu.memory_space<vmem>>, vector<16xi32>,
        tpu.vector_store %arg19[%swap3A_467], %get3A_466 {strides = array<i32>} : memref<128xi32, #tpu.memory_space<vmem>>, vector<16xi32>,
        %mul3A_469 = arith.constant 128 : i32
        %mul3A_470 = arith.muli %add3A_435, %mul3A_469 : i32
        %add3A_471 = arith.constant 32 : i32
        %add3A_472 = arith.addi %mul3A_470, %add3A_471 : i32
        %get3A_473 = arith.index_cast %add3A_472 : i32 to index
        %get3A_474 = tpu.vector_load %arg14[%get3A_473] {strides = array<i32>} : memref<2704xi32, #tpu.memory_space<vmem>>, vector<16xi32>,
        %swap3A_475 = arith.constant 32 : index
        %swap3A_476 = tpu.vector_load %arg19[%swap3A_475] {strides = array<i32>} : memref<128xi32, #tpu.memory_space<vmem>>, vector<16xi32>,
        tpu.vector_store %arg19[%swap3A_475], %get3A_474 {strides = array<i32>} : memref<128xi32, #tpu.memory_space<vmem>>, vector<16xi32>,
        %mul3A_477 = arith.constant 128 : i32
        %mul3A_478 = arith.muli %add3A_435, %mul3A_477 : i32
        %add3A_479 = arith.constant 48 : i32
        %add3A_480 = arith.addi %mul3A_478, %add3A_479 : i32
        %get3A_481 = arith.index_cast %add3A_480 : i32 to index
        %get3A_482 = tpu.vector_load %arg14[%get3A_481] {strides = array<i32>} : memref<2704xi32, #tpu.memory_space<vmem>>, vector<16xi32>,
        %swap3A_483 = arith.constant 48 : index
        %swap3A_484 = tpu.vector_load %arg19[%swap3A_483] {strides = array<i32>} : memref<128xi32, #tpu.memory_space<vmem>>, vector<16xi32>,
        tpu.vector_store %arg19[%swap3A_483], %get3A_482 {strides = array<i32>} : memref<128xi32, #tpu.memory_space<vmem>>, vector<16xi32>,
        %mul3A_485 = arith.constant 128 : i32
        %mul3A_486 = arith.muli %add3A_435, %mul3A_485 : i32
        %add3A_487 = arith.constant 64 : i32
        %add3A_488 = arith.addi %mul3A_486, %add3A_487 : i32
        %get3A_489 = arith.index_cast %add3A_488 : i32 to index
        %get3A_490 = tpu.vector_load %arg14[%get3A_489] {strides = array<i32>} : memref<2704xi32, #tpu.memory_space<vmem>>, vector<16xi32>,
        %swap3A_491 = arith.constant 64 : index
        %swap3A_492 = tpu.vector_load %arg19[%swap3A_491] {strides = array<i32>} : memref<128xi32, #tpu.memory_space<vmem>>, vector<16xi32>,
        tpu.vector_store %arg19[%swap3A_491], %get3A_490 {strides = array<i32>} : memref<128xi32, #tpu.memory_space<vmem>>, vector<16xi32>,
        %mul3A_493 = arith.constant 128 : i32
        %mul3A_494 = arith.muli %add3A_435, %mul3A_493 : i32
        %add3A_495 = arith.constant 80 : i32
        %add3A_496 = arith.addi %mul3A_494, %add3A_495 : i32
        %get3A_497 = arith.index_cast %add3A_496 : i32 to index
        %get3A_498 = tpu.vector_load %arg14[%get3A_497] {strides = array<i32>} : memref<2704xi32, #tpu.memory_space<vmem>>, vector<16xi32>,
        %swap3A_499 = arith.constant 80 : index
        %swap3A_500 = tpu.vector_load %arg19[%swap3A_499] {strides = array<i32>} : memref<128xi32, #tpu.memory_space<vmem>>, vector<16xi32>,
        tpu.vector_store %arg19[%swap3A_499], %get3A_498 {strides = array<i32>} : memref<128xi32, #tpu.memory_space<vmem>>, vector<16xi32>,
        %mul3A_501 = arith.constant 128 : i32
        %mul3A_502 = arith.muli %add3A_435, %mul3A_501 : i32
        %add3A_503 = arith.constant 96 : i32
        %add3A_504 = arith.addi %mul3A_502, %add3A_503 : i32
        %get3A_505 = arith.index_cast %add3A_504 : i32 to index
        %get3A_506 = tpu.vector_load %arg14[%get3A_505] {strides = array<i32>} : memref<2704xi32, #tpu.memory_space<vmem>>, vector<16xi32>,
        %swap3A_507 = arith.constant 96 : index
        %swap3A_508 = tpu.vector_load %arg19[%swap3A_507] {strides = array<i32>} : memref<128xi32, #tpu.memory_space<vmem>>, vector<16xi32>,
        tpu.vector_store %arg19[%swap3A_507], %get3A_506 {strides = array<i32>} : memref<128xi32, #tpu.memory_space<vmem>>, vector<16xi32>,
        %mul3A_509 = arith.constant 128 : i32
        %mul3A_510 = arith.muli %add3A_435, %mul3A_509 : i32
        %add3A_511 = arith.constant 112 : i32
        %add3A_512 = arith.addi %mul3A_510, %add3A_511 : i32
        %get3A_513 = arith.index_cast %add3A_512 : i32 to index
        %get3A_514 = tpu.vector_load %arg14[%get3A_513] {strides = array<i32>} : memref<2704xi32, #tpu.memory_space<vmem>>, vector<16xi32>,
        %swap3A_515 = arith.constant 112 : index
        %swap3A_516 = tpu.vector_load %arg19[%swap3A_515] {strides = array<i32>} : memref<128xi32, #tpu.memory_space<vmem>>, vector<16xi32>,
        tpu.vector_store %arg19[%swap3A_515], %get3A_514 {strides = array<i32>} : memref<128xi32, #tpu.memory_space<vmem>>, vector<16xi32>,
        %dma_wait3A = arith.constant 0 : i32
        %dma_wait3A_517 = arith.constant 0 : i32
        %dma_wait3A_518 = tpu.memref_slice %arg5[%dma_wait3A, %dma_wait3A_517] : memref<100000x64xf32, #tpu.memory_space<hbm>> -> memref<128x64xf32, #tpu.memory_space<hbm>>
        %dma_wait3A_519 = arith.constant 0 : i32
        %dma_wait3A_520 = arith.constant 0 : i32
        %dma_wait3A_521 = tpu.memref_slice %arg5[%dma_wait3A_519, %dma_wait3A_520] : memref<100000x64xf32, #tpu.memory_space<hbm>> -> memref<128x64xf32, #tpu.memory_space<hbm>>
        tpu.wait_dma2 semaphore(%arg25 : memref<!tpu.dma_semaphore, #tpu.memory_space<semaphore_mem>>) src(%dma_wait3A_521 : memref<128x64xf32, #tpu.memory_space<hbm>>) dst(%arg21 : memref<128x64xf32, #tpu.memory_space<vmem>>)
        "tpu.region"() ({
          %run_scoped3A = tpu.sem_alloc : memref<!tpu.dma_semaphore, #tpu.memory_space<semaphore_mem>>
          %dma_start3A = arith.constant 0 : i32
          %dma_start3A_522 = arith.constant 0 : i32
          %dma_start3A_523 = tpu.memref_slice %arg27[%dma_start3A, %dma_start3A_522] : memref<4112x64xf32, #tpu.memory_space<vmem_shared>> -> memref<4112x64xf32, #tpu.memory_space<vmem_shared>>
          tpu.enqueue_indirect_dma source(%arg21 : memref<128x64xf32, #tpu.memory_space<vmem>>) target(%dma_start3A_523 : memref<4112x64xf32, #tpu.memory_space<vmem_shared>>) offsets(%arg19 : memref<128xi32, #tpu.memory_space<vmem>>) semaphore(%run_scoped3A : memref<!tpu.dma_semaphore, #tpu.memory_space<semaphore_mem>>) {add = true}
          %dma_wait3A_524 = arith.constant 0 : i32
          %dma_wait3A_525 = arith.constant 0 : i32
          %dma_wait3A_526 = tpu.memref_slice %arg27[%dma_wait3A_524, %dma_wait3A_525] : memref<4112x64xf32, #tpu.memory_space<vmem_shared>> -> memref<4112x64xf32, #tpu.memory_space<vmem_shared>>
          tpu.wait_indirect_dma semaphore(%run_scoped3A : memref<!tpu.dma_semaphore, #tpu.memory_space<semaphore_mem>>) src(%arg21 : memref<128x64xf32, #tpu.memory_space<vmem>>) dst(%dma_wait3A_526 : memref<4112x64xf32, #tpu.memory_space<vmem_shared>>)
          tpu.yield
        }) : () -> ()
      } else {
      }
      %mul3A_439 = arith.constant 2 : i32
      %mul3A_440 = arith.muli %while3A_430, %mul3A_439 : i32
      %add3A_441 = arith.constant 1 : i32
      %add3A_442 = arith.addi %mul3A_440, %add3A_441 : i32
      %lt3A_443 = arith.cmpi slt, %add3A_442, %select_n3A : i32
      %convert_element_type3A_444 = arith.extui %lt3A_443 : i1 to i32
      %cond3A_445 = arith.constant 0 : i32
      %cond3A_446 = arith.cmpi ne, %convert_element_type3A_444, %cond3A_445 : i32
      scf.if %cond3A_446 {
        %add3A_448 = arith.constant 1 : i32
        %add3A_449 = arith.addi %add3A_442, %add3A_448 : i32
        %lt3A_450 = arith.cmpi slt, %add3A_449, %select_n3A : i32
        %convert_element_type3A_451 = arith.extui %lt3A_450 : i1 to i32
        %cond3A_452 = arith.constant 0 : i32
        %cond3A_453 = arith.cmpi ne, %convert_element_type3A_451, %cond3A_452 : i32
        scf.if %cond3A_453 {
          %add3A_522 = arith.constant 1 : i32
          %add3A_523 = arith.addi %add3A_442, %add3A_522 : i32
          %mul3A_524 = arith.constant 128 : i32
          %mul3A_525 = arith.muli %add3A_523, %mul3A_524 : i32
          %dma_start3A = tpu.memref_slice %arg13[%mul3A_525] : memref<2704xi32, #tpu.memory_space<vmem>> -> memref<128xi32, #tpu.memory_space<vmem>>
          %dma_start3A_526 = arith.constant 0 : i32
          %dma_start3A_527 = arith.constant 0 : i32
          %dma_start3A_528 = tpu.memref_slice %arg5[%dma_start3A_526, %dma_start3A_527] : memref<100000x64xf32, #tpu.memory_space<hbm>> -> memref<100000x64xf32, #tpu.memory_space<hbm>>
          tpu.enqueue_indirect_dma source(%dma_start3A_528 : memref<100000x64xf32, #tpu.memory_space<hbm>>) target(%arg21 : memref<128x64xf32, #tpu.memory_space<vmem>>) offsets(%dma_start3A : memref<128xi32, #tpu.memory_space<vmem>>) semaphore(%arg25 : memref<!tpu.dma_semaphore, #tpu.memory_space<semaphore_mem>>)
        } else {
        }
        %mul3A_454 = arith.constant 128 : i32
        %mul3A_455 = arith.muli %add3A_442, %mul3A_454 : i32
        %add3A_456 = arith.constant 0 : i32
        %add3A_457 = arith.addi %mul3A_455, %add3A_456 : i32
        %get3A = arith.index_cast %add3A_457 : i32 to index
        %get3A_458 = tpu.vector_load %arg14[%get3A] {strides = array<i32>} : memref<2704xi32, #tpu.memory_space<vmem>>, vector<16xi32>,
        %swap3A_459 = arith.constant 0 : index
        %swap3A_460 = tpu.vector_load %arg20[%swap3A_459] {strides = array<i32>} : memref<128xi32, #tpu.memory_space<vmem>>, vector<16xi32>,
        tpu.vector_store %arg20[%swap3A_459], %get3A_458 {strides = array<i32>} : memref<128xi32, #tpu.memory_space<vmem>>, vector<16xi32>,
        %mul3A_461 = arith.constant 128 : i32
        %mul3A_462 = arith.muli %add3A_442, %mul3A_461 : i32
        %add3A_463 = arith.constant 16 : i32
        %add3A_464 = arith.addi %mul3A_462, %add3A_463 : i32
        %get3A_465 = arith.index_cast %add3A_464 : i32 to index
        %get3A_466 = tpu.vector_load %arg14[%get3A_465] {strides = array<i32>} : memref<2704xi32, #tpu.memory_space<vmem>>, vector<16xi32>,
        %swap3A_467 = arith.constant 16 : index
        %swap3A_468 = tpu.vector_load %arg20[%swap3A_467] {strides = array<i32>} : memref<128xi32, #tpu.memory_space<vmem>>, vector<16xi32>,
        tpu.vector_store %arg20[%swap3A_467], %get3A_466 {strides = array<i32>} : memref<128xi32, #tpu.memory_space<vmem>>, vector<16xi32>,
        %mul3A_469 = arith.constant 128 : i32
        %mul3A_470 = arith.muli %add3A_442, %mul3A_469 : i32
        %add3A_471 = arith.constant 32 : i32
        %add3A_472 = arith.addi %mul3A_470, %add3A_471 : i32
        %get3A_473 = arith.index_cast %add3A_472 : i32 to index
        %get3A_474 = tpu.vector_load %arg14[%get3A_473] {strides = array<i32>} : memref<2704xi32, #tpu.memory_space<vmem>>, vector<16xi32>,
        %swap3A_475 = arith.constant 32 : index
        %swap3A_476 = tpu.vector_load %arg20[%swap3A_475] {strides = array<i32>} : memref<128xi32, #tpu.memory_space<vmem>>, vector<16xi32>,
        tpu.vector_store %arg20[%swap3A_475], %get3A_474 {strides = array<i32>} : memref<128xi32, #tpu.memory_space<vmem>>, vector<16xi32>,
        %mul3A_477 = arith.constant 128 : i32
        %mul3A_478 = arith.muli %add3A_442, %mul3A_477 : i32
        %add3A_479 = arith.constant 48 : i32
        %add3A_480 = arith.addi %mul3A_478, %add3A_479 : i32
        %get3A_481 = arith.index_cast %add3A_480 : i32 to index
        %get3A_482 = tpu.vector_load %arg14[%get3A_481] {strides = array<i32>} : memref<2704xi32, #tpu.memory_space<vmem>>, vector<16xi32>,
        %swap3A_483 = arith.constant 48 : index
        %swap3A_484 = tpu.vector_load %arg20[%swap3A_483] {strides = array<i32>} : memref<128xi32, #tpu.memory_space<vmem>>, vector<16xi32>,
        tpu.vector_store %arg20[%swap3A_483], %get3A_482 {strides = array<i32>} : memref<128xi32, #tpu.memory_space<vmem>>, vector<16xi32>,
        %mul3A_485 = arith.constant 128 : i32
        %mul3A_486 = arith.muli %add3A_442, %mul3A_485 : i32
        %add3A_487 = arith.constant 64 : i32
        %add3A_488 = arith.addi %mul3A_486, %add3A_487 : i32
        %get3A_489 = arith.index_cast %add3A_488 : i32 to index
        %get3A_490 = tpu.vector_load %arg14[%get3A_489] {strides = array<i32>} : memref<2704xi32, #tpu.memory_space<vmem>>, vector<16xi32>,
        %swap3A_491 = arith.constant 64 : index
        %swap3A_492 = tpu.vector_load %arg20[%swap3A_491] {strides = array<i32>} : memref<128xi32, #tpu.memory_space<vmem>>, vector<16xi32>,
        tpu.vector_store %arg20[%swap3A_491], %get3A_490 {strides = array<i32>} : memref<128xi32, #tpu.memory_space<vmem>>, vector<16xi32>,
        %mul3A_493 = arith.constant 128 : i32
        %mul3A_494 = arith.muli %add3A_442, %mul3A_493 : i32
        %add3A_495 = arith.constant 80 : i32
        %add3A_496 = arith.addi %mul3A_494, %add3A_495 : i32
        %get3A_497 = arith.index_cast %add3A_496 : i32 to index
        %get3A_498 = tpu.vector_load %arg14[%get3A_497] {strides = array<i32>} : memref<2704xi32, #tpu.memory_space<vmem>>, vector<16xi32>,
        %swap3A_499 = arith.constant 80 : index
        %swap3A_500 = tpu.vector_load %arg20[%swap3A_499] {strides = array<i32>} : memref<128xi32, #tpu.memory_space<vmem>>, vector<16xi32>,
        tpu.vector_store %arg20[%swap3A_499], %get3A_498 {strides = array<i32>} : memref<128xi32, #tpu.memory_space<vmem>>, vector<16xi32>,
        %mul3A_501 = arith.constant 128 : i32
        %mul3A_502 = arith.muli %add3A_442, %mul3A_501 : i32
        %add3A_503 = arith.constant 96 : i32
        %add3A_504 = arith.addi %mul3A_502, %add3A_503 : i32
        %get3A_505 = arith.index_cast %add3A_504 : i32 to index
        %get3A_506 = tpu.vector_load %arg14[%get3A_505] {strides = array<i32>} : memref<2704xi32, #tpu.memory_space<vmem>>, vector<16xi32>,
        %swap3A_507 = arith.constant 96 : index
        %swap3A_508 = tpu.vector_load %arg20[%swap3A_507] {strides = array<i32>} : memref<128xi32, #tpu.memory_space<vmem>>, vector<16xi32>,
        tpu.vector_store %arg20[%swap3A_507], %get3A_506 {strides = array<i32>} : memref<128xi32, #tpu.memory_space<vmem>>, vector<16xi32>,
        %mul3A_509 = arith.constant 128 : i32
        %mul3A_510 = arith.muli %add3A_442, %mul3A_509 : i32
        %add3A_511 = arith.constant 112 : i32
        %add3A_512 = arith.addi %mul3A_510, %add3A_511 : i32
        %get3A_513 = arith.index_cast %add3A_512 : i32 to index
        %get3A_514 = tpu.vector_load %arg14[%get3A_513] {strides = array<i32>} : memref<2704xi32, #tpu.memory_space<vmem>>, vector<16xi32>,
        %swap3A_515 = arith.constant 112 : index
        %swap3A_516 = tpu.vector_load %arg20[%swap3A_515] {strides = array<i32>} : memref<128xi32, #tpu.memory_space<vmem>>, vector<16xi32>,
        tpu.vector_store %arg20[%swap3A_515], %get3A_514 {strides = array<i32>} : memref<128xi32, #tpu.memory_space<vmem>>, vector<16xi32>,
        %dma_wait3A = arith.constant 0 : i32
        %dma_wait3A_517 = arith.constant 0 : i32
        %dma_wait3A_518 = tpu.memref_slice %arg5[%dma_wait3A, %dma_wait3A_517] : memref<100000x64xf32, #tpu.memory_space<hbm>> -> memref<128x64xf32, #tpu.memory_space<hbm>>
        %dma_wait3A_519 = arith.constant 0 : i32
        %dma_wait3A_520 = arith.constant 0 : i32
        %dma_wait3A_521 = tpu.memref_slice %arg5[%dma_wait3A_519, %dma_wait3A_520] : memref<100000x64xf32, #tpu.memory_space<hbm>> -> memref<128x64xf32, #tpu.memory_space<hbm>>
        tpu.wait_dma2 semaphore(%arg26 : memref<!tpu.dma_semaphore, #tpu.memory_space<semaphore_mem>>) src(%dma_wait3A_521 : memref<128x64xf32, #tpu.memory_space<hbm>>) dst(%arg22 : memref<128x64xf32, #tpu.memory_space<vmem>>)
        "tpu.region"() ({
          %run_scoped3A = tpu.sem_alloc : memref<!tpu.dma_semaphore, #tpu.memory_space<semaphore_mem>>
          %dma_start3A = arith.constant 0 : i32
          %dma_start3A_522 = arith.constant 0 : i32
          %dma_start3A_523 = tpu.memref_slice %arg27[%dma_start3A, %dma_start3A_522] : memref<4112x64xf32, #tpu.memory_space<vmem_shared>> -> memref<4112x64xf32, #tpu.memory_space<vmem_shared>>
          tpu.enqueue_indirect_dma source(%arg22 : memref<128x64xf32, #tpu.memory_space<vmem>>) target(%dma_start3A_523 : memref<4112x64xf32, #tpu.memory_space<vmem_shared>>) offsets(%arg20 : memref<128xi32, #tpu.memory_space<vmem>>) semaphore(%run_scoped3A : memref<!tpu.dma_semaphore, #tpu.memory_space<semaphore_mem>>) {add = true}
          %dma_wait3A_524 = arith.constant 0 : i32
          %dma_wait3A_525 = arith.constant 0 : i32
          %dma_wait3A_526 = tpu.memref_slice %arg27[%dma_wait3A_524, %dma_wait3A_525] : memref<4112x64xf32, #tpu.memory_space<vmem_shared>> -> memref<4112x64xf32, #tpu.memory_space<vmem_shared>>
          tpu.wait_indirect_dma semaphore(%run_scoped3A : memref<!tpu.dma_semaphore, #tpu.memory_space<semaphore_mem>>) src(%arg22 : memref<128x64xf32, #tpu.memory_space<vmem>>) dst(%dma_wait3A_526 : memref<4112x64xf32, #tpu.memory_space<vmem_shared>>)
          tpu.yield
        }) : () -> ()
      } else {
      }
      %while3A_447 = arith.constant 0 : i32
      scf.yield %while3A_447 : i32
    }
    %while3A_273 = arith.constant 1 : i32
    %while3A_274 = scf.for %while3A_430 = %while3A_270 to %while3A_266 step %while3A_273 iter_args(%while3A_431 = %while3A_272) -> (i32)  : i32 {
      %mul3A_432 = arith.constant 2 : i32
      %mul3A_433 = arith.muli %while3A_430, %mul3A_432 : i32
      %add3A_434 = arith.constant 0 : i32
      %add3A_435 = arith.addi %mul3A_433, %add3A_434 : i32
      %lt3A = arith.cmpi slt, %add3A_435, %select_n3A : i32
      %convert_element_type3A_436 = arith.extui %lt3A : i1 to i32
      %cond3A_437 = arith.constant 0 : i32
      %cond3A_438 = arith.cmpi ne, %convert_element_type3A_436, %cond3A_437 : i32
      scf.if %cond3A_438 {
        %add3A_448 = arith.constant 1 : i32
        %add3A_449 = arith.addi %add3A_435, %add3A_448 : i32
        %lt3A_450 = arith.cmpi slt, %add3A_449, %select_n3A : i32
        %convert_element_type3A_451 = arith.extui %lt3A_450 : i1 to i32
        %cond3A_452 = arith.constant 0 : i32
        %cond3A_453 = arith.cmpi ne, %convert_element_type3A_451, %cond3A_452 : i32
        scf.if %cond3A_453 {
          %add3A_522 = arith.constant 1 : i32
          %add3A_523 = arith.addi %add3A_435, %add3A_522 : i32
          %mul3A_524 = arith.constant 128 : i32
          %mul3A_525 = arith.muli %add3A_523, %mul3A_524 : i32
          %dma_start3A = tpu.memref_slice %arg13[%mul3A_525] : memref<2704xi32, #tpu.memory_space<vmem>> -> memref<128xi32, #tpu.memory_space<vmem>>
          %dma_start3A_526 = arith.constant 0 : i32
          %dma_start3A_527 = arith.constant 0 : i32
          %dma_start3A_528 = tpu.memref_slice %arg5[%dma_start3A_526, %dma_start3A_527] : memref<100000x64xf32, #tpu.memory_space<hbm>> -> memref<100000x64xf32, #tpu.memory_space<hbm>>
          tpu.enqueue_indirect_dma source(%dma_start3A_528 : memref<100000x64xf32, #tpu.memory_space<hbm>>) target(%arg22 : memref<128x64xf32, #tpu.memory_space<vmem>>) offsets(%dma_start3A : memref<128xi32, #tpu.memory_space<vmem>>) semaphore(%arg26 : memref<!tpu.dma_semaphore, #tpu.memory_space<semaphore_mem>>)
        } else {
        }
        %mul3A_454 = arith.constant 128 : i32
        %mul3A_455 = arith.muli %add3A_435, %mul3A_454 : i32
        %add3A_456 = arith.constant 0 : i32
        %add3A_457 = arith.addi %mul3A_455, %add3A_456 : i32
        %get3A = arith.index_cast %add3A_457 : i32 to index
        %get3A_458 = tpu.vector_load %arg14[%get3A] {strides = array<i32>} : memref<2704xi32, #tpu.memory_space<vmem>>, vector<16xi32>,
        %swap3A_459 = arith.constant 0 : index
        %swap3A_460 = tpu.vector_load %arg19[%swap3A_459] {strides = array<i32>} : memref<128xi32, #tpu.memory_space<vmem>>, vector<16xi32>,
        tpu.vector_store %arg19[%swap3A_459], %get3A_458 {strides = array<i32>} : memref<128xi32, #tpu.memory_space<vmem>>, vector<16xi32>,
        %mul3A_461 = arith.constant 128 : i32
        %mul3A_462 = arith.muli %add3A_435, %mul3A_461 : i32
        %add3A_463 = arith.constant 16 : i32
        %add3A_464 = arith.addi %mul3A_462, %add3A_463 : i32
        %get3A_465 = arith.index_cast %add3A_464 : i32 to index
        %get3A_466 = tpu.vector_load %arg14[%get3A_465] {strides = array<i32>} : memref<2704xi32, #tpu.memory_space<vmem>>, vector<16xi32>,
        %swap3A_467 = arith.constant 16 : index
        %swap3A_468 = tpu.vector_load %arg19[%swap3A_467] {strides = array<i32>} : memref<128xi32, #tpu.memory_space<vmem>>, vector<16xi32>,
        tpu.vector_store %arg19[%swap3A_467], %get3A_466 {strides = array<i32>} : memref<128xi32, #tpu.memory_space<vmem>>, vector<16xi32>,
        %mul3A_469 = arith.constant 128 : i32
        %mul3A_470 = arith.muli %add3A_435, %mul3A_469 : i32
        %add3A_471 = arith.constant 32 : i32
        %add3A_472 = arith.addi %mul3A_470, %add3A_471 : i32
        %get3A_473 = arith.index_cast %add3A_472 : i32 to index
        %get3A_474 = tpu.vector_load %arg14[%get3A_473] {strides = array<i32>} : memref<2704xi32, #tpu.memory_space<vmem>>, vector<16xi32>,
        %swap3A_475 = arith.constant 32 : index
        %swap3A_476 = tpu.vector_load %arg19[%swap3A_475] {strides = array<i32>} : memref<128xi32, #tpu.memory_space<vmem>>, vector<16xi32>,
        tpu.vector_store %arg19[%swap3A_475], %get3A_474 {strides = array<i32>} : memref<128xi32, #tpu.memory_space<vmem>>, vector<16xi32>,
        %mul3A_477 = arith.constant 128 : i32
        %mul3A_478 = arith.muli %add3A_435, %mul3A_477 : i32
        %add3A_479 = arith.constant 48 : i32
        %add3A_480 = arith.addi %mul3A_478, %add3A_479 : i32
        %get3A_481 = arith.index_cast %add3A_480 : i32 to index
        %get3A_482 = tpu.vector_load %arg14[%get3A_481] {strides = array<i32>} : memref<2704xi32, #tpu.memory_space<vmem>>, vector<16xi32>,
        %swap3A_483 = arith.constant 48 : index
        %swap3A_484 = tpu.vector_load %arg19[%swap3A_483] {strides = array<i32>} : memref<128xi32, #tpu.memory_space<vmem>>, vector<16xi32>,
        tpu.vector_store %arg19[%swap3A_483], %get3A_482 {strides = array<i32>} : memref<128xi32, #tpu.memory_space<vmem>>, vector<16xi32>,
        %mul3A_485 = arith.constant 128 : i32
        %mul3A_486 = arith.muli %add3A_435, %mul3A_485 : i32
        %add3A_487 = arith.constant 64 : i32
        %add3A_488 = arith.addi %mul3A_486, %add3A_487 : i32
        %get3A_489 = arith.index_cast %add3A_488 : i32 to index
        %get3A_490 = tpu.vector_load %arg14[%get3A_489] {strides = array<i32>} : memref<2704xi32, #tpu.memory_space<vmem>>, vector<16xi32>,
        %swap3A_491 = arith.constant 64 : index
        %swap3A_492 = tpu.vector_load %arg19[%swap3A_491] {strides = array<i32>} : memref<128xi32, #tpu.memory_space<vmem>>, vector<16xi32>,
        tpu.vector_store %arg19[%swap3A_491], %get3A_490 {strides = array<i32>} : memref<128xi32, #tpu.memory_space<vmem>>, vector<16xi32>,
        %mul3A_493 = arith.constant 128 : i32
        %mul3A_494 = arith.muli %add3A_435, %mul3A_493 : i32
        %add3A_495 = arith.constant 80 : i32
        %add3A_496 = arith.addi %mul3A_494, %add3A_495 : i32
        %get3A_497 = arith.index_cast %add3A_496 : i32 to index
        %get3A_498 = tpu.vector_load %arg14[%get3A_497] {strides = array<i32>} : memref<2704xi32, #tpu.memory_space<vmem>>, vector<16xi32>,
        %swap3A_499 = arith.constant 80 : index
        %swap3A_500 = tpu.vector_load %arg19[%swap3A_499] {strides = array<i32>} : memref<128xi32, #tpu.memory_space<vmem>>, vector<16xi32>,
        tpu.vector_store %arg19[%swap3A_499], %get3A_498 {strides = array<i32>} : memref<128xi32, #tpu.memory_space<vmem>>, vector<16xi32>,
        %mul3A_501 = arith.constant 128 : i32
        %mul3A_502 = arith.muli %add3A_435, %mul3A_501 : i32
        %add3A_503 = arith.constant 96 : i32
        %add3A_504 = arith.addi %mul3A_502, %add3A_503 : i32
        %get3A_505 = arith.index_cast %add3A_504 : i32 to index
        %get3A_506 = tpu.vector_load %arg14[%get3A_505] {strides = array<i32>} : memref<2704xi32, #tpu.memory_space<vmem>>, vector<16xi32>,
        %swap3A_507 = arith.constant 96 : index
        %swap3A_508 = tpu.vector_load %arg19[%swap3A_507] {strides = array<i32>} : memref<128xi32, #tpu.memory_space<vmem>>, vector<16xi32>,
        tpu.vector_store %arg19[%swap3A_507], %get3A_506 {strides = array<i32>} : memref<128xi32, #tpu.memory_space<vmem>>, vector<16xi32>,
        %mul3A_509 = arith.constant 128 : i32
        %mul3A_510 = arith.muli %add3A_435, %mul3A_509 : i32
        %add3A_511 = arith.constant 112 : i32
        %add3A_512 = arith.addi %mul3A_510, %add3A_511 : i32
        %get3A_513 = arith.index_cast %add3A_512 : i32 to index
        %get3A_514 = tpu.vector_load %arg14[%get3A_513] {strides = array<i32>} : memref<2704xi32, #tpu.memory_space<vmem>>, vector<16xi32>,
        %swap3A_515 = arith.constant 112 : index
        %swap3A_516 = tpu.vector_load %arg19[%swap3A_515] {strides = array<i32>} : memref<128xi32, #tpu.memory_space<vmem>>, vector<16xi32>,
        tpu.vector_store %arg19[%swap3A_515], %get3A_514 {strides = array<i32>} : memref<128xi32, #tpu.memory_space<vmem>>, vector<16xi32>,
        %dma_wait3A = arith.constant 0 : i32
        %dma_wait3A_517 = arith.constant 0 : i32
        %dma_wait3A_518 = tpu.memref_slice %arg5[%dma_wait3A, %dma_wait3A_517] : memref<100000x64xf32, #tpu.memory_space<hbm>> -> memref<128x64xf32, #tpu.memory_space<hbm>>
        %dma_wait3A_519 = arith.constant 0 : i32
        %dma_wait3A_520 = arith.constant 0 : i32
        %dma_wait3A_521 = tpu.memref_slice %arg5[%dma_wait3A_519, %dma_wait3A_520] : memref<100000x64xf32, #tpu.memory_space<hbm>> -> memref<128x64xf32, #tpu.memory_space<hbm>>
        tpu.wait_dma2 semaphore(%arg25 : memref<!tpu.dma_semaphore, #tpu.memory_space<semaphore_mem>>) src(%dma_wait3A_521 : memref<128x64xf32, #tpu.memory_space<hbm>>) dst(%arg21 : memref<128x64xf32, #tpu.memory_space<vmem>>)
        "tpu.region"() ({
          %run_scoped3A = tpu.sem_alloc : memref<!tpu.dma_semaphore, #tpu.memory_space<semaphore_mem>>
          %dma_start3A = arith.constant 0 : i32
          %dma_start3A_522 = arith.constant 0 : i32
          %dma_start3A_523 = tpu.memref_slice %arg27[%dma_start3A, %dma_start3A_522] : memref<4112x64xf32, #tpu.memory_space<vmem_shared>> -> memref<4112x64xf32, #tpu.memory_space<vmem_shared>>
          tpu.enqueue_indirect_dma source(%arg21 : memref<128x64xf32, #tpu.memory_space<vmem>>) target(%dma_start3A_523 : memref<4112x64xf32, #tpu.memory_space<vmem_shared>>) offsets(%arg19 : memref<128xi32, #tpu.memory_space<vmem>>) semaphore(%run_scoped3A : memref<!tpu.dma_semaphore, #tpu.memory_space<semaphore_mem>>) {add = true}
          %dma_wait3A_524 = arith.constant 0 : i32
          %dma_wait3A_525 = arith.constant 0 : i32
          %dma_wait3A_526 = tpu.memref_slice %arg27[%dma_wait3A_524, %dma_wait3A_525] : memref<4112x64xf32, #tpu.memory_space<vmem_shared>> -> memref<4112x64xf32, #tpu.memory_space<vmem_shared>>
          tpu.wait_indirect_dma semaphore(%run_scoped3A : memref<!tpu.dma_semaphore, #tpu.memory_space<semaphore_mem>>) src(%arg21 : memref<128x64xf32, #tpu.memory_space<vmem>>) dst(%dma_wait3A_526 : memref<4112x64xf32, #tpu.memory_space<vmem_shared>>)
          tpu.yield
        }) : () -> ()
      } else {
      }
      %mul3A_439 = arith.constant 2 : i32
      %mul3A_440 = arith.muli %while3A_430, %mul3A_439 : i32
      %add3A_441 = arith.constant 1 : i32
      %add3A_442 = arith.addi %mul3A_440, %add3A_441 : i32
      %lt3A_443 = arith.cmpi slt, %add3A_442, %select_n3A : i32
      %convert_element_type3A_444 = arith.extui %lt3A_443 : i1 to i32
      %cond3A_445 = arith.constant 0 : i32
      %cond3A_446 = arith.cmpi ne, %convert_element_type3A_444, %cond3A_445 : i32
      scf.if %cond3A_446 {
        %add3A_448 = arith.constant 1 : i32
        %add3A_449 = arith.addi %add3A_442, %add3A_448 : i32
        %lt3A_450 = arith.cmpi slt, %add3A_449, %select_n3A : i32
        %convert_element_type3A_451 = arith.extui %lt3A_450 : i1 to i32
        %cond3A_452 = arith.constant 0 : i32
        %cond3A_453 = arith.cmpi ne, %convert_element_type3A_451, %cond3A_452 : i32
        scf.if %cond3A_453 {
          %add3A_522 = arith.constant 1 : i32
          %add3A_523 = arith.addi %add3A_442, %add3A_522 : i32
          %mul3A_524 = arith.constant 128 : i32
          %mul3A_525 = arith.muli %add3A_523, %mul3A_524 : i32
          %dma_start3A = tpu.memref_slice %arg13[%mul3A_525] : memref<2704xi32, #tpu.memory_space<vmem>> -> memref<128xi32, #tpu.memory_space<vmem>>
          %dma_start3A_526 = arith.constant 0 : i32
          %dma_start3A_527 = arith.constant 0 : i32
          %dma_start3A_528 = tpu.memref_slice %arg5[%dma_start3A_526, %dma_start3A_527] : memref<100000x64xf32, #tpu.memory_space<hbm>> -> memref<100000x64xf32, #tpu.memory_space<hbm>>
          tpu.enqueue_indirect_dma source(%dma_start3A_528 : memref<100000x64xf32, #tpu.memory_space<hbm>>) target(%arg21 : memref<128x64xf32, #tpu.memory_space<vmem>>) offsets(%dma_start3A : memref<128xi32, #tpu.memory_space<vmem>>) semaphore(%arg25 : memref<!tpu.dma_semaphore, #tpu.memory_space<semaphore_mem>>)
        } else {
        }
        %mul3A_454 = arith.constant 128 : i32
        %mul3A_455 = arith.muli %add3A_442, %mul3A_454 : i32
        %add3A_456 = arith.constant 0 : i32
        %add3A_457 = arith.addi %mul3A_455, %add3A_456 : i32
        %get3A = arith.index_cast %add3A_457 : i32 to index
        %get3A_458 = tpu.vector_load %arg14[%get3A] {strides = array<i32>} : memref<2704xi32, #tpu.memory_space<vmem>>, vector<16xi32>,
        %swap3A_459 = arith.constant 0 : index
        %swap3A_460 = tpu.vector_load %arg20[%swap3A_459] {strides = array<i32>} : memref<128xi32, #tpu.memory_space<vmem>>, vector<16xi32>,
        tpu.vector_store %arg20[%swap3A_459], %get3A_458 {strides = array<i32>} : memref<128xi32, #tpu.memory_space<vmem>>, vector<16xi32>,
        %mul3A_461 = arith.constant 128 : i32
        %mul3A_462 = arith.muli %add3A_442, %mul3A_461 : i32
        %add3A_463 = arith.constant 16 : i32
        %add3A_464 = arith.addi %mul3A_462, %add3A_463 : i32
        %get3A_465 = arith.index_cast %add3A_464 : i32 to index
        %get3A_466 = tpu.vector_load %arg14[%get3A_465] {strides = array<i32>} : memref<2704xi32, #tpu.memory_space<vmem>>, vector<16xi32>,
        %swap3A_467 = arith.constant 16 : index
        %swap3A_468 = tpu.vector_load %arg20[%swap3A_467] {strides = array<i32>} : memref<128xi32, #tpu.memory_space<vmem>>, vector<16xi32>,
        tpu.vector_store %arg20[%swap3A_467], %get3A_466 {strides = array<i32>} : memref<128xi32, #tpu.memory_space<vmem>>, vector<16xi32>,
        %mul3A_469 = arith.constant 128 : i32
        %mul3A_470 = arith.muli %add3A_442, %mul3A_469 : i32
        %add3A_471 = arith.constant 32 : i32
        %add3A_472 = arith.addi %mul3A_470, %add3A_471 : i32
        %get3A_473 = arith.index_cast %add3A_472 : i32 to index
        %get3A_474 = tpu.vector_load %arg14[%get3A_473] {strides = array<i32>} : memref<2704xi32, #tpu.memory_space<vmem>>, vector<16xi32>,
        %swap3A_475 = arith.constant 32 : index
        %swap3A_476 = tpu.vector_load %arg20[%swap3A_475] {strides = array<i32>} : memref<128xi32, #tpu.memory_space<vmem>>, vector<16xi32>,
        tpu.vector_store %arg20[%swap3A_475], %get3A_474 {strides = array<i32>} : memref<128xi32, #tpu.memory_space<vmem>>, vector<16xi32>,
        %mul3A_477 = arith.constant 128 : i32
        %mul3A_478 = arith.muli %add3A_442, %mul3A_477 : i32
        %add3A_479 = arith.constant 48 : i32
        %add3A_480 = arith.addi %mul3A_478, %add3A_479 : i32
        %get3A_481 = arith.index_cast %add3A_480 : i32 to index
        %get3A_482 = tpu.vector_load %arg14[%get3A_481] {strides = array<i32>} : memref<2704xi32, #tpu.memory_space<vmem>>, vector<16xi32>,
        %swap3A_483 = arith.constant 48 : index
        %swap3A_484 = tpu.vector_load %arg20[%swap3A_483] {strides = array<i32>} : memref<128xi32, #tpu.memory_space<vmem>>, vector<16xi32>,
        tpu.vector_store %arg20[%swap3A_483], %get3A_482 {strides = array<i32>} : memref<128xi32, #tpu.memory_space<vmem>>, vector<16xi32>,
        %mul3A_485 = arith.constant 128 : i32
        %mul3A_486 = arith.muli %add3A_442, %mul3A_485 : i32
        %add3A_487 = arith.constant 64 : i32
        %add3A_488 = arith.addi %mul3A_486, %add3A_487 : i32
        %get3A_489 = arith.index_cast %add3A_488 : i32 to index
        %get3A_490 = tpu.vector_load %arg14[%get3A_489] {strides = array<i32>} : memref<2704xi32, #tpu.memory_space<vmem>>, vector<16xi32>,
        %swap3A_491 = arith.constant 64 : index
        %swap3A_492 = tpu.vector_load %arg20[%swap3A_491] {strides = array<i32>} : memref<128xi32, #tpu.memory_space<vmem>>, vector<16xi32>,
        tpu.vector_store %arg20[%swap3A_491], %get3A_490 {strides = array<i32>} : memref<128xi32, #tpu.memory_space<vmem>>, vector<16xi32>,
        %mul3A_493 = arith.constant 128 : i32
        %mul3A_494 = arith.muli %add3A_442, %mul3A_493 : i32
        %add3A_495 = arith.constant 80 : i32
        %add3A_496 = arith.addi %mul3A_494, %add3A_495 : i32
        %get3A_497 = arith.index_cast %add3A_496 : i32 to index
        %get3A_498 = tpu.vector_load %arg14[%get3A_497] {strides = array<i32>} : memref<2704xi32, #tpu.memory_space<vmem>>, vector<16xi32>,
        %swap3A_499 = arith.constant 80 : index
        %swap3A_500 = tpu.vector_load %arg20[%swap3A_499] {strides = array<i32>} : memref<128xi32, #tpu.memory_space<vmem>>, vector<16xi32>,
        tpu.vector_store %arg20[%swap3A_499], %get3A_498 {strides = array<i32>} : memref<128xi32, #tpu.memory_space<vmem>>, vector<16xi32>,
        %mul3A_501 = arith.constant 128 : i32
        %mul3A_502 = arith.muli %add3A_442, %mul3A_501 : i32
        %add3A_503 = arith.constant 96 : i32
        %add3A_504 = arith.addi %mul3A_502, %add3A_503 : i32
        %get3A_505 = arith.index_cast %add3A_504 : i32 to index
        %get3A_506 = tpu.vector_load %arg14[%get3A_505] {strides = array<i32>} : memref<2704xi32, #tpu.memory_space<vmem>>, vector<16xi32>,
        %swap3A_507 = arith.constant 96 : index
        %swap3A_508 = tpu.vector_load %arg20[%swap3A_507] {strides = array<i32>} : memref<128xi32, #tpu.memory_space<vmem>>, vector<16xi32>,
        tpu.vector_store %arg20[%swap3A_507], %get3A_506 {strides = array<i32>} : memref<128xi32, #tpu.memory_space<vmem>>, vector<16xi32>,
        %mul3A_509 = arith.constant 128 : i32
        %mul3A_510 = arith.muli %add3A_442, %mul3A_509 : i32
        %add3A_511 = arith.constant 112 : i32
        %add3A_512 = arith.addi %mul3A_510, %add3A_511 : i32
        %get3A_513 = arith.index_cast %add3A_512 : i32 to index
        %get3A_514 = tpu.vector_load %arg14[%get3A_513] {strides = array<i32>} : memref<2704xi32, #tpu.memory_space<vmem>>, vector<16xi32>,
        %swap3A_515 = arith.constant 112 : index
        %swap3A_516 = tpu.vector_load %arg20[%swap3A_515] {strides = array<i32>} : memref<128xi32, #tpu.memory_space<vmem>>, vector<16xi32>,
        tpu.vector_store %arg20[%swap3A_515], %get3A_514 {strides = array<i32>} : memref<128xi32, #tpu.memory_space<vmem>>, vector<16xi32>,
        %dma_wait3A = arith.constant 0 : i32
        %dma_wait3A_517 = arith.constant 0 : i32
        %dma_wait3A_518 = tpu.memref_slice %arg5[%dma_wait3A, %dma_wait3A_517] : memref<100000x64xf32, #tpu.memory_space<hbm>> -> memref<128x64xf32, #tpu.memory_space<hbm>>
        %dma_wait3A_519 = arith.constant 0 : i32
        %dma_wait3A_520 = arith.constant 0 : i32
        %dma_wait3A_521 = tpu.memref_slice %arg5[%dma_wait3A_519, %dma_wait3A_520] : memref<100000x64xf32, #tpu.memory_space<hbm>> -> memref<128x64xf32, #tpu.memory_space<hbm>>
        tpu.wait_dma2 semaphore(%arg26 : memref<!tpu.dma_semaphore, #tpu.memory_space<semaphore_mem>>) src(%dma_wait3A_521 : memref<128x64xf32, #tpu.memory_space<hbm>>) dst(%arg22 : memref<128x64xf32, #tpu.memory_space<vmem>>)
        "tpu.region"() ({
          %run_scoped3A = tpu.sem_alloc : memref<!tpu.dma_semaphore, #tpu.memory_space<semaphore_mem>>
          %dma_start3A = arith.constant 0 : i32
          %dma_start3A_522 = arith.constant 0 : i32
          %dma_start3A_523 = tpu.memref_slice %arg27[%dma_start3A, %dma_start3A_522] : memref<4112x64xf32, #tpu.memory_space<vmem_shared>> -> memref<4112x64xf32, #tpu.memory_space<vmem_shared>>
          tpu.enqueue_indirect_dma source(%arg22 : memref<128x64xf32, #tpu.memory_space<vmem>>) target(%dma_start3A_523 : memref<4112x64xf32, #tpu.memory_space<vmem_shared>>) offsets(%arg20 : memref<128xi32, #tpu.memory_space<vmem>>) semaphore(%run_scoped3A : memref<!tpu.dma_semaphore, #tpu.memory_space<semaphore_mem>>) {add = true}
          %dma_wait3A_524 = arith.constant 0 : i32
          %dma_wait3A_525 = arith.constant 0 : i32
          %dma_wait3A_526 = tpu.memref_slice %arg27[%dma_wait3A_524, %dma_wait3A_525] : memref<4112x64xf32, #tpu.memory_space<vmem_shared>> -> memref<4112x64xf32, #tpu.memory_space<vmem_shared>>
          tpu.wait_indirect_dma semaphore(%run_scoped3A : memref<!tpu.dma_semaphore, #tpu.memory_space<semaphore_mem>>) src(%arg22 : memref<128x64xf32, #tpu.memory_space<vmem>>) dst(%dma_wait3A_526 : memref<4112x64xf32, #tpu.memory_space<vmem_shared>>)
          tpu.yield
        }) : () -> ()
      } else {
      }
      %while3A_447 = arith.constant 0 : i32
      scf.yield %while3A_447 : i32
    }
    %add3A_275 = arith.constant 128 : i32
    %add3A_276 = arith.addi %scan3A_18#1, %add3A_275 : i32
    %sub3A_277 = arith.constant 1 : i32
    %sub3A_278 = arith.subi %add3A_276, %sub3A_277 : i32
    %jit3A_279 = arith.constant 128 : i32
    %div3A_280 = arith.divsi %sub3A_278, %jit3A_279 : i32
    %sign3A_281 = arith.constant 0 : i32
    %sign3A_282 = arith.cmpi sgt, %sub3A_278, %sign3A_281 : i32
    %sign3A_283 = arith.extui %sign3A_282 : i1 to i32
    %sign3A_284 = arith.constant 0 : i32
    %sign3A_285 = arith.cmpi slt, %sub3A_278, %sign3A_284 : i32
    %sign3A_286 = arith.extui %sign3A_285 : i1 to i32
    %sign3A_287 = arith.subi %sign3A_283, %sign3A_286 : i32
    %sign3A_288 = arith.constant 0 : i32
    %sign3A_289 = arith.cmpi sgt, %jit3A_279, %sign3A_288 : i32
    %sign3A_290 = arith.extui %sign3A_289 : i1 to i32
    %sign3A_291 = arith.constant 0 : i32
    %sign3A_292 = arith.cmpi slt, %jit3A_279, %sign3A_291 : i32
    %sign3A_293 = arith.extui %sign3A_292 : i1 to i32
    %sign3A_294 = arith.subi %sign3A_290, %sign3A_293 : i32
    %ne3A_295 = arith.cmpi ne, %sign3A_287, %sign3A_294 : i32
    %rem3A_296 = arith.remsi %sub3A_278, %jit3A_279 : i32
    %ne3A_297 = arith.constant 0 : i32
    %ne3A_298 = arith.cmpi ne, %rem3A_296, %ne3A_297 : i32
    %and3A_299 = arith.andi %ne3A_295, %ne3A_298 : i1
    %sub3A_300 = arith.constant 1 : i32
    %sub3A_301 = arith.subi %div3A_280, %sub3A_300 : i32
    %select_n3A_302 = arith.select %and3A_299, %sub3A_301, %div3A_280 : i32
    %gt3A_303 = arith.constant 0 : i32
    %gt3A_304 = arith.cmpi sgt, %select_n3A_302, %gt3A_303 : i32
    %convert_element_type3A_305 = arith.extui %gt3A_304 : i1 to i32
    %cond3A_306 = arith.constant 0 : i32
    %cond3A_307 = arith.cmpi ne, %convert_element_type3A_305, %cond3A_306 : i32
    scf.if %cond3A_307 {
      %dma_start3A = arith.constant 0 : i32
      %dma_start3A_430 = tpu.memref_slice %arg15[%dma_start3A] : memref<2704xi32, #tpu.memory_space<vmem>> -> memref<128xi32, #tpu.memory_space<vmem>>
      %dma_start3A_431 = arith.constant 0 : i32
      %dma_start3A_432 = arith.constant 0 : i32
      %dma_start3A_433 = tpu.memref_slice %arg6[%dma_start3A_431, %dma_start3A_432] : memref<500000x64xf32, #tpu.memory_space<hbm>> -> memref<500000x64xf32, #tpu.memory_space<hbm>>
      tpu.enqueue_indirect_dma source(%dma_start3A_433 : memref<500000x64xf32, #tpu.memory_space<hbm>>) target(%arg21 : memref<128x64xf32, #tpu.memory_space<vmem>>) offsets(%dma_start3A_430 : memref<128xi32, #tpu.memory_space<vmem>>) semaphore(%arg25 : memref<!tpu.dma_semaphore, #tpu.memory_space<semaphore_mem>>)
    } else {
    }
    %add3A_308 = arith.constant 1 : i32
    %add3A_309 = arith.addi %select_n3A_302, %add3A_308 : i32
    %jit3A_310 = arith.constant 2 : i32
    %div3A_311 = arith.divsi %add3A_309, %jit3A_310 : i32
    %sign3A_312 = arith.constant 0 : i32
    %sign3A_313 = arith.cmpi sgt, %add3A_309, %sign3A_312 : i32
    %sign3A_314 = arith.extui %sign3A_313 : i1 to i32
    %sign3A_315 = arith.constant 0 : i32
    %sign3A_316 = arith.cmpi slt, %add3A_309, %sign3A_315 : i32
    %sign3A_317 = arith.extui %sign3A_316 : i1 to i32
    %sign3A_318 = arith.subi %sign3A_314, %sign3A_317 : i32
    %sign3A_319 = arith.constant 0 : i32
    %sign3A_320 = arith.cmpi sgt, %jit3A_310, %sign3A_319 : i32
    %sign3A_321 = arith.extui %sign3A_320 : i1 to i32
    %sign3A_322 = arith.constant 0 : i32
    %sign3A_323 = arith.cmpi slt, %jit3A_310, %sign3A_322 : i32
    %sign3A_324 = arith.extui %sign3A_323 : i1 to i32
    %sign3A_325 = arith.subi %sign3A_321, %sign3A_324 : i32
    %ne3A_326 = arith.cmpi ne, %sign3A_318, %sign3A_325 : i32
    %rem3A_327 = arith.remsi %add3A_309, %jit3A_310 : i32
    %ne3A_328 = arith.constant 0 : i32
    %ne3A_329 = arith.cmpi ne, %rem3A_327, %ne3A_328 : i32
    %and3A_330 = arith.andi %ne3A_326, %ne3A_329 : i1
    %sub3A_331 = arith.constant 1 : i32
    %sub3A_332 = arith.subi %div3A_311, %sub3A_331 : i32
    %select_n3A_333 = arith.select %and3A_330, %sub3A_332, %div3A_311 : i32
    %while3A_334 = arith.constant 0 : i32
    %while3A_335 = arith.constant 0 : i32
    %while3A_336 = arith.subi %select_n3A_333, %while3A_334 : i32
    %while3A_337 = arith.addi %while3A_334, %while3A_336 : i32
    %while3A_338 = arith.constant 1 : i32
    %while3A_339 = arith.divsi %while3A_336, %while3A_338 : i32
    %while3A_340 = arith.muli %while3A_339, %while3A_338 : i32
    %while3A_341 = arith.addi %while3A_334, %while3A_340 : i32
    %while3A_342 = arith.constant 1 : i32
    %while3A_343 = scf.for %while3A_430 = %while3A_334 to %while3A_341 step %while3A_342 iter_args(%while3A_431 = %while3A_335) -> (i32)  : i32 {
      %mul3A_432 = arith.constant 2 : i32
      %mul3A_433 = arith.muli %while3A_430, %mul3A_432 : i32
      %add3A_434 = arith.constant 0 : i32
      %add3A_435 = arith.addi %mul3A_433, %add3A_434 : i32
      %lt3A = arith.cmpi slt, %add3A_435, %select_n3A_302 : i32
      %convert_element_type3A_436 = arith.extui %lt3A : i1 to i32
      %cond3A_437 = arith.constant 0 : i32
      %cond3A_438 = arith.cmpi ne, %convert_element_type3A_436, %cond3A_437 : i32
      scf.if %cond3A_438 {
        %add3A_448 = arith.constant 1 : i32
        %add3A_449 = arith.addi %add3A_435, %add3A_448 : i32
        %lt3A_450 = arith.cmpi slt, %add3A_449, %select_n3A_302 : i32
        %convert_element_type3A_451 = arith.extui %lt3A_450 : i1 to i32
        %cond3A_452 = arith.constant 0 : i32
        %cond3A_453 = arith.cmpi ne, %convert_element_type3A_451, %cond3A_452 : i32
        scf.if %cond3A_453 {
          %add3A_522 = arith.constant 1 : i32
          %add3A_523 = arith.addi %add3A_435, %add3A_522 : i32
          %mul3A_524 = arith.constant 128 : i32
          %mul3A_525 = arith.muli %add3A_523, %mul3A_524 : i32
          %dma_start3A = tpu.memref_slice %arg15[%mul3A_525] : memref<2704xi32, #tpu.memory_space<vmem>> -> memref<128xi32, #tpu.memory_space<vmem>>
          %dma_start3A_526 = arith.constant 0 : i32
          %dma_start3A_527 = arith.constant 0 : i32
          %dma_start3A_528 = tpu.memref_slice %arg6[%dma_start3A_526, %dma_start3A_527] : memref<500000x64xf32, #tpu.memory_space<hbm>> -> memref<500000x64xf32, #tpu.memory_space<hbm>>
          tpu.enqueue_indirect_dma source(%dma_start3A_528 : memref<500000x64xf32, #tpu.memory_space<hbm>>) target(%arg22 : memref<128x64xf32, #tpu.memory_space<vmem>>) offsets(%dma_start3A : memref<128xi32, #tpu.memory_space<vmem>>) semaphore(%arg26 : memref<!tpu.dma_semaphore, #tpu.memory_space<semaphore_mem>>)
        } else {
        }
        %mul3A_454 = arith.constant 128 : i32
        %mul3A_455 = arith.muli %add3A_435, %mul3A_454 : i32
        %add3A_456 = arith.constant 0 : i32
        %add3A_457 = arith.addi %mul3A_455, %add3A_456 : i32
        %get3A = arith.index_cast %add3A_457 : i32 to index
        %get3A_458 = tpu.vector_load %arg16[%get3A] {strides = array<i32>} : memref<2704xi32, #tpu.memory_space<vmem>>, vector<16xi32>,
        %swap3A_459 = arith.constant 0 : index
        %swap3A_460 = tpu.vector_load %arg19[%swap3A_459] {strides = array<i32>} : memref<128xi32, #tpu.memory_space<vmem>>, vector<16xi32>,
        tpu.vector_store %arg19[%swap3A_459], %get3A_458 {strides = array<i32>} : memref<128xi32, #tpu.memory_space<vmem>>, vector<16xi32>,
        %mul3A_461 = arith.constant 128 : i32
        %mul3A_462 = arith.muli %add3A_435, %mul3A_461 : i32
        %add3A_463 = arith.constant 16 : i32
        %add3A_464 = arith.addi %mul3A_462, %add3A_463 : i32
        %get3A_465 = arith.index_cast %add3A_464 : i32 to index
        %get3A_466 = tpu.vector_load %arg16[%get3A_465] {strides = array<i32>} : memref<2704xi32, #tpu.memory_space<vmem>>, vector<16xi32>,
        %swap3A_467 = arith.constant 16 : index
        %swap3A_468 = tpu.vector_load %arg19[%swap3A_467] {strides = array<i32>} : memref<128xi32, #tpu.memory_space<vmem>>, vector<16xi32>,
        tpu.vector_store %arg19[%swap3A_467], %get3A_466 {strides = array<i32>} : memref<128xi32, #tpu.memory_space<vmem>>, vector<16xi32>,
        %mul3A_469 = arith.constant 128 : i32
        %mul3A_470 = arith.muli %add3A_435, %mul3A_469 : i32
        %add3A_471 = arith.constant 32 : i32
        %add3A_472 = arith.addi %mul3A_470, %add3A_471 : i32
        %get3A_473 = arith.index_cast %add3A_472 : i32 to index
        %get3A_474 = tpu.vector_load %arg16[%get3A_473] {strides = array<i32>} : memref<2704xi32, #tpu.memory_space<vmem>>, vector<16xi32>,
        %swap3A_475 = arith.constant 32 : index
        %swap3A_476 = tpu.vector_load %arg19[%swap3A_475] {strides = array<i32>} : memref<128xi32, #tpu.memory_space<vmem>>, vector<16xi32>,
        tpu.vector_store %arg19[%swap3A_475], %get3A_474 {strides = array<i32>} : memref<128xi32, #tpu.memory_space<vmem>>, vector<16xi32>,
        %mul3A_477 = arith.constant 128 : i32
        %mul3A_478 = arith.muli %add3A_435, %mul3A_477 : i32
        %add3A_479 = arith.constant 48 : i32
        %add3A_480 = arith.addi %mul3A_478, %add3A_479 : i32
        %get3A_481 = arith.index_cast %add3A_480 : i32 to index
        %get3A_482 = tpu.vector_load %arg16[%get3A_481] {strides = array<i32>} : memref<2704xi32, #tpu.memory_space<vmem>>, vector<16xi32>,
        %swap3A_483 = arith.constant 48 : index
        %swap3A_484 = tpu.vector_load %arg19[%swap3A_483] {strides = array<i32>} : memref<128xi32, #tpu.memory_space<vmem>>, vector<16xi32>,
        tpu.vector_store %arg19[%swap3A_483], %get3A_482 {strides = array<i32>} : memref<128xi32, #tpu.memory_space<vmem>>, vector<16xi32>,
        %mul3A_485 = arith.constant 128 : i32
        %mul3A_486 = arith.muli %add3A_435, %mul3A_485 : i32
        %add3A_487 = arith.constant 64 : i32
        %add3A_488 = arith.addi %mul3A_486, %add3A_487 : i32
        %get3A_489 = arith.index_cast %add3A_488 : i32 to index
        %get3A_490 = tpu.vector_load %arg16[%get3A_489] {strides = array<i32>} : memref<2704xi32, #tpu.memory_space<vmem>>, vector<16xi32>,
        %swap3A_491 = arith.constant 64 : index
        %swap3A_492 = tpu.vector_load %arg19[%swap3A_491] {strides = array<i32>} : memref<128xi32, #tpu.memory_space<vmem>>, vector<16xi32>,
        tpu.vector_store %arg19[%swap3A_491], %get3A_490 {strides = array<i32>} : memref<128xi32, #tpu.memory_space<vmem>>, vector<16xi32>,
        %mul3A_493 = arith.constant 128 : i32
        %mul3A_494 = arith.muli %add3A_435, %mul3A_493 : i32
        %add3A_495 = arith.constant 80 : i32
        %add3A_496 = arith.addi %mul3A_494, %add3A_495 : i32
        %get3A_497 = arith.index_cast %add3A_496 : i32 to index
        %get3A_498 = tpu.vector_load %arg16[%get3A_497] {strides = array<i32>} : memref<2704xi32, #tpu.memory_space<vmem>>, vector<16xi32>,
        %swap3A_499 = arith.constant 80 : index
        %swap3A_500 = tpu.vector_load %arg19[%swap3A_499] {strides = array<i32>} : memref<128xi32, #tpu.memory_space<vmem>>, vector<16xi32>,
        tpu.vector_store %arg19[%swap3A_499], %get3A_498 {strides = array<i32>} : memref<128xi32, #tpu.memory_space<vmem>>, vector<16xi32>,
        %mul3A_501 = arith.constant 128 : i32
        %mul3A_502 = arith.muli %add3A_435, %mul3A_501 : i32
        %add3A_503 = arith.constant 96 : i32
        %add3A_504 = arith.addi %mul3A_502, %add3A_503 : i32
        %get3A_505 = arith.index_cast %add3A_504 : i32 to index
        %get3A_506 = tpu.vector_load %arg16[%get3A_505] {strides = array<i32>} : memref<2704xi32, #tpu.memory_space<vmem>>, vector<16xi32>,
        %swap3A_507 = arith.constant 96 : index
        %swap3A_508 = tpu.vector_load %arg19[%swap3A_507] {strides = array<i32>} : memref<128xi32, #tpu.memory_space<vmem>>, vector<16xi32>,
        tpu.vector_store %arg19[%swap3A_507], %get3A_506 {strides = array<i32>} : memref<128xi32, #tpu.memory_space<vmem>>, vector<16xi32>,
        %mul3A_509 = arith.constant 128 : i32
        %mul3A_510 = arith.muli %add3A_435, %mul3A_509 : i32
        %add3A_511 = arith.constant 112 : i32
        %add3A_512 = arith.addi %mul3A_510, %add3A_511 : i32
        %get3A_513 = arith.index_cast %add3A_512 : i32 to index
        %get3A_514 = tpu.vector_load %arg16[%get3A_513] {strides = array<i32>} : memref<2704xi32, #tpu.memory_space<vmem>>, vector<16xi32>,
        %swap3A_515 = arith.constant 112 : index
        %swap3A_516 = tpu.vector_load %arg19[%swap3A_515] {strides = array<i32>} : memref<128xi32, #tpu.memory_space<vmem>>, vector<16xi32>,
        tpu.vector_store %arg19[%swap3A_515], %get3A_514 {strides = array<i32>} : memref<128xi32, #tpu.memory_space<vmem>>, vector<16xi32>,
        %dma_wait3A = arith.constant 0 : i32
        %dma_wait3A_517 = arith.constant 0 : i32
        %dma_wait3A_518 = tpu.memref_slice %arg6[%dma_wait3A, %dma_wait3A_517] : memref<500000x64xf32, #tpu.memory_space<hbm>> -> memref<128x64xf32, #tpu.memory_space<hbm>>
        %dma_wait3A_519 = arith.constant 0 : i32
        %dma_wait3A_520 = arith.constant 0 : i32
        %dma_wait3A_521 = tpu.memref_slice %arg6[%dma_wait3A_519, %dma_wait3A_520] : memref<500000x64xf32, #tpu.memory_space<hbm>> -> memref<128x64xf32, #tpu.memory_space<hbm>>
        tpu.wait_dma2 semaphore(%arg25 : memref<!tpu.dma_semaphore, #tpu.memory_space<semaphore_mem>>) src(%dma_wait3A_521 : memref<128x64xf32, #tpu.memory_space<hbm>>) dst(%arg21 : memref<128x64xf32, #tpu.memory_space<vmem>>)
        "tpu.region"() ({
          %run_scoped3A = tpu.sem_alloc : memref<!tpu.dma_semaphore, #tpu.memory_space<semaphore_mem>>
          %dma_start3A = arith.constant 0 : i32
          %dma_start3A_522 = arith.constant 0 : i32
          %dma_start3A_523 = tpu.memref_slice %arg27[%dma_start3A, %dma_start3A_522] : memref<4112x64xf32, #tpu.memory_space<vmem_shared>> -> memref<4112x64xf32, #tpu.memory_space<vmem_shared>>
          tpu.enqueue_indirect_dma source(%arg21 : memref<128x64xf32, #tpu.memory_space<vmem>>) target(%dma_start3A_523 : memref<4112x64xf32, #tpu.memory_space<vmem_shared>>) offsets(%arg19 : memref<128xi32, #tpu.memory_space<vmem>>) semaphore(%run_scoped3A : memref<!tpu.dma_semaphore, #tpu.memory_space<semaphore_mem>>) {add = true}
          %dma_wait3A_524 = arith.constant 0 : i32
          %dma_wait3A_525 = arith.constant 0 : i32
          %dma_wait3A_526 = tpu.memref_slice %arg27[%dma_wait3A_524, %dma_wait3A_525] : memref<4112x64xf32, #tpu.memory_space<vmem_shared>> -> memref<4112x64xf32, #tpu.memory_space<vmem_shared>>
          tpu.wait_indirect_dma semaphore(%run_scoped3A : memref<!tpu.dma_semaphore, #tpu.memory_space<semaphore_mem>>) src(%arg21 : memref<128x64xf32, #tpu.memory_space<vmem>>) dst(%dma_wait3A_526 : memref<4112x64xf32, #tpu.memory_space<vmem_shared>>)
          tpu.yield
        }) : () -> ()
      } else {
      }
      %mul3A_439 = arith.constant 2 : i32
      %mul3A_440 = arith.muli %while3A_430, %mul3A_439 : i32
      %add3A_441 = arith.constant 1 : i32
      %add3A_442 = arith.addi %mul3A_440, %add3A_441 : i32
      %lt3A_443 = arith.cmpi slt, %add3A_442, %select_n3A_302 : i32
      %convert_element_type3A_444 = arith.extui %lt3A_443 : i1 to i32
      %cond3A_445 = arith.constant 0 : i32
      %cond3A_446 = arith.cmpi ne, %convert_element_type3A_444, %cond3A_445 : i32
      scf.if %cond3A_446 {
        %add3A_448 = arith.constant 1 : i32
        %add3A_449 = arith.addi %add3A_442, %add3A_448 : i32
        %lt3A_450 = arith.cmpi slt, %add3A_449, %select_n3A_302 : i32
        %convert_element_type3A_451 = arith.extui %lt3A_450 : i1 to i32
        %cond3A_452 = arith.constant 0 : i32
        %cond3A_453 = arith.cmpi ne, %convert_element_type3A_451, %cond3A_452 : i32
        scf.if %cond3A_453 {
          %add3A_522 = arith.constant 1 : i32
          %add3A_523 = arith.addi %add3A_442, %add3A_522 : i32
          %mul3A_524 = arith.constant 128 : i32
          %mul3A_525 = arith.muli %add3A_523, %mul3A_524 : i32
          %dma_start3A = tpu.memref_slice %arg15[%mul3A_525] : memref<2704xi32, #tpu.memory_space<vmem>> -> memref<128xi32, #tpu.memory_space<vmem>>
          %dma_start3A_526 = arith.constant 0 : i32
          %dma_start3A_527 = arith.constant 0 : i32
          %dma_start3A_528 = tpu.memref_slice %arg6[%dma_start3A_526, %dma_start3A_527] : memref<500000x64xf32, #tpu.memory_space<hbm>> -> memref<500000x64xf32, #tpu.memory_space<hbm>>
          tpu.enqueue_indirect_dma source(%dma_start3A_528 : memref<500000x64xf32, #tpu.memory_space<hbm>>) target(%arg21 : memref<128x64xf32, #tpu.memory_space<vmem>>) offsets(%dma_start3A : memref<128xi32, #tpu.memory_space<vmem>>) semaphore(%arg25 : memref<!tpu.dma_semaphore, #tpu.memory_space<semaphore_mem>>)
        } else {
        }
        %mul3A_454 = arith.constant 128 : i32
        %mul3A_455 = arith.muli %add3A_442, %mul3A_454 : i32
        %add3A_456 = arith.constant 0 : i32
        %add3A_457 = arith.addi %mul3A_455, %add3A_456 : i32
        %get3A = arith.index_cast %add3A_457 : i32 to index
        %get3A_458 = tpu.vector_load %arg16[%get3A] {strides = array<i32>} : memref<2704xi32, #tpu.memory_space<vmem>>, vector<16xi32>,
        %swap3A_459 = arith.constant 0 : index
        %swap3A_460 = tpu.vector_load %arg20[%swap3A_459] {strides = array<i32>} : memref<128xi32, #tpu.memory_space<vmem>>, vector<16xi32>,
        tpu.vector_store %arg20[%swap3A_459], %get3A_458 {strides = array<i32>} : memref<128xi32, #tpu.memory_space<vmem>>, vector<16xi32>,
        %mul3A_461 = arith.constant 128 : i32
        %mul3A_462 = arith.muli %add3A_442, %mul3A_461 : i32
        %add3A_463 = arith.constant 16 : i32
        %add3A_464 = arith.addi %mul3A_462, %add3A_463 : i32
        %get3A_465 = arith.index_cast %add3A_464 : i32 to index
        %get3A_466 = tpu.vector_load %arg16[%get3A_465] {strides = array<i32>} : memref<2704xi32, #tpu.memory_space<vmem>>, vector<16xi32>,
        %swap3A_467 = arith.constant 16 : index
        %swap3A_468 = tpu.vector_load %arg20[%swap3A_467] {strides = array<i32>} : memref<128xi32, #tpu.memory_space<vmem>>, vector<16xi32>,
        tpu.vector_store %arg20[%swap3A_467], %get3A_466 {strides = array<i32>} : memref<128xi32, #tpu.memory_space<vmem>>, vector<16xi32>,
        %mul3A_469 = arith.constant 128 : i32
        %mul3A_470 = arith.muli %add3A_442, %mul3A_469 : i32
        %add3A_471 = arith.constant 32 : i32
        %add3A_472 = arith.addi %mul3A_470, %add3A_471 : i32
        %get3A_473 = arith.index_cast %add3A_472 : i32 to index
        %get3A_474 = tpu.vector_load %arg16[%get3A_473] {strides = array<i32>} : memref<2704xi32, #tpu.memory_space<vmem>>, vector<16xi32>,
        %swap3A_475 = arith.constant 32 : index
        %swap3A_476 = tpu.vector_load %arg20[%swap3A_475] {strides = array<i32>} : memref<128xi32, #tpu.memory_space<vmem>>, vector<16xi32>,
        tpu.vector_store %arg20[%swap3A_475], %get3A_474 {strides = array<i32>} : memref<128xi32, #tpu.memory_space<vmem>>, vector<16xi32>,
        %mul3A_477 = arith.constant 128 : i32
        %mul3A_478 = arith.muli %add3A_442, %mul3A_477 : i32
        %add3A_479 = arith.constant 48 : i32
        %add3A_480 = arith.addi %mul3A_478, %add3A_479 : i32
        %get3A_481 = arith.index_cast %add3A_480 : i32 to index
        %get3A_482 = tpu.vector_load %arg16[%get3A_481] {strides = array<i32>} : memref<2704xi32, #tpu.memory_space<vmem>>, vector<16xi32>,
        %swap3A_483 = arith.constant 48 : index
        %swap3A_484 = tpu.vector_load %arg20[%swap3A_483] {strides = array<i32>} : memref<128xi32, #tpu.memory_space<vmem>>, vector<16xi32>,
        tpu.vector_store %arg20[%swap3A_483], %get3A_482 {strides = array<i32>} : memref<128xi32, #tpu.memory_space<vmem>>, vector<16xi32>,
        %mul3A_485 = arith.constant 128 : i32
        %mul3A_486 = arith.muli %add3A_442, %mul3A_485 : i32
        %add3A_487 = arith.constant 64 : i32
        %add3A_488 = arith.addi %mul3A_486, %add3A_487 : i32
        %get3A_489 = arith.index_cast %add3A_488 : i32 to index
        %get3A_490 = tpu.vector_load %arg16[%get3A_489] {strides = array<i32>} : memref<2704xi32, #tpu.memory_space<vmem>>, vector<16xi32>,
        %swap3A_491 = arith.constant 64 : index
        %swap3A_492 = tpu.vector_load %arg20[%swap3A_491] {strides = array<i32>} : memref<128xi32, #tpu.memory_space<vmem>>, vector<16xi32>,
        tpu.vector_store %arg20[%swap3A_491], %get3A_490 {strides = array<i32>} : memref<128xi32, #tpu.memory_space<vmem>>, vector<16xi32>,
        %mul3A_493 = arith.constant 128 : i32
        %mul3A_494 = arith.muli %add3A_442, %mul3A_493 : i32
        %add3A_495 = arith.constant 80 : i32
        %add3A_496 = arith.addi %mul3A_494, %add3A_495 : i32
        %get3A_497 = arith.index_cast %add3A_496 : i32 to index
        %get3A_498 = tpu.vector_load %arg16[%get3A_497] {strides = array<i32>} : memref<2704xi32, #tpu.memory_space<vmem>>, vector<16xi32>,
        %swap3A_499 = arith.constant 80 : index
        %swap3A_500 = tpu.vector_load %arg20[%swap3A_499] {strides = array<i32>} : memref<128xi32, #tpu.memory_space<vmem>>, vector<16xi32>,
        tpu.vector_store %arg20[%swap3A_499], %get3A_498 {strides = array<i32>} : memref<128xi32, #tpu.memory_space<vmem>>, vector<16xi32>,
        %mul3A_501 = arith.constant 128 : i32
        %mul3A_502 = arith.muli %add3A_442, %mul3A_501 : i32
        %add3A_503 = arith.constant 96 : i32
        %add3A_504 = arith.addi %mul3A_502, %add3A_503 : i32
        %get3A_505 = arith.index_cast %add3A_504 : i32 to index
        %get3A_506 = tpu.vector_load %arg16[%get3A_505] {strides = array<i32>} : memref<2704xi32, #tpu.memory_space<vmem>>, vector<16xi32>,
        %swap3A_507 = arith.constant 96 : index
        %swap3A_508 = tpu.vector_load %arg20[%swap3A_507] {strides = array<i32>} : memref<128xi32, #tpu.memory_space<vmem>>, vector<16xi32>,
        tpu.vector_store %arg20[%swap3A_507], %get3A_506 {strides = array<i32>} : memref<128xi32, #tpu.memory_space<vmem>>, vector<16xi32>,
        %mul3A_509 = arith.constant 128 : i32
        %mul3A_510 = arith.muli %add3A_442, %mul3A_509 : i32
        %add3A_511 = arith.constant 112 : i32
        %add3A_512 = arith.addi %mul3A_510, %add3A_511 : i32
        %get3A_513 = arith.index_cast %add3A_512 : i32 to index
        %get3A_514 = tpu.vector_load %arg16[%get3A_513] {strides = array<i32>} : memref<2704xi32, #tpu.memory_space<vmem>>, vector<16xi32>,
        %swap3A_515 = arith.constant 112 : index
        %swap3A_516 = tpu.vector_load %arg20[%swap3A_515] {strides = array<i32>} : memref<128xi32, #tpu.memory_space<vmem>>, vector<16xi32>,
        tpu.vector_store %arg20[%swap3A_515], %get3A_514 {strides = array<i32>} : memref<128xi32, #tpu.memory_space<vmem>>, vector<16xi32>,
        %dma_wait3A = arith.constant 0 : i32
        %dma_wait3A_517 = arith.constant 0 : i32
        %dma_wait3A_518 = tpu.memref_slice %arg6[%dma_wait3A, %dma_wait3A_517] : memref<500000x64xf32, #tpu.memory_space<hbm>> -> memref<128x64xf32, #tpu.memory_space<hbm>>
        %dma_wait3A_519 = arith.constant 0 : i32
        %dma_wait3A_520 = arith.constant 0 : i32
        %dma_wait3A_521 = tpu.memref_slice %arg6[%dma_wait3A_519, %dma_wait3A_520] : memref<500000x64xf32, #tpu.memory_space<hbm>> -> memref<128x64xf32, #tpu.memory_space<hbm>>
        tpu.wait_dma2 semaphore(%arg26 : memref<!tpu.dma_semaphore, #tpu.memory_space<semaphore_mem>>) src(%dma_wait3A_521 : memref<128x64xf32, #tpu.memory_space<hbm>>) dst(%arg22 : memref<128x64xf32, #tpu.memory_space<vmem>>)
        "tpu.region"() ({
          %run_scoped3A = tpu.sem_alloc : memref<!tpu.dma_semaphore, #tpu.memory_space<semaphore_mem>>
          %dma_start3A = arith.constant 0 : i32
          %dma_start3A_522 = arith.constant 0 : i32
          %dma_start3A_523 = tpu.memref_slice %arg27[%dma_start3A, %dma_start3A_522] : memref<4112x64xf32, #tpu.memory_space<vmem_shared>> -> memref<4112x64xf32, #tpu.memory_space<vmem_shared>>
          tpu.enqueue_indirect_dma source(%arg22 : memref<128x64xf32, #tpu.memory_space<vmem>>) target(%dma_start3A_523 : memref<4112x64xf32, #tpu.memory_space<vmem_shared>>) offsets(%arg20 : memref<128xi32, #tpu.memory_space<vmem>>) semaphore(%run_scoped3A : memref<!tpu.dma_semaphore, #tpu.memory_space<semaphore_mem>>) {add = true}
          %dma_wait3A_524 = arith.constant 0 : i32
          %dma_wait3A_525 = arith.constant 0 : i32
          %dma_wait3A_526 = tpu.memref_slice %arg27[%dma_wait3A_524, %dma_wait3A_525] : memref<4112x64xf32, #tpu.memory_space<vmem_shared>> -> memref<4112x64xf32, #tpu.memory_space<vmem_shared>>
          tpu.wait_indirect_dma semaphore(%run_scoped3A : memref<!tpu.dma_semaphore, #tpu.memory_space<semaphore_mem>>) src(%arg22 : memref<128x64xf32, #tpu.memory_space<vmem>>) dst(%dma_wait3A_526 : memref<4112x64xf32, #tpu.memory_space<vmem_shared>>)
          tpu.yield
        }) : () -> ()
      } else {
      }
      %while3A_447 = arith.constant 0 : i32
      scf.yield %while3A_447 : i32
    }
    %while3A_344 = arith.constant 1 : i32
    %while3A_345 = scf.for %while3A_430 = %while3A_341 to %while3A_337 step %while3A_344 iter_args(%while3A_431 = %while3A_343) -> (i32)  : i32 {
      %mul3A_432 = arith.constant 2 : i32
      %mul3A_433 = arith.muli %while3A_430, %mul3A_432 : i32
      %add3A_434 = arith.constant 0 : i32
      %add3A_435 = arith.addi %mul3A_433, %add3A_434 : i32
      %lt3A = arith.cmpi slt, %add3A_435, %select_n3A_302 : i32
      %convert_element_type3A_436 = arith.extui %lt3A : i1 to i32
      %cond3A_437 = arith.constant 0 : i32
      %cond3A_438 = arith.cmpi ne, %convert_element_type3A_436, %cond3A_437 : i32
      scf.if %cond3A_438 {
        %add3A_448 = arith.constant 1 : i32
        %add3A_449 = arith.addi %add3A_435, %add3A_448 : i32
        %lt3A_450 = arith.cmpi slt, %add3A_449, %select_n3A_302 : i32
        %convert_element_type3A_451 = arith.extui %lt3A_450 : i1 to i32
        %cond3A_452 = arith.constant 0 : i32
        %cond3A_453 = arith.cmpi ne, %convert_element_type3A_451, %cond3A_452 : i32
        scf.if %cond3A_453 {
          %add3A_522 = arith.constant 1 : i32
          %add3A_523 = arith.addi %add3A_435, %add3A_522 : i32
          %mul3A_524 = arith.constant 128 : i32
          %mul3A_525 = arith.muli %add3A_523, %mul3A_524 : i32
          %dma_start3A = tpu.memref_slice %arg15[%mul3A_525] : memref<2704xi32, #tpu.memory_space<vmem>> -> memref<128xi32, #tpu.memory_space<vmem>>
          %dma_start3A_526 = arith.constant 0 : i32
          %dma_start3A_527 = arith.constant 0 : i32
          %dma_start3A_528 = tpu.memref_slice %arg6[%dma_start3A_526, %dma_start3A_527] : memref<500000x64xf32, #tpu.memory_space<hbm>> -> memref<500000x64xf32, #tpu.memory_space<hbm>>
          tpu.enqueue_indirect_dma source(%dma_start3A_528 : memref<500000x64xf32, #tpu.memory_space<hbm>>) target(%arg22 : memref<128x64xf32, #tpu.memory_space<vmem>>) offsets(%dma_start3A : memref<128xi32, #tpu.memory_space<vmem>>) semaphore(%arg26 : memref<!tpu.dma_semaphore, #tpu.memory_space<semaphore_mem>>)
        } else {
        }
        %mul3A_454 = arith.constant 128 : i32
        %mul3A_455 = arith.muli %add3A_435, %mul3A_454 : i32
        %add3A_456 = arith.constant 0 : i32
        %add3A_457 = arith.addi %mul3A_455, %add3A_456 : i32
        %get3A = arith.index_cast %add3A_457 : i32 to index
        %get3A_458 = tpu.vector_load %arg16[%get3A] {strides = array<i32>} : memref<2704xi32, #tpu.memory_space<vmem>>, vector<16xi32>,
        %swap3A_459 = arith.constant 0 : index
        %swap3A_460 = tpu.vector_load %arg19[%swap3A_459] {strides = array<i32>} : memref<128xi32, #tpu.memory_space<vmem>>, vector<16xi32>,
        tpu.vector_store %arg19[%swap3A_459], %get3A_458 {strides = array<i32>} : memref<128xi32, #tpu.memory_space<vmem>>, vector<16xi32>,
        %mul3A_461 = arith.constant 128 : i32
        %mul3A_462 = arith.muli %add3A_435, %mul3A_461 : i32
        %add3A_463 = arith.constant 16 : i32
        %add3A_464 = arith.addi %mul3A_462, %add3A_463 : i32
        %get3A_465 = arith.index_cast %add3A_464 : i32 to index
        %get3A_466 = tpu.vector_load %arg16[%get3A_465] {strides = array<i32>} : memref<2704xi32, #tpu.memory_space<vmem>>, vector<16xi32>,
        %swap3A_467 = arith.constant 16 : index
        %swap3A_468 = tpu.vector_load %arg19[%swap3A_467] {strides = array<i32>} : memref<128xi32, #tpu.memory_space<vmem>>, vector<16xi32>,
        tpu.vector_store %arg19[%swap3A_467], %get3A_466 {strides = array<i32>} : memref<128xi32, #tpu.memory_space<vmem>>, vector<16xi32>,
        %mul3A_469 = arith.constant 128 : i32
        %mul3A_470 = arith.muli %add3A_435, %mul3A_469 : i32
        %add3A_471 = arith.constant 32 : i32
        %add3A_472 = arith.addi %mul3A_470, %add3A_471 : i32
        %get3A_473 = arith.index_cast %add3A_472 : i32 to index
        %get3A_474 = tpu.vector_load %arg16[%get3A_473] {strides = array<i32>} : memref<2704xi32, #tpu.memory_space<vmem>>, vector<16xi32>,
        %swap3A_475 = arith.constant 32 : index
        %swap3A_476 = tpu.vector_load %arg19[%swap3A_475] {strides = array<i32>} : memref<128xi32, #tpu.memory_space<vmem>>, vector<16xi32>,
        tpu.vector_store %arg19[%swap3A_475], %get3A_474 {strides = array<i32>} : memref<128xi32, #tpu.memory_space<vmem>>, vector<16xi32>,
        %mul3A_477 = arith.constant 128 : i32
        %mul3A_478 = arith.muli %add3A_435, %mul3A_477 : i32
        %add3A_479 = arith.constant 48 : i32
        %add3A_480 = arith.addi %mul3A_478, %add3A_479 : i32
        %get3A_481 = arith.index_cast %add3A_480 : i32 to index
        %get3A_482 = tpu.vector_load %arg16[%get3A_481] {strides = array<i32>} : memref<2704xi32, #tpu.memory_space<vmem>>, vector<16xi32>,
        %swap3A_483 = arith.constant 48 : index
        %swap3A_484 = tpu.vector_load %arg19[%swap3A_483] {strides = array<i32>} : memref<128xi32, #tpu.memory_space<vmem>>, vector<16xi32>,
        tpu.vector_store %arg19[%swap3A_483], %get3A_482 {strides = array<i32>} : memref<128xi32, #tpu.memory_space<vmem>>, vector<16xi32>,
        %mul3A_485 = arith.constant 128 : i32
        %mul3A_486 = arith.muli %add3A_435, %mul3A_485 : i32
        %add3A_487 = arith.constant 64 : i32
        %add3A_488 = arith.addi %mul3A_486, %add3A_487 : i32
        %get3A_489 = arith.index_cast %add3A_488 : i32 to index
        %get3A_490 = tpu.vector_load %arg16[%get3A_489] {strides = array<i32>} : memref<2704xi32, #tpu.memory_space<vmem>>, vector<16xi32>,
        %swap3A_491 = arith.constant 64 : index
        %swap3A_492 = tpu.vector_load %arg19[%swap3A_491] {strides = array<i32>} : memref<128xi32, #tpu.memory_space<vmem>>, vector<16xi32>,
        tpu.vector_store %arg19[%swap3A_491], %get3A_490 {strides = array<i32>} : memref<128xi32, #tpu.memory_space<vmem>>, vector<16xi32>,
        %mul3A_493 = arith.constant 128 : i32
        %mul3A_494 = arith.muli %add3A_435, %mul3A_493 : i32
        %add3A_495 = arith.constant 80 : i32
        %add3A_496 = arith.addi %mul3A_494, %add3A_495 : i32
        %get3A_497 = arith.index_cast %add3A_496 : i32 to index
        %get3A_498 = tpu.vector_load %arg16[%get3A_497] {strides = array<i32>} : memref<2704xi32, #tpu.memory_space<vmem>>, vector<16xi32>,
        %swap3A_499 = arith.constant 80 : index
        %swap3A_500 = tpu.vector_load %arg19[%swap3A_499] {strides = array<i32>} : memref<128xi32, #tpu.memory_space<vmem>>, vector<16xi32>,
        tpu.vector_store %arg19[%swap3A_499], %get3A_498 {strides = array<i32>} : memref<128xi32, #tpu.memory_space<vmem>>, vector<16xi32>,
        %mul3A_501 = arith.constant 128 : i32
        %mul3A_502 = arith.muli %add3A_435, %mul3A_501 : i32
        %add3A_503 = arith.constant 96 : i32
        %add3A_504 = arith.addi %mul3A_502, %add3A_503 : i32
        %get3A_505 = arith.index_cast %add3A_504 : i32 to index
        %get3A_506 = tpu.vector_load %arg16[%get3A_505] {strides = array<i32>} : memref<2704xi32, #tpu.memory_space<vmem>>, vector<16xi32>,
        %swap3A_507 = arith.constant 96 : index
        %swap3A_508 = tpu.vector_load %arg19[%swap3A_507] {strides = array<i32>} : memref<128xi32, #tpu.memory_space<vmem>>, vector<16xi32>,
        tpu.vector_store %arg19[%swap3A_507], %get3A_506 {strides = array<i32>} : memref<128xi32, #tpu.memory_space<vmem>>, vector<16xi32>,
        %mul3A_509 = arith.constant 128 : i32
        %mul3A_510 = arith.muli %add3A_435, %mul3A_509 : i32
        %add3A_511 = arith.constant 112 : i32
        %add3A_512 = arith.addi %mul3A_510, %add3A_511 : i32
        %get3A_513 = arith.index_cast %add3A_512 : i32 to index
        %get3A_514 = tpu.vector_load %arg16[%get3A_513] {strides = array<i32>} : memref<2704xi32, #tpu.memory_space<vmem>>, vector<16xi32>,
        %swap3A_515 = arith.constant 112 : index
        %swap3A_516 = tpu.vector_load %arg19[%swap3A_515] {strides = array<i32>} : memref<128xi32, #tpu.memory_space<vmem>>, vector<16xi32>,
        tpu.vector_store %arg19[%swap3A_515], %get3A_514 {strides = array<i32>} : memref<128xi32, #tpu.memory_space<vmem>>, vector<16xi32>,
        %dma_wait3A = arith.constant 0 : i32
        %dma_wait3A_517 = arith.constant 0 : i32
        %dma_wait3A_518 = tpu.memref_slice %arg6[%dma_wait3A, %dma_wait3A_517] : memref<500000x64xf32, #tpu.memory_space<hbm>> -> memref<128x64xf32, #tpu.memory_space<hbm>>
        %dma_wait3A_519 = arith.constant 0 : i32
        %dma_wait3A_520 = arith.constant 0 : i32
        %dma_wait3A_521 = tpu.memref_slice %arg6[%dma_wait3A_519, %dma_wait3A_520] : memref<500000x64xf32, #tpu.memory_space<hbm>> -> memref<128x64xf32, #tpu.memory_space<hbm>>
        tpu.wait_dma2 semaphore(%arg25 : memref<!tpu.dma_semaphore, #tpu.memory_space<semaphore_mem>>) src(%dma_wait3A_521 : memref<128x64xf32, #tpu.memory_space<hbm>>) dst(%arg21 : memref<128x64xf32, #tpu.memory_space<vmem>>)
        "tpu.region"() ({
          %run_scoped3A = tpu.sem_alloc : memref<!tpu.dma_semaphore, #tpu.memory_space<semaphore_mem>>
          %dma_start3A = arith.constant 0 : i32
          %dma_start3A_522 = arith.constant 0 : i32
          %dma_start3A_523 = tpu.memref_slice %arg27[%dma_start3A, %dma_start3A_522] : memref<4112x64xf32, #tpu.memory_space<vmem_shared>> -> memref<4112x64xf32, #tpu.memory_space<vmem_shared>>
          tpu.enqueue_indirect_dma source(%arg21 : memref<128x64xf32, #tpu.memory_space<vmem>>) target(%dma_start3A_523 : memref<4112x64xf32, #tpu.memory_space<vmem_shared>>) offsets(%arg19 : memref<128xi32, #tpu.memory_space<vmem>>) semaphore(%run_scoped3A : memref<!tpu.dma_semaphore, #tpu.memory_space<semaphore_mem>>) {add = true}
          %dma_wait3A_524 = arith.constant 0 : i32
          %dma_wait3A_525 = arith.constant 0 : i32
          %dma_wait3A_526 = tpu.memref_slice %arg27[%dma_wait3A_524, %dma_wait3A_525] : memref<4112x64xf32, #tpu.memory_space<vmem_shared>> -> memref<4112x64xf32, #tpu.memory_space<vmem_shared>>
          tpu.wait_indirect_dma semaphore(%run_scoped3A : memref<!tpu.dma_semaphore, #tpu.memory_space<semaphore_mem>>) src(%arg21 : memref<128x64xf32, #tpu.memory_space<vmem>>) dst(%dma_wait3A_526 : memref<4112x64xf32, #tpu.memory_space<vmem_shared>>)
          tpu.yield
        }) : () -> ()
      } else {
      }
      %mul3A_439 = arith.constant 2 : i32
      %mul3A_440 = arith.muli %while3A_430, %mul3A_439 : i32
      %add3A_441 = arith.constant 1 : i32
      %add3A_442 = arith.addi %mul3A_440, %add3A_441 : i32
      %lt3A_443 = arith.cmpi slt, %add3A_442, %select_n3A_302 : i32
      %convert_element_type3A_444 = arith.extui %lt3A_443 : i1 to i32
      %cond3A_445 = arith.constant 0 : i32
      %cond3A_446 = arith.cmpi ne, %convert_element_type3A_444, %cond3A_445 : i32
      scf.if %cond3A_446 {
        %add3A_448 = arith.constant 1 : i32
        %add3A_449 = arith.addi %add3A_442, %add3A_448 : i32
        %lt3A_450 = arith.cmpi slt, %add3A_449, %select_n3A_302 : i32
        %convert_element_type3A_451 = arith.extui %lt3A_450 : i1 to i32
        %cond3A_452 = arith.constant 0 : i32
        %cond3A_453 = arith.cmpi ne, %convert_element_type3A_451, %cond3A_452 : i32
        scf.if %cond3A_453 {
          %add3A_522 = arith.constant 1 : i32
          %add3A_523 = arith.addi %add3A_442, %add3A_522 : i32
          %mul3A_524 = arith.constant 128 : i32
          %mul3A_525 = arith.muli %add3A_523, %mul3A_524 : i32
          %dma_start3A = tpu.memref_slice %arg15[%mul3A_525] : memref<2704xi32, #tpu.memory_space<vmem>> -> memref<128xi32, #tpu.memory_space<vmem>>
          %dma_start3A_526 = arith.constant 0 : i32
          %dma_start3A_527 = arith.constant 0 : i32
          %dma_start3A_528 = tpu.memref_slice %arg6[%dma_start3A_526, %dma_start3A_527] : memref<500000x64xf32, #tpu.memory_space<hbm>> -> memref<500000x64xf32, #tpu.memory_space<hbm>>
          tpu.enqueue_indirect_dma source(%dma_start3A_528 : memref<500000x64xf32, #tpu.memory_space<hbm>>) target(%arg21 : memref<128x64xf32, #tpu.memory_space<vmem>>) offsets(%dma_start3A : memref<128xi32, #tpu.memory_space<vmem>>) semaphore(%arg25 : memref<!tpu.dma_semaphore, #tpu.memory_space<semaphore_mem>>)
        } else {
        }
        %mul3A_454 = arith.constant 128 : i32
        %mul3A_455 = arith.muli %add3A_442, %mul3A_454 : i32
        %add3A_456 = arith.constant 0 : i32
        %add3A_457 = arith.addi %mul3A_455, %add3A_456 : i32
        %get3A = arith.index_cast %add3A_457 : i32 to index
        %get3A_458 = tpu.vector_load %arg16[%get3A] {strides = array<i32>} : memref<2704xi32, #tpu.memory_space<vmem>>, vector<16xi32>,
        %swap3A_459 = arith.constant 0 : index
        %swap3A_460 = tpu.vector_load %arg20[%swap3A_459] {strides = array<i32>} : memref<128xi32, #tpu.memory_space<vmem>>, vector<16xi32>,
        tpu.vector_store %arg20[%swap3A_459], %get3A_458 {strides = array<i32>} : memref<128xi32, #tpu.memory_space<vmem>>, vector<16xi32>,
        %mul3A_461 = arith.constant 128 : i32
        %mul3A_462 = arith.muli %add3A_442, %mul3A_461 : i32
        %add3A_463 = arith.constant 16 : i32
        %add3A_464 = arith.addi %mul3A_462, %add3A_463 : i32
        %get3A_465 = arith.index_cast %add3A_464 : i32 to index
        %get3A_466 = tpu.vector_load %arg16[%get3A_465] {strides = array<i32>} : memref<2704xi32, #tpu.memory_space<vmem>>, vector<16xi32>,
        %swap3A_467 = arith.constant 16 : index
        %swap3A_468 = tpu.vector_load %arg20[%swap3A_467] {strides = array<i32>} : memref<128xi32, #tpu.memory_space<vmem>>, vector<16xi32>,
        tpu.vector_store %arg20[%swap3A_467], %get3A_466 {strides = array<i32>} : memref<128xi32, #tpu.memory_space<vmem>>, vector<16xi32>,
        %mul3A_469 = arith.constant 128 : i32
        %mul3A_470 = arith.muli %add3A_442, %mul3A_469 : i32
        %add3A_471 = arith.constant 32 : i32
        %add3A_472 = arith.addi %mul3A_470, %add3A_471 : i32
        %get3A_473 = arith.index_cast %add3A_472 : i32 to index
        %get3A_474 = tpu.vector_load %arg16[%get3A_473] {strides = array<i32>} : memref<2704xi32, #tpu.memory_space<vmem>>, vector<16xi32>,
        %swap3A_475 = arith.constant 32 : index
        %swap3A_476 = tpu.vector_load %arg20[%swap3A_475] {strides = array<i32>} : memref<128xi32, #tpu.memory_space<vmem>>, vector<16xi32>,
        tpu.vector_store %arg20[%swap3A_475], %get3A_474 {strides = array<i32>} : memref<128xi32, #tpu.memory_space<vmem>>, vector<16xi32>,
        %mul3A_477 = arith.constant 128 : i32
        %mul3A_478 = arith.muli %add3A_442, %mul3A_477 : i32
        %add3A_479 = arith.constant 48 : i32
        %add3A_480 = arith.addi %mul3A_478, %add3A_479 : i32
        %get3A_481 = arith.index_cast %add3A_480 : i32 to index
        %get3A_482 = tpu.vector_load %arg16[%get3A_481] {strides = array<i32>} : memref<2704xi32, #tpu.memory_space<vmem>>, vector<16xi32>,
        %swap3A_483 = arith.constant 48 : index
        %swap3A_484 = tpu.vector_load %arg20[%swap3A_483] {strides = array<i32>} : memref<128xi32, #tpu.memory_space<vmem>>, vector<16xi32>,
        tpu.vector_store %arg20[%swap3A_483], %get3A_482 {strides = array<i32>} : memref<128xi32, #tpu.memory_space<vmem>>, vector<16xi32>,
        %mul3A_485 = arith.constant 128 : i32
        %mul3A_486 = arith.muli %add3A_442, %mul3A_485 : i32
        %add3A_487 = arith.constant 64 : i32
        %add3A_488 = arith.addi %mul3A_486, %add3A_487 : i32
        %get3A_489 = arith.index_cast %add3A_488 : i32 to index
        %get3A_490 = tpu.vector_load %arg16[%get3A_489] {strides = array<i32>} : memref<2704xi32, #tpu.memory_space<vmem>>, vector<16xi32>,
        %swap3A_491 = arith.constant 64 : index
        %swap3A_492 = tpu.vector_load %arg20[%swap3A_491] {strides = array<i32>} : memref<128xi32, #tpu.memory_space<vmem>>, vector<16xi32>,
        tpu.vector_store %arg20[%swap3A_491], %get3A_490 {strides = array<i32>} : memref<128xi32, #tpu.memory_space<vmem>>, vector<16xi32>,
        %mul3A_493 = arith.constant 128 : i32
        %mul3A_494 = arith.muli %add3A_442, %mul3A_493 : i32
        %add3A_495 = arith.constant 80 : i32
        %add3A_496 = arith.addi %mul3A_494, %add3A_495 : i32
        %get3A_497 = arith.index_cast %add3A_496 : i32 to index
        %get3A_498 = tpu.vector_load %arg16[%get3A_497] {strides = array<i32>} : memref<2704xi32, #tpu.memory_space<vmem>>, vector<16xi32>,
        %swap3A_499 = arith.constant 80 : index
        %swap3A_500 = tpu.vector_load %arg20[%swap3A_499] {strides = array<i32>} : memref<128xi32, #tpu.memory_space<vmem>>, vector<16xi32>,
        tpu.vector_store %arg20[%swap3A_499], %get3A_498 {strides = array<i32>} : memref<128xi32, #tpu.memory_space<vmem>>, vector<16xi32>,
        %mul3A_501 = arith.constant 128 : i32
        %mul3A_502 = arith.muli %add3A_442, %mul3A_501 : i32
        %add3A_503 = arith.constant 96 : i32
        %add3A_504 = arith.addi %mul3A_502, %add3A_503 : i32
        %get3A_505 = arith.index_cast %add3A_504 : i32 to index
        %get3A_506 = tpu.vector_load %arg16[%get3A_505] {strides = array<i32>} : memref<2704xi32, #tpu.memory_space<vmem>>, vector<16xi32>,
        %swap3A_507 = arith.constant 96 : index
        %swap3A_508 = tpu.vector_load %arg20[%swap3A_507] {strides = array<i32>} : memref<128xi32, #tpu.memory_space<vmem>>, vector<16xi32>,
        tpu.vector_store %arg20[%swap3A_507], %get3A_506 {strides = array<i32>} : memref<128xi32, #tpu.memory_space<vmem>>, vector<16xi32>,
        %mul3A_509 = arith.constant 128 : i32
        %mul3A_510 = arith.muli %add3A_442, %mul3A_509 : i32
        %add3A_511 = arith.constant 112 : i32
        %add3A_512 = arith.addi %mul3A_510, %add3A_511 : i32
        %get3A_513 = arith.index_cast %add3A_512 : i32 to index
        %get3A_514 = tpu.vector_load %arg16[%get3A_513] {strides = array<i32>} : memref<2704xi32, #tpu.memory_space<vmem>>, vector<16xi32>,
        %swap3A_515 = arith.constant 112 : index
        %swap3A_516 = tpu.vector_load %arg20[%swap3A_515] {strides = array<i32>} : memref<128xi32, #tpu.memory_space<vmem>>, vector<16xi32>,
        tpu.vector_store %arg20[%swap3A_515], %get3A_514 {strides = array<i32>} : memref<128xi32, #tpu.memory_space<vmem>>, vector<16xi32>,
        %dma_wait3A = arith.constant 0 : i32
        %dma_wait3A_517 = arith.constant 0 : i32
        %dma_wait3A_518 = tpu.memref_slice %arg6[%dma_wait3A, %dma_wait3A_517] : memref<500000x64xf32, #tpu.memory_space<hbm>> -> memref<128x64xf32, #tpu.memory_space<hbm>>
        %dma_wait3A_519 = arith.constant 0 : i32
        %dma_wait3A_520 = arith.constant 0 : i32
        %dma_wait3A_521 = tpu.memref_slice %arg6[%dma_wait3A_519, %dma_wait3A_520] : memref<500000x64xf32, #tpu.memory_space<hbm>> -> memref<128x64xf32, #tpu.memory_space<hbm>>
        tpu.wait_dma2 semaphore(%arg26 : memref<!tpu.dma_semaphore, #tpu.memory_space<semaphore_mem>>) src(%dma_wait3A_521 : memref<128x64xf32, #tpu.memory_space<hbm>>) dst(%arg22 : memref<128x64xf32, #tpu.memory_space<vmem>>)
        "tpu.region"() ({
          %run_scoped3A = tpu.sem_alloc : memref<!tpu.dma_semaphore, #tpu.memory_space<semaphore_mem>>
          %dma_start3A = arith.constant 0 : i32
          %dma_start3A_522 = arith.constant 0 : i32
          %dma_start3A_523 = tpu.memref_slice %arg27[%dma_start3A, %dma_start3A_522] : memref<4112x64xf32, #tpu.memory_space<vmem_shared>> -> memref<4112x64xf32, #tpu.memory_space<vmem_shared>>
          tpu.enqueue_indirect_dma source(%arg22 : memref<128x64xf32, #tpu.memory_space<vmem>>) target(%dma_start3A_523 : memref<4112x64xf32, #tpu.memory_space<vmem_shared>>) offsets(%arg20 : memref<128xi32, #tpu.memory_space<vmem>>) semaphore(%run_scoped3A : memref<!tpu.dma_semaphore, #tpu.memory_space<semaphore_mem>>) {add = true}
          %dma_wait3A_524 = arith.constant 0 : i32
          %dma_wait3A_525 = arith.constant 0 : i32
          %dma_wait3A_526 = tpu.memref_slice %arg27[%dma_wait3A_524, %dma_wait3A_525] : memref<4112x64xf32, #tpu.memory_space<vmem_shared>> -> memref<4112x64xf32, #tpu.memory_space<vmem_shared>>
          tpu.wait_indirect_dma semaphore(%run_scoped3A : memref<!tpu.dma_semaphore, #tpu.memory_space<semaphore_mem>>) src(%arg22 : memref<128x64xf32, #tpu.memory_space<vmem>>) dst(%dma_wait3A_526 : memref<4112x64xf32, #tpu.memory_space<vmem_shared>>)
          tpu.yield
        }) : () -> ()
      } else {
      }
      %while3A_447 = arith.constant 0 : i32
      scf.yield %while3A_447 : i32
    }
    %add3A_346 = arith.constant 128 : i32
    %add3A_347 = arith.addi %scan3A_18#2, %add3A_346 : i32
    %sub3A_348 = arith.constant 1 : i32
    %sub3A_349 = arith.subi %add3A_347, %sub3A_348 : i32
    %jit3A_350 = arith.constant 128 : i32
    %div3A_351 = arith.divsi %sub3A_349, %jit3A_350 : i32
    %sign3A_352 = arith.constant 0 : i32
    %sign3A_353 = arith.cmpi sgt, %sub3A_349, %sign3A_352 : i32
    %sign3A_354 = arith.extui %sign3A_353 : i1 to i32
    %sign3A_355 = arith.constant 0 : i32
    %sign3A_356 = arith.cmpi slt, %sub3A_349, %sign3A_355 : i32
    %sign3A_357 = arith.extui %sign3A_356 : i1 to i32
    %sign3A_358 = arith.subi %sign3A_354, %sign3A_357 : i32
    %sign3A_359 = arith.constant 0 : i32
    %sign3A_360 = arith.cmpi sgt, %jit3A_350, %sign3A_359 : i32
    %sign3A_361 = arith.extui %sign3A_360 : i1 to i32
    %sign3A_362 = arith.constant 0 : i32
    %sign3A_363 = arith.cmpi slt, %jit3A_350, %sign3A_362 : i32
    %sign3A_364 = arith.extui %sign3A_363 : i1 to i32
    %sign3A_365 = arith.subi %sign3A_361, %sign3A_364 : i32
    %ne3A_366 = arith.cmpi ne, %sign3A_358, %sign3A_365 : i32
    %rem3A_367 = arith.remsi %sub3A_349, %jit3A_350 : i32
    %ne3A_368 = arith.constant 0 : i32
    %ne3A_369 = arith.cmpi ne, %rem3A_367, %ne3A_368 : i32
    %and3A_370 = arith.andi %ne3A_366, %ne3A_369 : i1
    %sub3A_371 = arith.constant 1 : i32
    %sub3A_372 = arith.subi %div3A_351, %sub3A_371 : i32
    %select_n3A_373 = arith.select %and3A_370, %sub3A_372, %div3A_351 : i32
    %gt3A_374 = arith.constant 0 : i32
    %gt3A_375 = arith.cmpi sgt, %select_n3A_373, %gt3A_374 : i32
    %convert_element_type3A_376 = arith.extui %gt3A_375 : i1 to i32
    %cond3A_377 = arith.constant 0 : i32
    %cond3A_378 = arith.cmpi ne, %convert_element_type3A_376, %cond3A_377 : i32
    scf.if %cond3A_378 {
      %dma_start3A = arith.constant 0 : i32
      %dma_start3A_430 = tpu.memref_slice %arg17[%dma_start3A] : memref<2704xi32, #tpu.memory_space<vmem>> -> memref<128xi32, #tpu.memory_space<vmem>>
      %dma_start3A_431 = arith.constant 0 : i32
      %dma_start3A_432 = arith.constant 0 : i32
      %dma_start3A_433 = tpu.memref_slice %arg7[%dma_start3A_431, %dma_start3A_432] : memref<200000x64xf32, #tpu.memory_space<hbm>> -> memref<200000x64xf32, #tpu.memory_space<hbm>>
      tpu.enqueue_indirect_dma source(%dma_start3A_433 : memref<200000x64xf32, #tpu.memory_space<hbm>>) target(%arg21 : memref<128x64xf32, #tpu.memory_space<vmem>>) offsets(%dma_start3A_430 : memref<128xi32, #tpu.memory_space<vmem>>) semaphore(%arg25 : memref<!tpu.dma_semaphore, #tpu.memory_space<semaphore_mem>>)
    } else {
    }
    %add3A_379 = arith.constant 1 : i32
    %add3A_380 = arith.addi %select_n3A_373, %add3A_379 : i32
    %jit3A_381 = arith.constant 2 : i32
    %div3A_382 = arith.divsi %add3A_380, %jit3A_381 : i32
    %sign3A_383 = arith.constant 0 : i32
    %sign3A_384 = arith.cmpi sgt, %add3A_380, %sign3A_383 : i32
    %sign3A_385 = arith.extui %sign3A_384 : i1 to i32
    %sign3A_386 = arith.constant 0 : i32
    %sign3A_387 = arith.cmpi slt, %add3A_380, %sign3A_386 : i32
    %sign3A_388 = arith.extui %sign3A_387 : i1 to i32
    %sign3A_389 = arith.subi %sign3A_385, %sign3A_388 : i32
    %sign3A_390 = arith.constant 0 : i32
    %sign3A_391 = arith.cmpi sgt, %jit3A_381, %sign3A_390 : i32
    %sign3A_392 = arith.extui %sign3A_391 : i1 to i32
    %sign3A_393 = arith.constant 0 : i32
    %sign3A_394 = arith.cmpi slt, %jit3A_381, %sign3A_393 : i32
    %sign3A_395 = arith.extui %sign3A_394 : i1 to i32
    %sign3A_396 = arith.subi %sign3A_392, %sign3A_395 : i32
    %ne3A_397 = arith.cmpi ne, %sign3A_389, %sign3A_396 : i32
    %rem3A_398 = arith.remsi %add3A_380, %jit3A_381 : i32
    %ne3A_399 = arith.constant 0 : i32
    %ne3A_400 = arith.cmpi ne, %rem3A_398, %ne3A_399 : i32
    %and3A_401 = arith.andi %ne3A_397, %ne3A_400 : i1
    %sub3A_402 = arith.constant 1 : i32
    %sub3A_403 = arith.subi %div3A_382, %sub3A_402 : i32
    %select_n3A_404 = arith.select %and3A_401, %sub3A_403, %div3A_382 : i32
    %while3A_405 = arith.constant 0 : i32
    %while3A_406 = arith.constant 0 : i32
    %while3A_407 = arith.subi %select_n3A_404, %while3A_405 : i32
    %while3A_408 = arith.addi %while3A_405, %while3A_407 : i32
    %while3A_409 = arith.constant 1 : i32
    %while3A_410 = arith.divsi %while3A_407, %while3A_409 : i32
    %while3A_411 = arith.muli %while3A_410, %while3A_409 : i32
    %while3A_412 = arith.addi %while3A_405, %while3A_411 : i32
    %while3A_413 = arith.constant 1 : i32
    %while3A_414 = scf.for %while3A_430 = %while3A_405 to %while3A_412 step %while3A_413 iter_args(%while3A_431 = %while3A_406) -> (i32)  : i32 {
      %mul3A_432 = arith.constant 2 : i32
      %mul3A_433 = arith.muli %while3A_430, %mul3A_432 : i32
      %add3A_434 = arith.constant 0 : i32
      %add3A_435 = arith.addi %mul3A_433, %add3A_434 : i32
      %lt3A = arith.cmpi slt, %add3A_435, %select_n3A_373 : i32
      %convert_element_type3A_436 = arith.extui %lt3A : i1 to i32
      %cond3A_437 = arith.constant 0 : i32
      %cond3A_438 = arith.cmpi ne, %convert_element_type3A_436, %cond3A_437 : i32
      scf.if %cond3A_438 {
        %add3A_448 = arith.constant 1 : i32
        %add3A_449 = arith.addi %add3A_435, %add3A_448 : i32
        %lt3A_450 = arith.cmpi slt, %add3A_449, %select_n3A_373 : i32
        %convert_element_type3A_451 = arith.extui %lt3A_450 : i1 to i32
        %cond3A_452 = arith.constant 0 : i32
        %cond3A_453 = arith.cmpi ne, %convert_element_type3A_451, %cond3A_452 : i32
        scf.if %cond3A_453 {
          %add3A_522 = arith.constant 1 : i32
          %add3A_523 = arith.addi %add3A_435, %add3A_522 : i32
          %mul3A_524 = arith.constant 128 : i32
          %mul3A_525 = arith.muli %add3A_523, %mul3A_524 : i32
          %dma_start3A = tpu.memref_slice %arg17[%mul3A_525] : memref<2704xi32, #tpu.memory_space<vmem>> -> memref<128xi32, #tpu.memory_space<vmem>>
          %dma_start3A_526 = arith.constant 0 : i32
          %dma_start3A_527 = arith.constant 0 : i32
          %dma_start3A_528 = tpu.memref_slice %arg7[%dma_start3A_526, %dma_start3A_527] : memref<200000x64xf32, #tpu.memory_space<hbm>> -> memref<200000x64xf32, #tpu.memory_space<hbm>>
          tpu.enqueue_indirect_dma source(%dma_start3A_528 : memref<200000x64xf32, #tpu.memory_space<hbm>>) target(%arg22 : memref<128x64xf32, #tpu.memory_space<vmem>>) offsets(%dma_start3A : memref<128xi32, #tpu.memory_space<vmem>>) semaphore(%arg26 : memref<!tpu.dma_semaphore, #tpu.memory_space<semaphore_mem>>)
        } else {
        }
        %mul3A_454 = arith.constant 128 : i32
        %mul3A_455 = arith.muli %add3A_435, %mul3A_454 : i32
        %add3A_456 = arith.constant 0 : i32
        %add3A_457 = arith.addi %mul3A_455, %add3A_456 : i32
        %get3A = arith.index_cast %add3A_457 : i32 to index
        %get3A_458 = tpu.vector_load %arg18[%get3A] {strides = array<i32>} : memref<2704xi32, #tpu.memory_space<vmem>>, vector<16xi32>,
        %swap3A_459 = arith.constant 0 : index
        %swap3A_460 = tpu.vector_load %arg19[%swap3A_459] {strides = array<i32>} : memref<128xi32, #tpu.memory_space<vmem>>, vector<16xi32>,
        tpu.vector_store %arg19[%swap3A_459], %get3A_458 {strides = array<i32>} : memref<128xi32, #tpu.memory_space<vmem>>, vector<16xi32>,
        %mul3A_461 = arith.constant 128 : i32
        %mul3A_462 = arith.muli %add3A_435, %mul3A_461 : i32
        %add3A_463 = arith.constant 16 : i32
        %add3A_464 = arith.addi %mul3A_462, %add3A_463 : i32
        %get3A_465 = arith.index_cast %add3A_464 : i32 to index
        %get3A_466 = tpu.vector_load %arg18[%get3A_465] {strides = array<i32>} : memref<2704xi32, #tpu.memory_space<vmem>>, vector<16xi32>,
        %swap3A_467 = arith.constant 16 : index
        %swap3A_468 = tpu.vector_load %arg19[%swap3A_467] {strides = array<i32>} : memref<128xi32, #tpu.memory_space<vmem>>, vector<16xi32>,
        tpu.vector_store %arg19[%swap3A_467], %get3A_466 {strides = array<i32>} : memref<128xi32, #tpu.memory_space<vmem>>, vector<16xi32>,
        %mul3A_469 = arith.constant 128 : i32
        %mul3A_470 = arith.muli %add3A_435, %mul3A_469 : i32
        %add3A_471 = arith.constant 32 : i32
        %add3A_472 = arith.addi %mul3A_470, %add3A_471 : i32
        %get3A_473 = arith.index_cast %add3A_472 : i32 to index
        %get3A_474 = tpu.vector_load %arg18[%get3A_473] {strides = array<i32>} : memref<2704xi32, #tpu.memory_space<vmem>>, vector<16xi32>,
        %swap3A_475 = arith.constant 32 : index
        %swap3A_476 = tpu.vector_load %arg19[%swap3A_475] {strides = array<i32>} : memref<128xi32, #tpu.memory_space<vmem>>, vector<16xi32>,
        tpu.vector_store %arg19[%swap3A_475], %get3A_474 {strides = array<i32>} : memref<128xi32, #tpu.memory_space<vmem>>, vector<16xi32>,
        %mul3A_477 = arith.constant 128 : i32
        %mul3A_478 = arith.muli %add3A_435, %mul3A_477 : i32
        %add3A_479 = arith.constant 48 : i32
        %add3A_480 = arith.addi %mul3A_478, %add3A_479 : i32
        %get3A_481 = arith.index_cast %add3A_480 : i32 to index
        %get3A_482 = tpu.vector_load %arg18[%get3A_481] {strides = array<i32>} : memref<2704xi32, #tpu.memory_space<vmem>>, vector<16xi32>,
        %swap3A_483 = arith.constant 48 : index
        %swap3A_484 = tpu.vector_load %arg19[%swap3A_483] {strides = array<i32>} : memref<128xi32, #tpu.memory_space<vmem>>, vector<16xi32>,
        tpu.vector_store %arg19[%swap3A_483], %get3A_482 {strides = array<i32>} : memref<128xi32, #tpu.memory_space<vmem>>, vector<16xi32>,
        %mul3A_485 = arith.constant 128 : i32
        %mul3A_486 = arith.muli %add3A_435, %mul3A_485 : i32
        %add3A_487 = arith.constant 64 : i32
        %add3A_488 = arith.addi %mul3A_486, %add3A_487 : i32
        %get3A_489 = arith.index_cast %add3A_488 : i32 to index
        %get3A_490 = tpu.vector_load %arg18[%get3A_489] {strides = array<i32>} : memref<2704xi32, #tpu.memory_space<vmem>>, vector<16xi32>,
        %swap3A_491 = arith.constant 64 : index
        %swap3A_492 = tpu.vector_load %arg19[%swap3A_491] {strides = array<i32>} : memref<128xi32, #tpu.memory_space<vmem>>, vector<16xi32>,
        tpu.vector_store %arg19[%swap3A_491], %get3A_490 {strides = array<i32>} : memref<128xi32, #tpu.memory_space<vmem>>, vector<16xi32>,
        %mul3A_493 = arith.constant 128 : i32
        %mul3A_494 = arith.muli %add3A_435, %mul3A_493 : i32
        %add3A_495 = arith.constant 80 : i32
        %add3A_496 = arith.addi %mul3A_494, %add3A_495 : i32
        %get3A_497 = arith.index_cast %add3A_496 : i32 to index
        %get3A_498 = tpu.vector_load %arg18[%get3A_497] {strides = array<i32>} : memref<2704xi32, #tpu.memory_space<vmem>>, vector<16xi32>,
        %swap3A_499 = arith.constant 80 : index
        %swap3A_500 = tpu.vector_load %arg19[%swap3A_499] {strides = array<i32>} : memref<128xi32, #tpu.memory_space<vmem>>, vector<16xi32>,
        tpu.vector_store %arg19[%swap3A_499], %get3A_498 {strides = array<i32>} : memref<128xi32, #tpu.memory_space<vmem>>, vector<16xi32>,
        %mul3A_501 = arith.constant 128 : i32
        %mul3A_502 = arith.muli %add3A_435, %mul3A_501 : i32
        %add3A_503 = arith.constant 96 : i32
        %add3A_504 = arith.addi %mul3A_502, %add3A_503 : i32
        %get3A_505 = arith.index_cast %add3A_504 : i32 to index
        %get3A_506 = tpu.vector_load %arg18[%get3A_505] {strides = array<i32>} : memref<2704xi32, #tpu.memory_space<vmem>>, vector<16xi32>,
        %swap3A_507 = arith.constant 96 : index
        %swap3A_508 = tpu.vector_load %arg19[%swap3A_507] {strides = array<i32>} : memref<128xi32, #tpu.memory_space<vmem>>, vector<16xi32>,
        tpu.vector_store %arg19[%swap3A_507], %get3A_506 {strides = array<i32>} : memref<128xi32, #tpu.memory_space<vmem>>, vector<16xi32>,
        %mul3A_509 = arith.constant 128 : i32
        %mul3A_510 = arith.muli %add3A_435, %mul3A_509 : i32
        %add3A_511 = arith.constant 112 : i32
        %add3A_512 = arith.addi %mul3A_510, %add3A_511 : i32
        %get3A_513 = arith.index_cast %add3A_512 : i32 to index
        %get3A_514 = tpu.vector_load %arg18[%get3A_513] {strides = array<i32>} : memref<2704xi32, #tpu.memory_space<vmem>>, vector<16xi32>,
        %swap3A_515 = arith.constant 112 : index
        %swap3A_516 = tpu.vector_load %arg19[%swap3A_515] {strides = array<i32>} : memref<128xi32, #tpu.memory_space<vmem>>, vector<16xi32>,
        tpu.vector_store %arg19[%swap3A_515], %get3A_514 {strides = array<i32>} : memref<128xi32, #tpu.memory_space<vmem>>, vector<16xi32>,
        %dma_wait3A = arith.constant 0 : i32
        %dma_wait3A_517 = arith.constant 0 : i32
        %dma_wait3A_518 = tpu.memref_slice %arg7[%dma_wait3A, %dma_wait3A_517] : memref<200000x64xf32, #tpu.memory_space<hbm>> -> memref<128x64xf32, #tpu.memory_space<hbm>>
        %dma_wait3A_519 = arith.constant 0 : i32
        %dma_wait3A_520 = arith.constant 0 : i32
        %dma_wait3A_521 = tpu.memref_slice %arg7[%dma_wait3A_519, %dma_wait3A_520] : memref<200000x64xf32, #tpu.memory_space<hbm>> -> memref<128x64xf32, #tpu.memory_space<hbm>>
        tpu.wait_dma2 semaphore(%arg25 : memref<!tpu.dma_semaphore, #tpu.memory_space<semaphore_mem>>) src(%dma_wait3A_521 : memref<128x64xf32, #tpu.memory_space<hbm>>) dst(%arg21 : memref<128x64xf32, #tpu.memory_space<vmem>>)
        "tpu.region"() ({
          %run_scoped3A = tpu.sem_alloc : memref<!tpu.dma_semaphore, #tpu.memory_space<semaphore_mem>>
          %dma_start3A = arith.constant 0 : i32
          %dma_start3A_522 = arith.constant 0 : i32
          %dma_start3A_523 = tpu.memref_slice %arg27[%dma_start3A, %dma_start3A_522] : memref<4112x64xf32, #tpu.memory_space<vmem_shared>> -> memref<4112x64xf32, #tpu.memory_space<vmem_shared>>
          tpu.enqueue_indirect_dma source(%arg21 : memref<128x64xf32, #tpu.memory_space<vmem>>) target(%dma_start3A_523 : memref<4112x64xf32, #tpu.memory_space<vmem_shared>>) offsets(%arg19 : memref<128xi32, #tpu.memory_space<vmem>>) semaphore(%run_scoped3A : memref<!tpu.dma_semaphore, #tpu.memory_space<semaphore_mem>>) {add = true}
          %dma_wait3A_524 = arith.constant 0 : i32
          %dma_wait3A_525 = arith.constant 0 : i32
          %dma_wait3A_526 = tpu.memref_slice %arg27[%dma_wait3A_524, %dma_wait3A_525] : memref<4112x64xf32, #tpu.memory_space<vmem_shared>> -> memref<4112x64xf32, #tpu.memory_space<vmem_shared>>
          tpu.wait_indirect_dma semaphore(%run_scoped3A : memref<!tpu.dma_semaphore, #tpu.memory_space<semaphore_mem>>) src(%arg21 : memref<128x64xf32, #tpu.memory_space<vmem>>) dst(%dma_wait3A_526 : memref<4112x64xf32, #tpu.memory_space<vmem_shared>>)
          tpu.yield
        }) : () -> ()
      } else {
      }
      %mul3A_439 = arith.constant 2 : i32
      %mul3A_440 = arith.muli %while3A_430, %mul3A_439 : i32
      %add3A_441 = arith.constant 1 : i32
      %add3A_442 = arith.addi %mul3A_440, %add3A_441 : i32
      %lt3A_443 = arith.cmpi slt, %add3A_442, %select_n3A_373 : i32
      %convert_element_type3A_444 = arith.extui %lt3A_443 : i1 to i32
      %cond3A_445 = arith.constant 0 : i32
      %cond3A_446 = arith.cmpi ne, %convert_element_type3A_444, %cond3A_445 : i32
      scf.if %cond3A_446 {
        %add3A_448 = arith.constant 1 : i32
        %add3A_449 = arith.addi %add3A_442, %add3A_448 : i32
        %lt3A_450 = arith.cmpi slt, %add3A_449, %select_n3A_373 : i32
        %convert_element_type3A_451 = arith.extui %lt3A_450 : i1 to i32
        %cond3A_452 = arith.constant 0 : i32
        %cond3A_453 = arith.cmpi ne, %convert_element_type3A_451, %cond3A_452 : i32
        scf.if %cond3A_453 {
          %add3A_522 = arith.constant 1 : i32
          %add3A_523 = arith.addi %add3A_442, %add3A_522 : i32
          %mul3A_524 = arith.constant 128 : i32
          %mul3A_525 = arith.muli %add3A_523, %mul3A_524 : i32
          %dma_start3A = tpu.memref_slice %arg17[%mul3A_525] : memref<2704xi32, #tpu.memory_space<vmem>> -> memref<128xi32, #tpu.memory_space<vmem>>
          %dma_start3A_526 = arith.constant 0 : i32
          %dma_start3A_527 = arith.constant 0 : i32
          %dma_start3A_528 = tpu.memref_slice %arg7[%dma_start3A_526, %dma_start3A_527] : memref<200000x64xf32, #tpu.memory_space<hbm>> -> memref<200000x64xf32, #tpu.memory_space<hbm>>
          tpu.enqueue_indirect_dma source(%dma_start3A_528 : memref<200000x64xf32, #tpu.memory_space<hbm>>) target(%arg21 : memref<128x64xf32, #tpu.memory_space<vmem>>) offsets(%dma_start3A : memref<128xi32, #tpu.memory_space<vmem>>) semaphore(%arg25 : memref<!tpu.dma_semaphore, #tpu.memory_space<semaphore_mem>>)
        } else {
        }
        %mul3A_454 = arith.constant 128 : i32
        %mul3A_455 = arith.muli %add3A_442, %mul3A_454 : i32
        %add3A_456 = arith.constant 0 : i32
        %add3A_457 = arith.addi %mul3A_455, %add3A_456 : i32
        %get3A = arith.index_cast %add3A_457 : i32 to index
        %get3A_458 = tpu.vector_load %arg18[%get3A] {strides = array<i32>} : memref<2704xi32, #tpu.memory_space<vmem>>, vector<16xi32>,
        %swap3A_459 = arith.constant 0 : index
        %swap3A_460 = tpu.vector_load %arg20[%swap3A_459] {strides = array<i32>} : memref<128xi32, #tpu.memory_space<vmem>>, vector<16xi32>,
        tpu.vector_store %arg20[%swap3A_459], %get3A_458 {strides = array<i32>} : memref<128xi32, #tpu.memory_space<vmem>>, vector<16xi32>,
        %mul3A_461 = arith.constant 128 : i32
        %mul3A_462 = arith.muli %add3A_442, %mul3A_461 : i32
        %add3A_463 = arith.constant 16 : i32
        %add3A_464 = arith.addi %mul3A_462, %add3A_463 : i32
        %get3A_465 = arith.index_cast %add3A_464 : i32 to index
        %get3A_466 = tpu.vector_load %arg18[%get3A_465] {strides = array<i32>} : memref<2704xi32, #tpu.memory_space<vmem>>, vector<16xi32>,
        %swap3A_467 = arith.constant 16 : index
        %swap3A_468 = tpu.vector_load %arg20[%swap3A_467] {strides = array<i32>} : memref<128xi32, #tpu.memory_space<vmem>>, vector<16xi32>,
        tpu.vector_store %arg20[%swap3A_467], %get3A_466 {strides = array<i32>} : memref<128xi32, #tpu.memory_space<vmem>>, vector<16xi32>,
        %mul3A_469 = arith.constant 128 : i32
        %mul3A_470 = arith.muli %add3A_442, %mul3A_469 : i32
        %add3A_471 = arith.constant 32 : i32
        %add3A_472 = arith.addi %mul3A_470, %add3A_471 : i32
        %get3A_473 = arith.index_cast %add3A_472 : i32 to index
        %get3A_474 = tpu.vector_load %arg18[%get3A_473] {strides = array<i32>} : memref<2704xi32, #tpu.memory_space<vmem>>, vector<16xi32>,
        %swap3A_475 = arith.constant 32 : index
        %swap3A_476 = tpu.vector_load %arg20[%swap3A_475] {strides = array<i32>} : memref<128xi32, #tpu.memory_space<vmem>>, vector<16xi32>,
        tpu.vector_store %arg20[%swap3A_475], %get3A_474 {strides = array<i32>} : memref<128xi32, #tpu.memory_space<vmem>>, vector<16xi32>,
        %mul3A_477 = arith.constant 128 : i32
        %mul3A_478 = arith.muli %add3A_442, %mul3A_477 : i32
        %add3A_479 = arith.constant 48 : i32
        %add3A_480 = arith.addi %mul3A_478, %add3A_479 : i32
        %get3A_481 = arith.index_cast %add3A_480 : i32 to index
        %get3A_482 = tpu.vector_load %arg18[%get3A_481] {strides = array<i32>} : memref<2704xi32, #tpu.memory_space<vmem>>, vector<16xi32>,
        %swap3A_483 = arith.constant 48 : index
        %swap3A_484 = tpu.vector_load %arg20[%swap3A_483] {strides = array<i32>} : memref<128xi32, #tpu.memory_space<vmem>>, vector<16xi32>,
        tpu.vector_store %arg20[%swap3A_483], %get3A_482 {strides = array<i32>} : memref<128xi32, #tpu.memory_space<vmem>>, vector<16xi32>,
        %mul3A_485 = arith.constant 128 : i32
        %mul3A_486 = arith.muli %add3A_442, %mul3A_485 : i32
        %add3A_487 = arith.constant 64 : i32
        %add3A_488 = arith.addi %mul3A_486, %add3A_487 : i32
        %get3A_489 = arith.index_cast %add3A_488 : i32 to index
        %get3A_490 = tpu.vector_load %arg18[%get3A_489] {strides = array<i32>} : memref<2704xi32, #tpu.memory_space<vmem>>, vector<16xi32>,
        %swap3A_491 = arith.constant 64 : index
        %swap3A_492 = tpu.vector_load %arg20[%swap3A_491] {strides = array<i32>} : memref<128xi32, #tpu.memory_space<vmem>>, vector<16xi32>,
        tpu.vector_store %arg20[%swap3A_491], %get3A_490 {strides = array<i32>} : memref<128xi32, #tpu.memory_space<vmem>>, vector<16xi32>,
        %mul3A_493 = arith.constant 128 : i32
        %mul3A_494 = arith.muli %add3A_442, %mul3A_493 : i32
        %add3A_495 = arith.constant 80 : i32
        %add3A_496 = arith.addi %mul3A_494, %add3A_495 : i32
        %get3A_497 = arith.index_cast %add3A_496 : i32 to index
        %get3A_498 = tpu.vector_load %arg18[%get3A_497] {strides = array<i32>} : memref<2704xi32, #tpu.memory_space<vmem>>, vector<16xi32>,
        %swap3A_499 = arith.constant 80 : index
        %swap3A_500 = tpu.vector_load %arg20[%swap3A_499] {strides = array<i32>} : memref<128xi32, #tpu.memory_space<vmem>>, vector<16xi32>,
        tpu.vector_store %arg20[%swap3A_499], %get3A_498 {strides = array<i32>} : memref<128xi32, #tpu.memory_space<vmem>>, vector<16xi32>,
        %mul3A_501 = arith.constant 128 : i32
        %mul3A_502 = arith.muli %add3A_442, %mul3A_501 : i32
        %add3A_503 = arith.constant 96 : i32
        %add3A_504 = arith.addi %mul3A_502, %add3A_503 : i32
        %get3A_505 = arith.index_cast %add3A_504 : i32 to index
        %get3A_506 = tpu.vector_load %arg18[%get3A_505] {strides = array<i32>} : memref<2704xi32, #tpu.memory_space<vmem>>, vector<16xi32>,
        %swap3A_507 = arith.constant 96 : index
        %swap3A_508 = tpu.vector_load %arg20[%swap3A_507] {strides = array<i32>} : memref<128xi32, #tpu.memory_space<vmem>>, vector<16xi32>,
        tpu.vector_store %arg20[%swap3A_507], %get3A_506 {strides = array<i32>} : memref<128xi32, #tpu.memory_space<vmem>>, vector<16xi32>,
        %mul3A_509 = arith.constant 128 : i32
        %mul3A_510 = arith.muli %add3A_442, %mul3A_509 : i32
        %add3A_511 = arith.constant 112 : i32
        %add3A_512 = arith.addi %mul3A_510, %add3A_511 : i32
        %get3A_513 = arith.index_cast %add3A_512 : i32 to index
        %get3A_514 = tpu.vector_load %arg18[%get3A_513] {strides = array<i32>} : memref<2704xi32, #tpu.memory_space<vmem>>, vector<16xi32>,
        %swap3A_515 = arith.constant 112 : index
        %swap3A_516 = tpu.vector_load %arg20[%swap3A_515] {strides = array<i32>} : memref<128xi32, #tpu.memory_space<vmem>>, vector<16xi32>,
        tpu.vector_store %arg20[%swap3A_515], %get3A_514 {strides = array<i32>} : memref<128xi32, #tpu.memory_space<vmem>>, vector<16xi32>,
        %dma_wait3A = arith.constant 0 : i32
        %dma_wait3A_517 = arith.constant 0 : i32
        %dma_wait3A_518 = tpu.memref_slice %arg7[%dma_wait3A, %dma_wait3A_517] : memref<200000x64xf32, #tpu.memory_space<hbm>> -> memref<128x64xf32, #tpu.memory_space<hbm>>
        %dma_wait3A_519 = arith.constant 0 : i32
        %dma_wait3A_520 = arith.constant 0 : i32
        %dma_wait3A_521 = tpu.memref_slice %arg7[%dma_wait3A_519, %dma_wait3A_520] : memref<200000x64xf32, #tpu.memory_space<hbm>> -> memref<128x64xf32, #tpu.memory_space<hbm>>
        tpu.wait_dma2 semaphore(%arg26 : memref<!tpu.dma_semaphore, #tpu.memory_space<semaphore_mem>>) src(%dma_wait3A_521 : memref<128x64xf32, #tpu.memory_space<hbm>>) dst(%arg22 : memref<128x64xf32, #tpu.memory_space<vmem>>)
        "tpu.region"() ({
          %run_scoped3A = tpu.sem_alloc : memref<!tpu.dma_semaphore, #tpu.memory_space<semaphore_mem>>
          %dma_start3A = arith.constant 0 : i32
          %dma_start3A_522 = arith.constant 0 : i32
          %dma_start3A_523 = tpu.memref_slice %arg27[%dma_start3A, %dma_start3A_522] : memref<4112x64xf32, #tpu.memory_space<vmem_shared>> -> memref<4112x64xf32, #tpu.memory_space<vmem_shared>>
          tpu.enqueue_indirect_dma source(%arg22 : memref<128x64xf32, #tpu.memory_space<vmem>>) target(%dma_start3A_523 : memref<4112x64xf32, #tpu.memory_space<vmem_shared>>) offsets(%arg20 : memref<128xi32, #tpu.memory_space<vmem>>) semaphore(%run_scoped3A : memref<!tpu.dma_semaphore, #tpu.memory_space<semaphore_mem>>) {add = true}
          %dma_wait3A_524 = arith.constant 0 : i32
          %dma_wait3A_525 = arith.constant 0 : i32
          %dma_wait3A_526 = tpu.memref_slice %arg27[%dma_wait3A_524, %dma_wait3A_525] : memref<4112x64xf32, #tpu.memory_space<vmem_shared>> -> memref<4112x64xf32, #tpu.memory_space<vmem_shared>>
          tpu.wait_indirect_dma semaphore(%run_scoped3A : memref<!tpu.dma_semaphore, #tpu.memory_space<semaphore_mem>>) src(%arg22 : memref<128x64xf32, #tpu.memory_space<vmem>>) dst(%dma_wait3A_526 : memref<4112x64xf32, #tpu.memory_space<vmem_shared>>)
          tpu.yield
        }) : () -> ()
      } else {
      }
      %while3A_447 = arith.constant 0 : i32
      scf.yield %while3A_447 : i32
    }
    %while3A_415 = arith.constant 1 : i32
    %while3A_416 = scf.for %while3A_430 = %while3A_412 to %while3A_408 step %while3A_415 iter_args(%while3A_431 = %while3A_414) -> (i32)  : i32 {
      %mul3A_432 = arith.constant 2 : i32
      %mul3A_433 = arith.muli %while3A_430, %mul3A_432 : i32
      %add3A_434 = arith.constant 0 : i32
      %add3A_435 = arith.addi %mul3A_433, %add3A_434 : i32
      %lt3A = arith.cmpi slt, %add3A_435, %select_n3A_373 : i32
      %convert_element_type3A_436 = arith.extui %lt3A : i1 to i32
      %cond3A_437 = arith.constant 0 : i32
      %cond3A_438 = arith.cmpi ne, %convert_element_type3A_436, %cond3A_437 : i32
      scf.if %cond3A_438 {
        %add3A_448 = arith.constant 1 : i32
        %add3A_449 = arith.addi %add3A_435, %add3A_448 : i32
        %lt3A_450 = arith.cmpi slt, %add3A_449, %select_n3A_373 : i32
        %convert_element_type3A_451 = arith.extui %lt3A_450 : i1 to i32
        %cond3A_452 = arith.constant 0 : i32
        %cond3A_453 = arith.cmpi ne, %convert_element_type3A_451, %cond3A_452 : i32
        scf.if %cond3A_453 {
          %add3A_522 = arith.constant 1 : i32
          %add3A_523 = arith.addi %add3A_435, %add3A_522 : i32
          %mul3A_524 = arith.constant 128 : i32
          %mul3A_525 = arith.muli %add3A_523, %mul3A_524 : i32
          %dma_start3A = tpu.memref_slice %arg17[%mul3A_525] : memref<2704xi32, #tpu.memory_space<vmem>> -> memref<128xi32, #tpu.memory_space<vmem>>
          %dma_start3A_526 = arith.constant 0 : i32
          %dma_start3A_527 = arith.constant 0 : i32
          %dma_start3A_528 = tpu.memref_slice %arg7[%dma_start3A_526, %dma_start3A_527] : memref<200000x64xf32, #tpu.memory_space<hbm>> -> memref<200000x64xf32, #tpu.memory_space<hbm>>
          tpu.enqueue_indirect_dma source(%dma_start3A_528 : memref<200000x64xf32, #tpu.memory_space<hbm>>) target(%arg22 : memref<128x64xf32, #tpu.memory_space<vmem>>) offsets(%dma_start3A : memref<128xi32, #tpu.memory_space<vmem>>) semaphore(%arg26 : memref<!tpu.dma_semaphore, #tpu.memory_space<semaphore_mem>>)
        } else {
        }
        %mul3A_454 = arith.constant 128 : i32
        %mul3A_455 = arith.muli %add3A_435, %mul3A_454 : i32
        %add3A_456 = arith.constant 0 : i32
        %add3A_457 = arith.addi %mul3A_455, %add3A_456 : i32
        %get3A = arith.index_cast %add3A_457 : i32 to index
        %get3A_458 = tpu.vector_load %arg18[%get3A] {strides = array<i32>} : memref<2704xi32, #tpu.memory_space<vmem>>, vector<16xi32>,
        %swap3A_459 = arith.constant 0 : index
        %swap3A_460 = tpu.vector_load %arg19[%swap3A_459] {strides = array<i32>} : memref<128xi32, #tpu.memory_space<vmem>>, vector<16xi32>,
        tpu.vector_store %arg19[%swap3A_459], %get3A_458 {strides = array<i32>} : memref<128xi32, #tpu.memory_space<vmem>>, vector<16xi32>,
        %mul3A_461 = arith.constant 128 : i32
        %mul3A_462 = arith.muli %add3A_435, %mul3A_461 : i32
        %add3A_463 = arith.constant 16 : i32
        %add3A_464 = arith.addi %mul3A_462, %add3A_463 : i32
        %get3A_465 = arith.index_cast %add3A_464 : i32 to index
        %get3A_466 = tpu.vector_load %arg18[%get3A_465] {strides = array<i32>} : memref<2704xi32, #tpu.memory_space<vmem>>, vector<16xi32>,
        %swap3A_467 = arith.constant 16 : index
        %swap3A_468 = tpu.vector_load %arg19[%swap3A_467] {strides = array<i32>} : memref<128xi32, #tpu.memory_space<vmem>>, vector<16xi32>,
        tpu.vector_store %arg19[%swap3A_467], %get3A_466 {strides = array<i32>} : memref<128xi32, #tpu.memory_space<vmem>>, vector<16xi32>,
        %mul3A_469 = arith.constant 128 : i32
        %mul3A_470 = arith.muli %add3A_435, %mul3A_469 : i32
        %add3A_471 = arith.constant 32 : i32
        %add3A_472 = arith.addi %mul3A_470, %add3A_471 : i32
        %get3A_473 = arith.index_cast %add3A_472 : i32 to index
        %get3A_474 = tpu.vector_load %arg18[%get3A_473] {strides = array<i32>} : memref<2704xi32, #tpu.memory_space<vmem>>, vector<16xi32>,
        %swap3A_475 = arith.constant 32 : index
        %swap3A_476 = tpu.vector_load %arg19[%swap3A_475] {strides = array<i32>} : memref<128xi32, #tpu.memory_space<vmem>>, vector<16xi32>,
        tpu.vector_store %arg19[%swap3A_475], %get3A_474 {strides = array<i32>} : memref<128xi32, #tpu.memory_space<vmem>>, vector<16xi32>,
        %mul3A_477 = arith.constant 128 : i32
        %mul3A_478 = arith.muli %add3A_435, %mul3A_477 : i32
        %add3A_479 = arith.constant 48 : i32
        %add3A_480 = arith.addi %mul3A_478, %add3A_479 : i32
        %get3A_481 = arith.index_cast %add3A_480 : i32 to index
        %get3A_482 = tpu.vector_load %arg18[%get3A_481] {strides = array<i32>} : memref<2704xi32, #tpu.memory_space<vmem>>, vector<16xi32>,
        %swap3A_483 = arith.constant 48 : index
        %swap3A_484 = tpu.vector_load %arg19[%swap3A_483] {strides = array<i32>} : memref<128xi32, #tpu.memory_space<vmem>>, vector<16xi32>,
        tpu.vector_store %arg19[%swap3A_483], %get3A_482 {strides = array<i32>} : memref<128xi32, #tpu.memory_space<vmem>>, vector<16xi32>,
        %mul3A_485 = arith.constant 128 : i32
        %mul3A_486 = arith.muli %add3A_435, %mul3A_485 : i32
        %add3A_487 = arith.constant 64 : i32
        %add3A_488 = arith.addi %mul3A_486, %add3A_487 : i32
        %get3A_489 = arith.index_cast %add3A_488 : i32 to index
        %get3A_490 = tpu.vector_load %arg18[%get3A_489] {strides = array<i32>} : memref<2704xi32, #tpu.memory_space<vmem>>, vector<16xi32>,
        %swap3A_491 = arith.constant 64 : index
        %swap3A_492 = tpu.vector_load %arg19[%swap3A_491] {strides = array<i32>} : memref<128xi32, #tpu.memory_space<vmem>>, vector<16xi32>,
        tpu.vector_store %arg19[%swap3A_491], %get3A_490 {strides = array<i32>} : memref<128xi32, #tpu.memory_space<vmem>>, vector<16xi32>,
        %mul3A_493 = arith.constant 128 : i32
        %mul3A_494 = arith.muli %add3A_435, %mul3A_493 : i32
        %add3A_495 = arith.constant 80 : i32
        %add3A_496 = arith.addi %mul3A_494, %add3A_495 : i32
        %get3A_497 = arith.index_cast %add3A_496 : i32 to index
        %get3A_498 = tpu.vector_load %arg18[%get3A_497] {strides = array<i32>} : memref<2704xi32, #tpu.memory_space<vmem>>, vector<16xi32>,
        %swap3A_499 = arith.constant 80 : index
        %swap3A_500 = tpu.vector_load %arg19[%swap3A_499] {strides = array<i32>} : memref<128xi32, #tpu.memory_space<vmem>>, vector<16xi32>,
        tpu.vector_store %arg19[%swap3A_499], %get3A_498 {strides = array<i32>} : memref<128xi32, #tpu.memory_space<vmem>>, vector<16xi32>,
        %mul3A_501 = arith.constant 128 : i32
        %mul3A_502 = arith.muli %add3A_435, %mul3A_501 : i32
        %add3A_503 = arith.constant 96 : i32
        %add3A_504 = arith.addi %mul3A_502, %add3A_503 : i32
        %get3A_505 = arith.index_cast %add3A_504 : i32 to index
        %get3A_506 = tpu.vector_load %arg18[%get3A_505] {strides = array<i32>} : memref<2704xi32, #tpu.memory_space<vmem>>, vector<16xi32>,
        %swap3A_507 = arith.constant 96 : index
        %swap3A_508 = tpu.vector_load %arg19[%swap3A_507] {strides = array<i32>} : memref<128xi32, #tpu.memory_space<vmem>>, vector<16xi32>,
        tpu.vector_store %arg19[%swap3A_507], %get3A_506 {strides = array<i32>} : memref<128xi32, #tpu.memory_space<vmem>>, vector<16xi32>,
        %mul3A_509 = arith.constant 128 : i32
        %mul3A_510 = arith.muli %add3A_435, %mul3A_509 : i32
        %add3A_511 = arith.constant 112 : i32
        %add3A_512 = arith.addi %mul3A_510, %add3A_511 : i32
        %get3A_513 = arith.index_cast %add3A_512 : i32 to index
        %get3A_514 = tpu.vector_load %arg18[%get3A_513] {strides = array<i32>} : memref<2704xi32, #tpu.memory_space<vmem>>, vector<16xi32>,
        %swap3A_515 = arith.constant 112 : index
        %swap3A_516 = tpu.vector_load %arg19[%swap3A_515] {strides = array<i32>} : memref<128xi32, #tpu.memory_space<vmem>>, vector<16xi32>,
        tpu.vector_store %arg19[%swap3A_515], %get3A_514 {strides = array<i32>} : memref<128xi32, #tpu.memory_space<vmem>>, vector<16xi32>,
        %dma_wait3A = arith.constant 0 : i32
        %dma_wait3A_517 = arith.constant 0 : i32
        %dma_wait3A_518 = tpu.memref_slice %arg7[%dma_wait3A, %dma_wait3A_517] : memref<200000x64xf32, #tpu.memory_space<hbm>> -> memref<128x64xf32, #tpu.memory_space<hbm>>
        %dma_wait3A_519 = arith.constant 0 : i32
        %dma_wait3A_520 = arith.constant 0 : i32
        %dma_wait3A_521 = tpu.memref_slice %arg7[%dma_wait3A_519, %dma_wait3A_520] : memref<200000x64xf32, #tpu.memory_space<hbm>> -> memref<128x64xf32, #tpu.memory_space<hbm>>
        tpu.wait_dma2 semaphore(%arg25 : memref<!tpu.dma_semaphore, #tpu.memory_space<semaphore_mem>>) src(%dma_wait3A_521 : memref<128x64xf32, #tpu.memory_space<hbm>>) dst(%arg21 : memref<128x64xf32, #tpu.memory_space<vmem>>)
        "tpu.region"() ({
          %run_scoped3A = tpu.sem_alloc : memref<!tpu.dma_semaphore, #tpu.memory_space<semaphore_mem>>
          %dma_start3A = arith.constant 0 : i32
          %dma_start3A_522 = arith.constant 0 : i32
          %dma_start3A_523 = tpu.memref_slice %arg27[%dma_start3A, %dma_start3A_522] : memref<4112x64xf32, #tpu.memory_space<vmem_shared>> -> memref<4112x64xf32, #tpu.memory_space<vmem_shared>>
          tpu.enqueue_indirect_dma source(%arg21 : memref<128x64xf32, #tpu.memory_space<vmem>>) target(%dma_start3A_523 : memref<4112x64xf32, #tpu.memory_space<vmem_shared>>) offsets(%arg19 : memref<128xi32, #tpu.memory_space<vmem>>) semaphore(%run_scoped3A : memref<!tpu.dma_semaphore, #tpu.memory_space<semaphore_mem>>) {add = true}
          %dma_wait3A_524 = arith.constant 0 : i32
          %dma_wait3A_525 = arith.constant 0 : i32
          %dma_wait3A_526 = tpu.memref_slice %arg27[%dma_wait3A_524, %dma_wait3A_525] : memref<4112x64xf32, #tpu.memory_space<vmem_shared>> -> memref<4112x64xf32, #tpu.memory_space<vmem_shared>>
          tpu.wait_indirect_dma semaphore(%run_scoped3A : memref<!tpu.dma_semaphore, #tpu.memory_space<semaphore_mem>>) src(%arg21 : memref<128x64xf32, #tpu.memory_space<vmem>>) dst(%dma_wait3A_526 : memref<4112x64xf32, #tpu.memory_space<vmem_shared>>)
          tpu.yield
        }) : () -> ()
      } else {
      }
      %mul3A_439 = arith.constant 2 : i32
      %mul3A_440 = arith.muli %while3A_430, %mul3A_439 : i32
      %add3A_441 = arith.constant 1 : i32
      %add3A_442 = arith.addi %mul3A_440, %add3A_441 : i32
      %lt3A_443 = arith.cmpi slt, %add3A_442, %select_n3A_373 : i32
      %convert_element_type3A_444 = arith.extui %lt3A_443 : i1 to i32
      %cond3A_445 = arith.constant 0 : i32
      %cond3A_446 = arith.cmpi ne, %convert_element_type3A_444, %cond3A_445 : i32
      scf.if %cond3A_446 {
        %add3A_448 = arith.constant 1 : i32
        %add3A_449 = arith.addi %add3A_442, %add3A_448 : i32
        %lt3A_450 = arith.cmpi slt, %add3A_449, %select_n3A_373 : i32
        %convert_element_type3A_451 = arith.extui %lt3A_450 : i1 to i32
        %cond3A_452 = arith.constant 0 : i32
        %cond3A_453 = arith.cmpi ne, %convert_element_type3A_451, %cond3A_452 : i32
        scf.if %cond3A_453 {
          %add3A_522 = arith.constant 1 : i32
          %add3A_523 = arith.addi %add3A_442, %add3A_522 : i32
          %mul3A_524 = arith.constant 128 : i32
          %mul3A_525 = arith.muli %add3A_523, %mul3A_524 : i32
          %dma_start3A = tpu.memref_slice %arg17[%mul3A_525] : memref<2704xi32, #tpu.memory_space<vmem>> -> memref<128xi32, #tpu.memory_space<vmem>>
          %dma_start3A_526 = arith.constant 0 : i32
          %dma_start3A_527 = arith.constant 0 : i32
          %dma_start3A_528 = tpu.memref_slice %arg7[%dma_start3A_526, %dma_start3A_527] : memref<200000x64xf32, #tpu.memory_space<hbm>> -> memref<200000x64xf32, #tpu.memory_space<hbm>>
          tpu.enqueue_indirect_dma source(%dma_start3A_528 : memref<200000x64xf32, #tpu.memory_space<hbm>>) target(%arg21 : memref<128x64xf32, #tpu.memory_space<vmem>>) offsets(%dma_start3A : memref<128xi32, #tpu.memory_space<vmem>>) semaphore(%arg25 : memref<!tpu.dma_semaphore, #tpu.memory_space<semaphore_mem>>)
        } else {
        }
        %mul3A_454 = arith.constant 128 : i32
        %mul3A_455 = arith.muli %add3A_442, %mul3A_454 : i32
        %add3A_456 = arith.constant 0 : i32
        %add3A_457 = arith.addi %mul3A_455, %add3A_456 : i32
        %get3A = arith.index_cast %add3A_457 : i32 to index
        %get3A_458 = tpu.vector_load %arg18[%get3A] {strides = array<i32>} : memref<2704xi32, #tpu.memory_space<vmem>>, vector<16xi32>,
        %swap3A_459 = arith.constant 0 : index
        %swap3A_460 = tpu.vector_load %arg20[%swap3A_459] {strides = array<i32>} : memref<128xi32, #tpu.memory_space<vmem>>, vector<16xi32>,
        tpu.vector_store %arg20[%swap3A_459], %get3A_458 {strides = array<i32>} : memref<128xi32, #tpu.memory_space<vmem>>, vector<16xi32>,
        %mul3A_461 = arith.constant 128 : i32
        %mul3A_462 = arith.muli %add3A_442, %mul3A_461 : i32
        %add3A_463 = arith.constant 16 : i32
        %add3A_464 = arith.addi %mul3A_462, %add3A_463 : i32
        %get3A_465 = arith.index_cast %add3A_464 : i32 to index
        %get3A_466 = tpu.vector_load %arg18[%get3A_465] {strides = array<i32>} : memref<2704xi32, #tpu.memory_space<vmem>>, vector<16xi32>,
        %swap3A_467 = arith.constant 16 : index
        %swap3A_468 = tpu.vector_load %arg20[%swap3A_467] {strides = array<i32>} : memref<128xi32, #tpu.memory_space<vmem>>, vector<16xi32>,
        tpu.vector_store %arg20[%swap3A_467], %get3A_466 {strides = array<i32>} : memref<128xi32, #tpu.memory_space<vmem>>, vector<16xi32>,
        %mul3A_469 = arith.constant 128 : i32
        %mul3A_470 = arith.muli %add3A_442, %mul3A_469 : i32
        %add3A_471 = arith.constant 32 : i32
        %add3A_472 = arith.addi %mul3A_470, %add3A_471 : i32
        %get3A_473 = arith.index_cast %add3A_472 : i32 to index
        %get3A_474 = tpu.vector_load %arg18[%get3A_473] {strides = array<i32>} : memref<2704xi32, #tpu.memory_space<vmem>>, vector<16xi32>,
        %swap3A_475 = arith.constant 32 : index
        %swap3A_476 = tpu.vector_load %arg20[%swap3A_475] {strides = array<i32>} : memref<128xi32, #tpu.memory_space<vmem>>, vector<16xi32>,
        tpu.vector_store %arg20[%swap3A_475], %get3A_474 {strides = array<i32>} : memref<128xi32, #tpu.memory_space<vmem>>, vector<16xi32>,
        %mul3A_477 = arith.constant 128 : i32
        %mul3A_478 = arith.muli %add3A_442, %mul3A_477 : i32
        %add3A_479 = arith.constant 48 : i32
        %add3A_480 = arith.addi %mul3A_478, %add3A_479 : i32
        %get3A_481 = arith.index_cast %add3A_480 : i32 to index
        %get3A_482 = tpu.vector_load %arg18[%get3A_481] {strides = array<i32>} : memref<2704xi32, #tpu.memory_space<vmem>>, vector<16xi32>,
        %swap3A_483 = arith.constant 48 : index
        %swap3A_484 = tpu.vector_load %arg20[%swap3A_483] {strides = array<i32>} : memref<128xi32, #tpu.memory_space<vmem>>, vector<16xi32>,
        tpu.vector_store %arg20[%swap3A_483], %get3A_482 {strides = array<i32>} : memref<128xi32, #tpu.memory_space<vmem>>, vector<16xi32>,
        %mul3A_485 = arith.constant 128 : i32
        %mul3A_486 = arith.muli %add3A_442, %mul3A_485 : i32
        %add3A_487 = arith.constant 64 : i32
        %add3A_488 = arith.addi %mul3A_486, %add3A_487 : i32
        %get3A_489 = arith.index_cast %add3A_488 : i32 to index
        %get3A_490 = tpu.vector_load %arg18[%get3A_489] {strides = array<i32>} : memref<2704xi32, #tpu.memory_space<vmem>>, vector<16xi32>,
        %swap3A_491 = arith.constant 64 : index
        %swap3A_492 = tpu.vector_load %arg20[%swap3A_491] {strides = array<i32>} : memref<128xi32, #tpu.memory_space<vmem>>, vector<16xi32>,
        tpu.vector_store %arg20[%swap3A_491], %get3A_490 {strides = array<i32>} : memref<128xi32, #tpu.memory_space<vmem>>, vector<16xi32>,
        %mul3A_493 = arith.constant 128 : i32
        %mul3A_494 = arith.muli %add3A_442, %mul3A_493 : i32
        %add3A_495 = arith.constant 80 : i32
        %add3A_496 = arith.addi %mul3A_494, %add3A_495 : i32
        %get3A_497 = arith.index_cast %add3A_496 : i32 to index
        %get3A_498 = tpu.vector_load %arg18[%get3A_497] {strides = array<i32>} : memref<2704xi32, #tpu.memory_space<vmem>>, vector<16xi32>,
        %swap3A_499 = arith.constant 80 : index
        %swap3A_500 = tpu.vector_load %arg20[%swap3A_499] {strides = array<i32>} : memref<128xi32, #tpu.memory_space<vmem>>, vector<16xi32>,
        tpu.vector_store %arg20[%swap3A_499], %get3A_498 {strides = array<i32>} : memref<128xi32, #tpu.memory_space<vmem>>, vector<16xi32>,
        %mul3A_501 = arith.constant 128 : i32
        %mul3A_502 = arith.muli %add3A_442, %mul3A_501 : i32
        %add3A_503 = arith.constant 96 : i32
        %add3A_504 = arith.addi %mul3A_502, %add3A_503 : i32
        %get3A_505 = arith.index_cast %add3A_504 : i32 to index
        %get3A_506 = tpu.vector_load %arg18[%get3A_505] {strides = array<i32>} : memref<2704xi32, #tpu.memory_space<vmem>>, vector<16xi32>,
        %swap3A_507 = arith.constant 96 : index
        %swap3A_508 = tpu.vector_load %arg20[%swap3A_507] {strides = array<i32>} : memref<128xi32, #tpu.memory_space<vmem>>, vector<16xi32>,
        tpu.vector_store %arg20[%swap3A_507], %get3A_506 {strides = array<i32>} : memref<128xi32, #tpu.memory_space<vmem>>, vector<16xi32>,
        %mul3A_509 = arith.constant 128 : i32
        %mul3A_510 = arith.muli %add3A_442, %mul3A_509 : i32
        %add3A_511 = arith.constant 112 : i32
        %add3A_512 = arith.addi %mul3A_510, %add3A_511 : i32
        %get3A_513 = arith.index_cast %add3A_512 : i32 to index
        %get3A_514 = tpu.vector_load %arg18[%get3A_513] {strides = array<i32>} : memref<2704xi32, #tpu.memory_space<vmem>>, vector<16xi32>,
        %swap3A_515 = arith.constant 112 : index
        %swap3A_516 = tpu.vector_load %arg20[%swap3A_515] {strides = array<i32>} : memref<128xi32, #tpu.memory_space<vmem>>, vector<16xi32>,
        tpu.vector_store %arg20[%swap3A_515], %get3A_514 {strides = array<i32>} : memref<128xi32, #tpu.memory_space<vmem>>, vector<16xi32>,
        %dma_wait3A = arith.constant 0 : i32
        %dma_wait3A_517 = arith.constant 0 : i32
        %dma_wait3A_518 = tpu.memref_slice %arg7[%dma_wait3A, %dma_wait3A_517] : memref<200000x64xf32, #tpu.memory_space<hbm>> -> memref<128x64xf32, #tpu.memory_space<hbm>>
        %dma_wait3A_519 = arith.constant 0 : i32
        %dma_wait3A_520 = arith.constant 0 : i32
        %dma_wait3A_521 = tpu.memref_slice %arg7[%dma_wait3A_519, %dma_wait3A_520] : memref<200000x64xf32, #tpu.memory_space<hbm>> -> memref<128x64xf32, #tpu.memory_space<hbm>>
        tpu.wait_dma2 semaphore(%arg26 : memref<!tpu.dma_semaphore, #tpu.memory_space<semaphore_mem>>) src(%dma_wait3A_521 : memref<128x64xf32, #tpu.memory_space<hbm>>) dst(%arg22 : memref<128x64xf32, #tpu.memory_space<vmem>>)
        "tpu.region"() ({
          %run_scoped3A = tpu.sem_alloc : memref<!tpu.dma_semaphore, #tpu.memory_space<semaphore_mem>>
          %dma_start3A = arith.constant 0 : i32
          %dma_start3A_522 = arith.constant 0 : i32
          %dma_start3A_523 = tpu.memref_slice %arg27[%dma_start3A, %dma_start3A_522] : memref<4112x64xf32, #tpu.memory_space<vmem_shared>> -> memref<4112x64xf32, #tpu.memory_space<vmem_shared>>
          tpu.enqueue_indirect_dma source(%arg22 : memref<128x64xf32, #tpu.memory_space<vmem>>) target(%dma_start3A_523 : memref<4112x64xf32, #tpu.memory_space<vmem_shared>>) offsets(%arg20 : memref<128xi32, #tpu.memory_space<vmem>>) semaphore(%run_scoped3A : memref<!tpu.dma_semaphore, #tpu.memory_space<semaphore_mem>>) {add = true}
          %dma_wait3A_524 = arith.constant 0 : i32
          %dma_wait3A_525 = arith.constant 0 : i32
          %dma_wait3A_526 = tpu.memref_slice %arg27[%dma_wait3A_524, %dma_wait3A_525] : memref<4112x64xf32, #tpu.memory_space<vmem_shared>> -> memref<4112x64xf32, #tpu.memory_space<vmem_shared>>
          tpu.wait_indirect_dma semaphore(%run_scoped3A : memref<!tpu.dma_semaphore, #tpu.memory_space<semaphore_mem>>) src(%arg22 : memref<128x64xf32, #tpu.memory_space<vmem>>) dst(%dma_wait3A_526 : memref<4112x64xf32, #tpu.memory_space<vmem_shared>>)
          tpu.yield
        }) : () -> ()
      } else {
      }
      %while3A_447 = arith.constant 0 : i32
      scf.yield %while3A_447 : i32
    }
    %eq3A = arith.constant 0 : i32
    %eq3A_417 = arith.cmpi eq, %arg0, %eq3A : i32
    %convert_element_type3A_418 = arith.extui %eq3A_417 : i1 to i32
    %cond3A_419 = arith.constant 0 : i32
    %cond3A_420 = arith.cmpi ne, %convert_element_type3A_418, %cond3A_419 : i32
    scf.if %cond3A_420 {
      %scan3A_430 = arith.constant 0 : i32
      %scan3A_431 = arith.constant 0 : i32
      %scan3A_432 = arith.constant 16 : i32
      %scan3A_433 = arith.addi %scan3A_431, %scan3A_432 : i32
      %scan3A_434 = arith.constant 1 : i32
      %scan3A_435 = scf.for %scan3A_439 = %scan3A_431 to %scan3A_433 step %scan3A_434 iter_args(%scan3A_440 = %scan3A_430) -> (i32)  : i32 {
        %mul3A_441 = arith.constant 256 : i32
        %mul3A_442 = arith.muli %arg1, %mul3A_441 : i32
        %mul3A_443 = arith.constant 16 : i32
        %mul3A_444 = arith.muli %scan3A_439, %mul3A_443 : i32
        %add3A_445 = arith.addi %mul3A_442, %mul3A_444 : i32
        %get3A = arith.index_cast %add3A_445 : i32 to index
        %get3A_446 = tpu.vector_load %arg10[%get3A] {strides = array<i32>} : memref<4096xi32, #tpu.memory_space<vmem>>, vector<16xi32>,
        %add3A_447 = vector.broadcast %add3A_445 : i32 to vector<16xi32>
        %add3A_448 = arith.addi %add3A_447, %iota3A : vector<16xi32>
        %add3A_449 = arith.constant 1 : i32
        %add3A_450 = vector.broadcast %add3A_449 : i32 to vector<16xi32>
        %add3A_451 = arith.addi %add3A_448, %add3A_450 : vector<16xi32>
        %add3A_452 = vector.broadcast %add3A_445 : i32 to vector<16xi32>
        %add3A_453 = arith.addi %add3A_452, %iota3A : vector<16xi32>
        %lt3A = arith.constant 4095 : i32
        %lt3A_454 = vector.broadcast %lt3A : i32 to vector<16xi32>
        %lt3A_455 = arith.cmpi slt, %add3A_453, %lt3A_454 : vector<16xi32>
        %gather3A = tpu.vector_load_idx %arg10[%add3A_451] masked %lt3A_455 : memref<4096xi32, #tpu.memory_space<vmem>>[vector<16xi32>], vector<16xi32>, vector<16xi1>
        %add3A_456 = vector.broadcast %add3A_445 : i32 to vector<16xi32>
        %add3A_457 = arith.addi %add3A_456, %iota3A : vector<16xi32>
        %eq3A_458 = arith.constant 4095 : i32
        %eq3A_459 = vector.broadcast %eq3A_458 : i32 to vector<16xi32>
        %eq3A_460 = arith.cmpi eq, %add3A_457, %eq3A_459 : vector<16xi32>
        %jit3A_461 = arith.constant 81920 : i32
        %broadcast_in_dim3A_462 = vector.broadcast %jit3A_461 : i32 to vector<16xi32>
        %select_n3A_463 = arith.select %eq3A_460, %broadcast_in_dim3A_462, %gather3A : vector<16xi1>, vector<16xi32>
        %sub3A_464 = arith.subi %select_n3A_463, %get3A_446 : vector<16xi32>
        %max3A = arith.constant 1 : i32
        %max3A_465 = vector.broadcast %max3A : i32 to vector<16xi32>
        %max3A_466 = arith.maxsi %sub3A_464, %max3A_465 : vector<16xi32>
        %convert_element_type3A_467 = arith.sitofp %max3A_466 : vector<16xi32> to vector<16xf32>
        %div3A_468 = arith.constant 1.000000e+00 : f32
        %div3A_469 = vector.broadcast %div3A_468 : f32 to vector<16xf32>
        %div3A_470 = arith.divf %div3A_469, %convert_element_type3A_467 : vector<16xf32>
        %mul3A_471 = arith.constant 16 : i32
        %mul3A_472 = arith.muli %scan3A_439, %mul3A_471 : i32
        %swap3A_473 = arith.index_cast %mul3A_472 : i32 to index
        %swap3A_474 = tpu.vector_load %arg24[%swap3A_473] {strides = array<i32>} : memref<256xf32, #tpu.memory_space<vmem>>, vector<16xf32>,
        tpu.vector_store %arg24[%swap3A_473], %div3A_470 {strides = array<i32>} : memref<256xf32, #tpu.memory_space<vmem>>, vector<16xf32>,
        %scan3A_475 = arith.constant 0 : i32
        scf.yield %scan3A_475 : i32
      }
      %scan3A_436 = arith.constant 16 : i32
      %mul3A_437 = arith.constant 256 : i32
      %mul3A_438 = arith.muli %arg1, %mul3A_437 : i32
      "tpu.region"() ({
        %run_scoped3A = tpu.sem_alloc : memref<!tpu.dma_semaphore, #tpu.memory_space<semaphore_mem>>
        %dma_start3A = tpu.memref_slice %arg9[%mul3A_438] : memref<4096xf32, #tpu.memory_space<hbm>> -> memref<256xf32, #tpu.memory_space<hbm>>
        %dma_start3A_439 = tpu.memref_slice %arg9[%mul3A_438] : memref<4096xf32, #tpu.memory_space<hbm>> -> memref<256xf32, #tpu.memory_space<hbm>>
        tpu.enqueue_dma source(%arg24 : memref<256xf32, #tpu.memory_space<vmem>>) target(%dma_start3A_439 : memref<256xf32, #tpu.memory_space<hbm>>) target_semaphore(%run_scoped3A : memref<!tpu.dma_semaphore, #tpu.memory_space<semaphore_mem>>)
        %dma_wait3A = tpu.memref_slice %arg9[%mul3A_438] : memref<4096xf32, #tpu.memory_space<hbm>> -> memref<256xf32, #tpu.memory_space<hbm>>
        %dma_wait3A_440 = tpu.memref_slice %arg9[%mul3A_438] : memref<4096xf32, #tpu.memory_space<hbm>> -> memref<256xf32, #tpu.memory_space<hbm>>
        tpu.wait_dma2 semaphore(%run_scoped3A : memref<!tpu.dma_semaphore, #tpu.memory_space<semaphore_mem>>) src(%arg24 : memref<256xf32, #tpu.memory_space<vmem>>) dst(%dma_wait3A_440 : memref<256xf32, #tpu.memory_space<hbm>>)
        tpu.yield
      }) : () -> ()
    } else {
    }
    %barrier3A_421 = arith.constant 0 : index
    tpu.barrier barrier_id(%barrier3A_421)
    %mul3A_422 = arith.constant 256 : i32
    %mul3A_423 = arith.muli %arg1, %mul3A_422 : i32
    %add3A_424 = arith.constant 0 : i32
    %add3A_425 = arith.addi %mul3A_423, %add3A_424 : i32
    "tpu.region"() ({
      %run_scoped3A = tpu.sem_alloc : memref<!tpu.dma_semaphore, #tpu.memory_space<semaphore_mem>>
      %dma_start3A = arith.constant 0 : i32
      %dma_start3A_430 = tpu.memref_slice %arg27[%add3A_425, %dma_start3A] : memref<4112x64xf32, #tpu.memory_space<vmem_shared>> -> memref<128x64xf32, #tpu.memory_space<vmem_shared>>
      %dma_start3A_431 = arith.constant 0 : i32
      %dma_start3A_432 = tpu.memref_slice %arg27[%add3A_425, %dma_start3A_431] : memref<4112x64xf32, #tpu.memory_space<vmem_shared>> -> memref<128x64xf32, #tpu.memory_space<vmem_shared>>
      tpu.enqueue_dma source(%dma_start3A_432 : memref<128x64xf32, #tpu.memory_space<vmem_shared>>) target(%arg21 : memref<128x64xf32, #tpu.memory_space<vmem>>) target_semaphore(%run_scoped3A : memref<!tpu.dma_semaphore, #tpu.memory_space<semaphore_mem>>)
      %dma_wait3A = arith.constant 0 : i32
      %dma_wait3A_433 = tpu.memref_slice %arg27[%add3A_425, %dma_wait3A] : memref<4112x64xf32, #tpu.memory_space<vmem_shared>> -> memref<128x64xf32, #tpu.memory_space<vmem_shared>>
      %dma_wait3A_434 = arith.constant 0 : i32
      %dma_wait3A_435 = tpu.memref_slice %arg27[%add3A_425, %dma_wait3A_434] : memref<4112x64xf32, #tpu.memory_space<vmem_shared>> -> memref<128x64xf32, #tpu.memory_space<vmem_shared>>
      tpu.wait_dma2 semaphore(%run_scoped3A : memref<!tpu.dma_semaphore, #tpu.memory_space<semaphore_mem>>) src(%dma_wait3A_435 : memref<128x64xf32, #tpu.memory_space<vmem_shared>>) dst(%arg21 : memref<128x64xf32, #tpu.memory_space<vmem>>)
      tpu.yield
    }) : () -> ()
    "tpu.region"() ({
      %run_scoped3A = tpu.sem_alloc : memref<!tpu.dma_semaphore, #tpu.memory_space<semaphore_mem>>
      %dma_start3A = arith.constant 0 : i32
      %dma_start3A_430 = tpu.memref_slice %arg8[%arg0, %add3A_425, %dma_start3A] : memref<2x4096x64xf32, #tpu.memory_space<hbm>> -> memref<1x128x64xf32, #tpu.memory_space<hbm>>
      %dma_start3A_431 = tpu.memref_squeeze %dma_start3A_430 : memref<1x128x64xf32, #tpu.memory_space<hbm>> -> memref<128x64xf32, #tpu.memory_space<hbm>>
      %dma_start3A_432 = arith.constant 0 : i32
      %dma_start3A_433 = tpu.memref_slice %arg8[%arg0, %add3A_425, %dma_start3A_432] : memref<2x4096x64xf32, #tpu.memory_space<hbm>> -> memref<1x128x64xf32, #tpu.memory_space<hbm>>
      %dma_start3A_434 = tpu.memref_squeeze %dma_start3A_433 : memref<1x128x64xf32, #tpu.memory_space<hbm>> -> memref<128x64xf32, #tpu.memory_space<hbm>>
      tpu.enqueue_dma source(%arg21 : memref<128x64xf32, #tpu.memory_space<vmem>>) target(%dma_start3A_434 : memref<128x64xf32, #tpu.memory_space<hbm>>) target_semaphore(%run_scoped3A : memref<!tpu.dma_semaphore, #tpu.memory_space<semaphore_mem>>)
      %dma_wait3A = arith.constant 0 : i32
      %dma_wait3A_435 = tpu.memref_slice %arg8[%arg0, %add3A_425, %dma_wait3A] : memref<2x4096x64xf32, #tpu.memory_space<hbm>> -> memref<1x128x64xf32, #tpu.memory_space<hbm>>
      %dma_wait3A_436 = tpu.memref_squeeze %dma_wait3A_435 : memref<1x128x64xf32, #tpu.memory_space<hbm>> -> memref<128x64xf32, #tpu.memory_space<hbm>>
      %dma_wait3A_437 = arith.constant 0 : i32
      %dma_wait3A_438 = tpu.memref_slice %arg8[%arg0, %add3A_425, %dma_wait3A_437] : memref<2x4096x64xf32, #tpu.memory_space<hbm>> -> memref<1x128x64xf32, #tpu.memory_space<hbm>>
      %dma_wait3A_439 = tpu.memref_squeeze %dma_wait3A_438 : memref<1x128x64xf32, #tpu.memory_space<hbm>> -> memref<128x64xf32, #tpu.memory_space<hbm>>
      tpu.wait_dma2 semaphore(%run_scoped3A : memref<!tpu.dma_semaphore, #tpu.memory_space<semaphore_mem>>) src(%arg21 : memref<128x64xf32, #tpu.memory_space<vmem>>) dst(%dma_wait3A_439 : memref<128x64xf32, #tpu.memory_space<hbm>>)
      tpu.yield
    }) : () -> ()
    %mul3A_426 = arith.constant 256 : i32
    %mul3A_427 = arith.muli %arg1, %mul3A_426 : i32
    %add3A_428 = arith.constant 128 : i32
    %add3A_429 = arith.addi %mul3A_427, %add3A_428 : i32
    "tpu.region"() ({
      %run_scoped3A = tpu.sem_alloc : memref<!tpu.dma_semaphore, #tpu.memory_space<semaphore_mem>>
      %dma_start3A = arith.constant 0 : i32
      %dma_start3A_430 = tpu.memref_slice %arg27[%add3A_429, %dma_start3A] : memref<4112x64xf32, #tpu.memory_space<vmem_shared>> -> memref<128x64xf32, #tpu.memory_space<vmem_shared>>
      %dma_start3A_431 = arith.constant 0 : i32
      %dma_start3A_432 = tpu.memref_slice %arg27[%add3A_429, %dma_start3A_431] : memref<4112x64xf32, #tpu.memory_space<vmem_shared>> -> memref<128x64xf32, #tpu.memory_space<vmem_shared>>
      tpu.enqueue_dma source(%dma_start3A_432 : memref<128x64xf32, #tpu.memory_space<vmem_shared>>) target(%arg22 : memref<128x64xf32, #tpu.memory_space<vmem>>) target_semaphore(%run_scoped3A : memref<!tpu.dma_semaphore, #tpu.memory_space<semaphore_mem>>)
      %dma_wait3A = arith.constant 0 : i32
      %dma_wait3A_433 = tpu.memref_slice %arg27[%add3A_429, %dma_wait3A] : memref<4112x64xf32, #tpu.memory_space<vmem_shared>> -> memref<128x64xf32, #tpu.memory_space<vmem_shared>>
      %dma_wait3A_434 = arith.constant 0 : i32
      %dma_wait3A_435 = tpu.memref_slice %arg27[%add3A_429, %dma_wait3A_434] : memref<4112x64xf32, #tpu.memory_space<vmem_shared>> -> memref<128x64xf32, #tpu.memory_space<vmem_shared>>
      tpu.wait_dma2 semaphore(%run_scoped3A : memref<!tpu.dma_semaphore, #tpu.memory_space<semaphore_mem>>) src(%dma_wait3A_435 : memref<128x64xf32, #tpu.memory_space<vmem_shared>>) dst(%arg22 : memref<128x64xf32, #tpu.memory_space<vmem>>)
      tpu.yield
    }) : () -> ()
    "tpu.region"() ({
      %run_scoped3A = tpu.sem_alloc : memref<!tpu.dma_semaphore, #tpu.memory_space<semaphore_mem>>
      %dma_start3A = arith.constant 0 : i32
      %dma_start3A_430 = tpu.memref_slice %arg8[%arg0, %add3A_429, %dma_start3A] : memref<2x4096x64xf32, #tpu.memory_space<hbm>> -> memref<1x128x64xf32, #tpu.memory_space<hbm>>
      %dma_start3A_431 = tpu.memref_squeeze %dma_start3A_430 : memref<1x128x64xf32, #tpu.memory_space<hbm>> -> memref<128x64xf32, #tpu.memory_space<hbm>>
      %dma_start3A_432 = arith.constant 0 : i32
      %dma_start3A_433 = tpu.memref_slice %arg8[%arg0, %add3A_429, %dma_start3A_432] : memref<2x4096x64xf32, #tpu.memory_space<hbm>> -> memref<1x128x64xf32, #tpu.memory_space<hbm>>
      %dma_start3A_434 = tpu.memref_squeeze %dma_start3A_433 : memref<1x128x64xf32, #tpu.memory_space<hbm>> -> memref<128x64xf32, #tpu.memory_space<hbm>>
      tpu.enqueue_dma source(%arg22 : memref<128x64xf32, #tpu.memory_space<vmem>>) target(%dma_start3A_434 : memref<128x64xf32, #tpu.memory_space<hbm>>) target_semaphore(%run_scoped3A : memref<!tpu.dma_semaphore, #tpu.memory_space<semaphore_mem>>)
      %dma_wait3A = arith.constant 0 : i32
      %dma_wait3A_435 = tpu.memref_slice %arg8[%arg0, %add3A_429, %dma_wait3A] : memref<2x4096x64xf32, #tpu.memory_space<hbm>> -> memref<1x128x64xf32, #tpu.memory_space<hbm>>
      %dma_wait3A_436 = tpu.memref_squeeze %dma_wait3A_435 : memref<1x128x64xf32, #tpu.memory_space<hbm>> -> memref<128x64xf32, #tpu.memory_space<hbm>>
      %dma_wait3A_437 = arith.constant 0 : i32
      %dma_wait3A_438 = tpu.memref_slice %arg8[%arg0, %add3A_429, %dma_wait3A_437] : memref<2x4096x64xf32, #tpu.memory_space<hbm>> -> memref<1x128x64xf32, #tpu.memory_space<hbm>>
      %dma_wait3A_439 = tpu.memref_squeeze %dma_wait3A_438 : memref<1x128x64xf32, #tpu.memory_space<hbm>> -> memref<128x64xf32, #tpu.memory_space<hbm>>
      tpu.wait_dma2 semaphore(%run_scoped3A : memref<!tpu.dma_semaphore, #tpu.memory_space<semaphore_mem>>) src(%arg22 : memref<128x64xf32, #tpu.memory_space<vmem>>) dst(%dma_wait3A_439 : memref<128x64xf32, #tpu.memory_space<hbm>>)
      tpu.yield
    }) : () -> ()
    return
  }
}

module attributes {stable_mosaic.version = 14 : i64} {
  func.func @_tc_body(%arg0: i32, %arg1: memref<2x512x64xf32, #tpu.memory_space<vmem>>, %arg2: memref<512x1xf32, #tpu.memory_space<vmem>>, %arg3: memref<512x64xf32, #tpu.memory_space<vmem>>) attributes {dimension_semantics = [#tpu.dimension_semantics<arbitrary>], iteration_bounds = array<i64: 8>, scalar_prefetch = 0 : i64, scratch_operands = 0 : i64, tpu.core_type = #tpu.core_type<tc>, window_params = [{transform_indices = @transform_0, window_bounds = array<i64: 2, 512, 64>}, {transform_indices = @transform_1, window_bounds = array<i64: 512, 1>}, {transform_indices = @transform_2, window_bounds = array<i64: 512, 64>}]} {
    %get3A = arith.constant 0 : index
    %get3A_0 = arith.constant 0 : index
    %get3A_1 = arith.constant 0 : index
    %get3A_2 = vector.load %arg1[%get3A, %get3A_0, %get3A_1] : memref<2x512x64xf32, #tpu.memory_space<vmem>>, vector<1x512x64xf32>
    %get3A_3 = vector.shape_cast %get3A_2 : vector<1x512x64xf32> to vector<512x64xf32>
    %get3A_4 = arith.constant 1 : index
    %get3A_5 = arith.constant 0 : index
    %get3A_6 = arith.constant 0 : index
    %get3A_7 = vector.load %arg1[%get3A_4, %get3A_5, %get3A_6] : memref<2x512x64xf32, #tpu.memory_space<vmem>>, vector<1x512x64xf32>
    %get3A_8 = vector.shape_cast %get3A_7 : vector<1x512x64xf32> to vector<512x64xf32>
    %add3A = arith.addf %get3A_3, %get3A_8 : vector<512x64xf32>
    %get3A_9 = arith.constant 0 : index
    %get3A_10 = arith.constant 0 : index
    %get3A_11 = vector.load %arg2[%get3A_9, %get3A_10] : memref<512x1xf32, #tpu.memory_space<vmem>>, vector<512x1xf32>
    %mul3A = vector.broadcast %get3A_11 : vector<512x1xf32> to vector<512x64xf32>
    %mul3A_12 = arith.mulf %add3A, %mul3A : vector<512x64xf32>
    %swap3A = arith.constant 0 : index
    %swap3A_13 = arith.constant 0 : index
    %swap3A_14 = vector.load %arg3[%swap3A, %swap3A_13] : memref<512x64xf32, #tpu.memory_space<vmem>>, vector<512x64xf32>
    tpu.vector_store %arg3[%swap3A, %swap3A_13], %mul3A_12 {strides = array<i32>} : memref<512x64xf32, #tpu.memory_space<vmem>>, vector<512x64xf32>,
    return
  }
  func.func @transform_0(%arg0: i32) -> (i32, i32, i32) {
    %c0_i32 = arith.constant 0 : i32
    %c0_i32_0 = arith.constant 0 : i32
    %c0_i32_1 = arith.constant 0 : i32
    return %c0_i32, %arg0, %c0_i32_0 : i32, i32, i32
  }
  func.func @transform_1(%arg0: i32) -> (i32, i32) {
    %c0_i32 = arith.constant 0 : i32
    %c0_i32_0 = arith.constant 0 : i32
    return %arg0, %c0_i32 : i32, i32
  }
  func.func @transform_2(%arg0: i32) -> (i32, i32) {
    %c0_i32 = arith.constant 0 : i32
    %c0_i32_0 = arith.constant 0 : i32
    return %arg0, %c0_i32 : i32, i32
  }
}

</mosaic_0001>

<sc_bundles>
// kernel: kernel.4.cloned.1.call-start
scs
__scs_entry_jumppad:
0x0: {  	(pc) =	sbr.rel $0x88, $3  }
0x1: {  	(tag) =	ssettag $0x0;
	lr =	simm.s32 $0x1  }
0x2: {  	[smem:$0x3F9A] =	sst lr;
	_ =	strace $0xD0000000  }
0x3: {  	_ = 	snop  }
0x4: {  	_ = 	snop  }
0x5: {  	_ = 	snop  }
0x6: {  	_ = 	snop  }
0x7: {  	_ = 	snop  }
__scs_overlays_trampoline_lowered:
0x8: {  	[smem:$0x3FA9] =	sst s0  }
0x9: {  	[smem:$0x3FAA] =	sst s1  }
0xa: {  	[smem:$0x3FAB] =	sst s2  }
0xb: {  	[smem:$0x3FAC] =	sst s3  }
0xc: {  	[smem:$0x3FAD] =	sst s4  }
0xd: {  	[smem:$0x3FAE] =	sst s5  }
0xe: {  	[smem:$0x3FAF] =	sst s6  }
0xf: {  	[smem:$0x3FB0] =	sst s7  }
0x10: {  	[smem:$0x3FB1] =	sst s8  }
0x11: {  	[smem:$0x3FB2] =	sst s9;
	s0 =	simm.s32 @!p0 $0x0  }
0x12: {  	s1 =	sld [smem:$0x3F98];
	s0 =	simm.s32 @p0 $0x1  }
0x13: {  	[smem:$0x3FB3] =	sst s0;
	s0 =	simm.s32 @!p1 $0x0  }
0x14: {  	s2 =	sld [smem:$0x3F97];
	s0 =	simm.s32 @p1 $0x1  }
0x15: {  	[smem:$0x3FB4] =	sst s0;
	s0 =	simm.s32 @!p2 $0x0  }
0x16: {  	s3 =	sld [smem:$0x3FDB];
	s0 =	simm.s32 @p2 $0x1  }
0x17: {  	s4 =	simm.s32 $0x1BF5;
	[smem:$0x3FB6] =	sst s0  }
0x18: {  	s0 =	sld [smem:$0x3F99];
	_ =	swait.ge [sflag:s4], $0x0  }
0x19: {  	s7 =	sld [smem:$0x3F9A]  }
0x1a: {  	s8 =	sadd.s32 $0xFFFFE003, lr  }
0x1b: {  	s9 =	sadd.s32 $0xFFFFFEF7, lr;
	s5 =	simm.s32 $0xFFFFFFFF;
	p2 =	slt.u32 s8, $0xFFFFF086  }
0x1c: {  	p1 =	slt.u32 s9, $0xF7A;
	s5 =	simm.s32 @!p2 $0x0  }
0x1d: {  	s5 =	simm.s32 @p1 $0x1;
	p0 =	seq.s32 s7, s2  }
0x1e: {  	s7 =	smul.u32 @!p0 $0xF7A, s2;
	p2 =	seq.s32 @!p0 s5, $0x0  }
0x1f: {  	s9 =	smul.u32 $0xF7A, s1;
	s8 =	simm.s32 @!p0 $0x1BF5;
	p2 =	por !p2, p0  }
0x20: {  	[sflag:s8] =	ssyncset.s32 @!p0 $0xFFFFF086;
	s6 =	sadd.s32 @!p0 s3, s7;
	s7 =	simm.s32 @!p0 $0x108  }
0x21: {  	s3 =	sadd.s32 s3, s9;
	s6 =	sadd.s32 @!p0 $0x88, s6;
	s7 =	simm.s32 @p2 $0x1082  }
0x22: {  	[simem:s7], [sflag:s8] =	dma.local @!p0 [hbm:s6], $0xF7A  }
0x23: {  	s9 =	sor.u32 $0xD0000000, s2;
	s6 =	simm.s32 $0x108;
	_ =	swait.ge @!p0 [sflag:s8], $0x0  }
0x24: {  	s3 =	sadd.s32 $0x88, s3;
	s6 =	simm.s32 @!p1 $0x1082;
	[sflag:s4] =	ssyncset.s32 $0xFFFFF086  }
0x25: {  	[simem:s6], [sflag:s4] =	dma.local [hbm:s3], $0xF7A  }
0x26: {  	[smem:$0x3F9A] =	sst s1;
	(tag) =	ssettag s2;
	_ =	strace s9  }
0x27: {  	s1 =	sld [smem:$0x3FAA]  }
0x28: {  	s2 =	sld [smem:$0x3FAB]  }
0x29: {  	s4 =	sld [smem:$0x3FAD]  }
0x2a: {  	p0 =	seq.s32 s5, $0x0;
	s5 =	sld [smem:$0x3FAE]  }
0x2b: {  	s6 =	sld [smem:$0x3FAF]  }
0x2c: {  	s7 =	sld [smem:$0x3FB0]  }
0x2d: {  	s3 =	simm.s32 $0x108;
	s8 =	sld [smem:$0x3FB1]  }
0x2e: {  	s3 =	simm.s32 @!p0 $0x1082;
	s9 =	sld [smem:$0x3FB2]  }
0x2f: {  	lr =	sadd.s32 s0, s3;
	s0 =	sld [smem:$0x3FA9]  }
0x30: {  	s3 =	sld [smem:$0x3FAC]  }
0x31: {  	[smem:$0x3FB5] =	sst s10  }
0x32: {  	s10 =	sld [smem:$0x3FB3];
	_ =	sdelay $0x3  }
0x33: {  	p0 =	seq.s32 s10, $0x1;
	s10 =	sld [smem:$0x3FB5];
	_ =	sdelay $0x3  }
0x34: {  	[smem:$0x3FB5] =	sst s10  }
0x35: {  	s10 =	sld [smem:$0x3FB4];
	_ =	sdelay $0x3  }
0x36: {  	p1 =	seq.s32 s10, $0x1;
	s10 =	sld [smem:$0x3FB5];
	_ =	sdelay $0x3  }
0x37: {  	[smem:$0x3FB5] =	sst s10  }
0x38: {  	s10 =	sld [smem:$0x3FB6]  }
0x39: {  	_ = 	snop;
	(pc) =	sbr.ind lr, $3  }
0x3a: {  	_ = 	snop  }
0x3b: {  	_ = 	snop  }
0x3c: {  	p2 =	seq.s32 s10, $0x1;
	s10 =	sld [smem:$0x3FB5]  }
0x3d: {  	_ =	shalt  }
0x3e: {  	_ =	shalt  }
0x3f: {  	_ =	shalt  }
0x40: {  	_ =	shalt  }
0x41: {  	_ =	shalt  }
0x42: {  	_ =	shalt  }
0x43: {  	_ =	shalt  }
0x44: {  	_ =	shalt  }
0x45: {  	_ =	shalt  }
0x46: {  	_ =	shalt  }
0x47: {  	_ =	shalt  }
0x48: {  	_ =	shalt  }
0x49: {  	_ =	shalt  }
0x4a: {  	_ =	shalt  }
0x4b: {  	_ =	shalt  }
0x4c: {  	_ =	shalt  }
0x4d: {  	_ =	shalt  }
0x4e: {  	_ =	shalt  }
0x4f: {  	_ =	shalt  }
0x50: {  	_ =	shalt  }
0x51: {  	_ =	shalt  }
0x52: {  	_ =	shalt  }
0x53: {  	_ =	shalt  }
0x54: {  	_ =	shalt  }
0x55: {  	_ =	shalt  }
0x56: {  	_ =	shalt  }
0x57: {  	_ =	shalt  }
0x58: {  	_ =	shalt  }
0x59: {  	_ =	shalt  }
0x5a: {  	_ =	shalt  }
0x5b: {  	_ =	shalt  }
0x5c: {  	_ =	shalt  }
0x5d: {  	_ =	shalt  }
0x5e: {  	_ =	shalt  }
0x5f: {  	_ =	shalt  }
0x60: {  	_ =	shalt  }
0x61: {  	_ =	shalt  }
0x62: {  	_ =	shalt  }
0x63: {  	_ =	shalt  }
0x64: {  	_ =	shalt  }
0x65: {  	_ =	shalt  }
0x66: {  	_ =	shalt  }
0x67: {  	_ =	shalt  }
0x68: {  	_ =	shalt  }
0x69: {  	_ =	shalt  }
0x6a: {  	_ =	shalt  }
0x6b: {  	_ =	shalt  }
0x6c: {  	_ =	shalt  }
0x6d: {  	_ =	shalt  }
0x6e: {  	_ =	shalt  }
0x6f: {  	_ =	shalt  }
0x70: {  	_ =	shalt  }
0x71: {  	_ =	shalt  }
0x72: {  	_ =	shalt  }
0x73: {  	_ =	shalt  }
0x74: {  	_ =	shalt  }
0x75: {  	_ =	shalt  }
0x76: {  	_ =	shalt  }
0x77: {  	_ =	shalt  }
0x78: {  	_ =	shalt  }
0x79: {  	_ =	shalt  }
0x7a: {  	_ =	shalt  }
0x7b: {  	_ =	shalt  }
0x7c: {  	_ =	shalt  }
0x7d: {  	_ =	shalt  }
0x7e: {  	_ =	shalt  }
0x7f: {  	_ =	shalt  }
0x80: {  	_ =	shalt  }
0x81: {  	_ =	shalt  }
0x82: {  	_ =	shalt  }
0x83: {  	_ =	shalt  }
0x84: {  	_ =	shalt  }
0x85: {  	_ =	shalt  }
0x86: {  	_ =	shalt  }
0x87: {  	_ =	shalt  }
.Lfunc_end0:
.L_simem_size_0:
called_computation_lowered:
.L_overlay_start_0:
0x88: {  	s2 =	sld [smem:$0x3FD9]  }
0x89: {  	s3 =	sld [smem:$0x3FFE];
	_ =	sdelay $0x1  }
0x8a: {  	s1 =	srdreg.scid  }
0x8b: {  	s0 =	sand.u32 $0x1, s1  }
0x8c: {  	s17 =	sshll.u32 s0, $0xA;
	s2 =	sadd.s32 s3, s2  }
0x8d: {  	s2 =	sadd.s32 s2, s17  }
0x8e: {  	[smem:$0x3FC1] =	sst s2  }
0x8f: {  	_ = 	snop  }
0x90: {  	s2 =	sld [smem:$0x3FC9]  }
0x91: {  	s18 =	sld [smem:$0x3FC8]  }
0x92: {  	s4 =	sld [smem:$0x3FD0];
	(tm) =	ssettm $0x1  }
0x93: {  	s5 =	sld [smem:$0x3FFB];
	_ =	sdelay $0x3  }
0x94: {  	_ =	strace s5  }
0x95: {  	s5 =	sld [smem:$0x3FFC];
	_ =	sdelay $0x3  }
0x96: {  	_ =	strace s5  }
0x97: {  	s5 =	sld [smem:$0x3FFD];
	_ =	sdelay $0x3  }
0x98: {  	_ =	strace s5  }
0x99: {  	_ =	strace $0x8FFFFFFF  }
0x9a: {  	s19 =	sld [smem:$0x3FDB];
	_ =	sdelay $0x1  }
0x9b: {  	s6 =	simm.s32 $_scs_section_size  }
0x9c: {  	s7 =	simm.s32 $_size__tile_overlayer_lowered;
	s8 =	simm.s32 $_tile_overlayer_lowered  }
0x9d: {  	s22 =	simm.s32 $0x1BFF;
	s21 =	sshll.u32 s8, $0x1;
	s5 =	sadd.s32 s6, s19  }
0x9e: {  	s9 =	simm.s32 $0x0;
	s20 =	sshll.u32 s7, $0x1;
	s7 =	sadd.s32 s21, s5  }
0x9f: {  	[timem:s9], [sflag:s22] =	dma.local [hbm:s7], s20  }
0xa0: {  	_ =	swait.ge [sflag:s22], s20  }
0xa1: {  	s6 =	ssub.s32 $0x0, s20;
	[sflag:s22] =	ssyncset.done $0x0  }
0xa2: {  	[sflag:s22] =	ssyncadd.s32 s6;
	_ =	sdelay $0x1  }
0xa3: {  	s23 =	simm.s32 $0x1B8B  }
0xa4: {  	_ =	swait.ge [sflag:s23], $0x1  }
0xa5: {  	[sflag:s23] =	ssyncset.done $0x0  }
0xa6: {  	s25 =	simm.s32 $0x1B8E;
	s24 =	sld [smem:$0x3FFE];
	[sflag:s23] =	ssyncadd.s32 $0xFFFFFFFF  }
0xa7: {  	s26 =	simm.s32 $execute0_lowered;
	[smem:$0x3FD2] =	sst s25  }
0xa8: {  	s7 =	sshll.u32 s26, $0x1;
	_ =	strace $0x80000046;
	[dreg:$0x1] =	wrdreg $0xFFFFFFFF  }
0xa9: {  	s28 =	simm.s32 $_size_execute0_lowered;
	s5 =	sadd.s32 s5, s7;
	[dreg:$0x0] =	wrdreg $0x0  }
0xaa: {  	s7 =	sshll.u32 s28, $0x1;
	[dreg:$0x2] =	wrdreg s5  }
0xab: {  	[dreg:$0x3] =	wrdreg s7  }
0xac: {  	[dreg:$0x4] =	wrdreg $0xC0  }
0xad: {  	_ =	task [dreg:s9], $0x5FFFF  }
0xae: {  	[dreg:$0x1] =	wrdreg $0xFFFFFFFF  }
0xaf: {  	[dreg:$0x0] =	wrdreg $0x60  }
0xb0: {  	[dreg:$0x2] =	wrdreg s2  }
0xb1: {  	[dreg:$0x3] =	wrdreg s18  }
0xb2: {  	[dreg:$0x4] =	wrdreg s4  }
0xb3: {  	[dreg:$0x5] =	wrdreg s24  }
0xb4: {  	[dreg:$0x6] =	wrdreg $0xEBA00  }
0xb5: {  	[dreg:$0x7] =	wrdreg $0x9  }
0xb6: {  	_ =	task.clear_ibuf [dreg:s9], $0x8FFFF;
	_ =	strace $0x90000046  }
0xb7: {  	s29 =	simm.s32 $0x9;
	_ =	strace $0x80000048  }
0xb8: {  	_ =	swait.ge [sflag:s29], $0x1  }
0xb9: {  	[sflag:s29] =	ssyncadd.s32 $0xFFFFFFFF  }
0xba: {  	_ =	strace $0x90000048  }
0xbb: {  	_ =	sfence  }
0xbc: {  	s30 =	sld [smem:$0x0];
	_ =	sdelay $0x2  }
0xbd: {  	s31 =	sshll.u32 s1, $0xD;
	s1 =	sshrl.u32 s1, $0x2  }
0xbe: {  	s3 =	sand.u32 $0x4000, s31;
	s1 =	sadd.s32 s1, s30  }
0xbf: {  	s0 =	sor.u32 s3, s0;
	s1 =	sshll.u32 s1, $0x11  }
0xc0: {  	s0 =	sor.u32 s1, s0  }
0xc1: {  	s0 =	sadd.s32 $0x8F2B, s0  }
0xc2: {  	[sflag:s0] =	ssyncadd.remote.s32 $0x1  }
0xc3: {  	_ =	sfence.sel $0xFFFF  }
0xc4: {  	[dreg:$0x0] =	wrdreg $0xFFFFFFFF;
	(pc) =	sbr.abs _section_cstart, $3  }
0xc5: {  	[dreg:$0x1] =	wrdreg $0xFFFFFFFF  }
0xc6: {  	_ =	task.clear_ibuf [dreg:s9], $0x2FFFF;
	_ =	strace $0x9FFFFFFF  }
0xc7: {  	(tm) =	ssettm $0x7FFFFFFF  }
tec
execute0_lowered:
.L_overlay_start_1:
0x0: {  	(tag) =	ssettag $0x1  }
0x1: {  	s1 =	rddreg [dreg:$0x0]  }
0x2: {  	s2 =	rddreg [dreg:$0x3]  }
0x3: {  	s3 =	rddreg [dreg:$0x4];
	s0 =	simm.s32 $0x0  }
0x4: {  	s7 =	stileid.u32;
	[smem:$0x7FF] =	sst s0;
	s11 =	sadd.s32 $0x189200, s2  }
0x5: {  	s20 =	srdreg.scid;
	s12 =	sadd.s32 $0x7A3A00, s2;
	s13 =	sadd.s32 $0x30FC00, s2  }
0x6: {  	s0 =	sand.u32 $0x1, s20;
	s4 =	sshll.u32 s7, $0x1;
	s5 =	sadd.s32 $0x24C800, s2  }
0x7: {  	s6 =	smul.u32 $0x10100, s7;
	s9 =	sshll.u32 s7, $0x5;
	s8 =	sshll.u32 s7, $0x8  }
0x8: {  	s22 =	sshll.u32 s7, $0xE;
	s26 =	smul.u32 $0x1400, s7;
	_ =	strace $0x80000047  }
0x9: {  	s4 =	sor.u32 s0, s4;
	s10 =	ssub.s32 $0x2, s0;
	[dreg:$0xb] =	wrdreg s8  }
0xa: {  	s2 =	sadd.s32 s9, s2;
	s23 =	sadd.s32 s22, s3;
	[dreg:$0x6] =	wrdreg s11  }
0xb: {  	s24 =	sshll.u32 s0, $0x12;
	s28 =	smul.u32 $0xA00, s0;
	[dreg:$0x7] =	wrdreg s12  }
0xc: {  	v0 =	vimm.f32 $0.0e+00;
	v3 =	vimm.s32 $0xECA86420;
	p0 =	sne.s32 s0, $0x0;
	[dreg:$0x8] =	wrdreg s13;
	s4 =	smul.u32 $0xA00, s4  }
0xd: {  	v1 =	vlaneseq.u32;
	v2 =	vimm.s32 $0x800;
	vm1 =	vcmask $0xB08;
	s21 =	sshrl.u32 s10, $0x1;
	s6 =	sshrl.u32 s6, $0x2;
	s2 =	sadd.s32 $0x25C800, s2  }
0xe: {  	vm2 =	vcmask $0x1310;
	vm12 =	vcmask $0x1B18;
	vm8 =	vcmask $0x300;
	[dreg:$0xd] =	wrdreg s23;
	s25 =	sor.u32 s22, s24;
	s9 =	ssub.s32 s10, s21  }
0xf: {  	vm5 =	vcmask $0x704;
	vm6 =	vcmask $0xF0C;
	vm13 =	vcmask $0x1714;
	s6 =	sadd.s32 s6, s3;
	[dreg:$0xc] =	wrdreg s2;
	s31 =	sadd.s32 s28, s26  }
0x10: {  	v5 =	vimm.s32 $0x7654321;
	vm9 =	vmmov $0xff;
	v6 =	vimm.s32 $0x1000;
	[dreg:$0x9] =	wrdreg s6;
	s4 =	sshrl.u32 s4, $0x3;
	s30 =	smax.u32 s9, $0x1  }
0x11: {  	v11 =	vimm.s32 $0x0;
	vm10 =	vcmask $0x1F1C;
	vm3 =	vcmask $0x2320;
	[dreg:$0x12] =	wrdreg s31;
	s1 =	sadd.s32 s1, s4;
	s4 =	sshrl.u32 s25, $0x3  }
.Ltmp0:
0x12: {  	vm14 =	vcmask $0x2724;
	vm15 =	vcmask $0x2B28;
	vm0 =	vcmask $0x3330;
	[dreg:$0xa] =	wrdreg s1;
	s1 =	sor.u32 $0x2000, s22;
	(pc) =	sbr.rel .LBB2_1-.Ltmp0, $4  }
0x13: {  	vm11 =	vcmask $0x3B38;
	v3 =	vunpack.c.l.s4.s8 v3;
	v4 =	vmul.u32 $0x2, v1;
	[dreg:$0x11] =	wrdreg s30;
	s4 =	sadd.s32 s5, s4;
	s2 =	sor.u32 s24, s1  }
0x14: {  	v8 =	vmul.u32 $0xFFFFFFFF, v1;
	v9 =	vunpack.c.l.s4.s8 v5;
	v5 =	vimm.s32 $0x0;
	[dreg:$0xe] =	wrdreg s4;
	s1 =	sadd.s32 s1, s3;
	s29 =	sshrl.u32 s2, $0x3  }
0x15: {  	v7 =	vadd.s32 $0x1, v1;
	v11 =	vsel vm9, $0xFFFFFFFF, v11;
	v10 =	vmov s8;
	s10 =	simm.s32 $0x1000;
	[dreg:$0xf] =	wrdreg s1;
	s1 =	sadd.s32 s5, s29  }
0x16: {  	[tilespmem:$0x1FFF0] =	vst v11;
	v3 =	vunpack.c.0.s8.s32 v3;
	v8 =	vadd.s32 $0xFFF, v8;
	v9 =	vunpack.c.0.s8.s32 v9;
	s9 =	simm.s32 $0x3;
	s2 =	simm.s32 $0x0;
	[dreg:$0x10] =	wrdreg s1  }
.LBB2_26:
0x17: {  	vm4 =	vlt.u32 v11, v8;
	v12 =	vand.u32 $0x1FF8, v12  }
0x18: {  	v12 =	vor.u32 v9, v12;
	_ =	sdelay $0x2  }
0x19: {  	v13 =	vpop (erf)  }
0x1a: {  	s2 =	simm.s32 $0x0;
	[tilespmem:s0+$0xEAA0] =	vst v13  }
0x1b: {  	s29 =	sshra.s32 s1, $0x2;
	v12 =	vld.idx.msk [tilespmem:v12+s2+$0x0], vm4  }
0x1c: {  	v13 =	vld.idx.msk [tilespmem:v10+s29+$0x0 ss:$0x1], $0xffff;
	_ =	sdelay $0x2  }
0x1d: {  	vm4 =	veq.s32 v11, v8  }
0x1e: {  	v11 =	vsel vm4, $0x14000, v12  }
0x1f: {  	v11 =	vsub.s32 v11, v13  }
0x20: {  	vm4 =	vgt.s32 v11, $0x1  }
0x21: {  	v11 =	vnsel vm4, $0x1, v11  }
0x22: {  	v11 =	vcvt.s32.f32 v11;
	_ =	sdelay $0x1  }
0x23: {  	(erf) = vrcp.f32 v11;
	_ =	sdelay $0x8  }
0x24: {  	v11 =	vpop (erf)  }
0x25: {  	s30 =	rddreg [dreg:$0xc];
	s31 =	simm.s32 $0xEAA0;
	[tilespmem:s29+$0xEAA0] =	vst v11  }
0x26: {  	[hbm4b:s30+s2] =	stream.linear.scatter [tilespmem:s31], [sflag:$0x3], $0x100, $0x38;
	[tilespmem:$0x12BE0] =	vst v63  }
0x27: {  	_ =	swait.ge [sflag:s9], $0x100  }
0x28: {  	[sflag:s9] =	ssyncset.done $0x0  }
0x29: {  	s2 =	rddreg [dreg:$0x13];
	[sflag:s9] =	ssyncadd.s32 $0xFFFFFF00  }
.LBB2_27:
0x2a: {  	[bflag:$0x0] =	sbarrier.arrive $0xFFFF  }
0x2b: {  	s1 =	simm.s32 $0x6A60;
	s0 =	rddreg [dreg:$0xd]  }
0x2c: {  	[tilespmem:s1], [sflag:$0x3] =	stream.linear.gather [spmem:s0], $0x2000, $0x38;
	[tilespmem:$0x12BE0] =	vst v63  }
0x2d: {  	_ =	swait.ge [sflag:s9], $0x2000  }
0x2e: {  	[sflag:s9] =	ssyncset.done $0x0  }
0x2f: {  	s3 =	simm.s32 $0x0;
	s26 =	rddreg [dreg:$0xe];
	[sflag:s9] =	ssyncadd.s32 $0xFFFFE000  }
0x30: {  	[hbm4b:s26+s3] =	stream.linear.scatter [tilespmem:s1], [sflag:$0x3], $0x2000, $0x38;
	[tilespmem:$0x12BE0] =	vst v63  }
0x31: {  	_ =	swait.ge [sflag:s9], $0x2000  }
0x32: {  	[sflag:s9] =	ssyncset.done $0x0  }
0x33: {  	s29 =	simm.s32 $0x8A60;
	s28 =	rddreg [dreg:$0xf];
	[sflag:s9] =	ssyncadd.s32 $0xFFFFE000  }
0x34: {  	[tilespmem:s29], [sflag:$0x3] =	stream.linear.gather [spmem:s28], $0x2000, $0x38;
	[tilespmem:$0x12BE0] =	vst v63  }
0x35: {  	_ =	swait.ge [sflag:s9], $0x2000  }
0x36: {  	[sflag:s9] =	ssyncset.done $0x0  }
0x37: {  	s30 =	rddreg [dreg:$0x10];
	[sflag:s9] =	ssyncadd.s32 $0xFFFFE000  }
0x38: {  	[hbm4b:s30+s3] =	stream.linear.scatter [tilespmem:s29], [sflag:$0x3], $0x2000, $0x38;
	[tilespmem:$0x12BE0] =	vst v63  }
0x39: {  	_ =	swait.ge [sflag:s9], $0x2000  }
0x3a: {  	s2 =	sadd.s32 $0x1, s2;
	s31 =	rddreg [dreg:$0x11]  }
0x3b: {  	p1 =	sne.s32 s2, s31  }
.Ltmp1:
0x3c: {  	_ = 	snop;
	(pc) =	sbr.rel @!p1 .LBB2_28-.Ltmp1, $3  }
0x3d: {  	_ =	sdelay $0x1  }
0x3e: {  	[sflag:s9] =	ssyncset.done $0x0  }
0x3f: {  	[sflag:s9] =	ssyncadd.s32 $0xFFFFE000  }
.LBB2_1:
0x40: {  	[dreg:$0x13] =	wrdreg s2;
	s1 =	simm.s32 $0x100;
	s0 =	simm.s32 $0x0  }
.LBB2_2:
0x41: {  	p1 =	sne.s32 s1, $0x10000;
	[tilespmem:s0+$0xAA90] =	vst v0;
	s2 =	smov.u32 s1;
	s1 =	sadd.s32 $0x100, s1  }
.Ltmp2:
0x42: {  	[tilespmem:s0+$0xAA80] =	vst v0;
	(pc) =	sbr.rel @p1 .LBB2_2-.Ltmp2, $3  }
0x43: {  	[tilespmem:s0+$0xAA60] =	vst v0  }
0x44: {  	[tilespmem:s0+$0xAA70] =	vst v0;
	_ =	sdelay $0x1  }
0x45: {  	s0 =	sshra.s32 s2, $0x2  }
0x46: {  	[tilespmem:s0+$0xAA90] =	vst v0  }
0x47: {  	[tilespmem:s0+$0xAA80] =	vst v0  }
0x48: {  	[tilespmem:s0+$0xAA60] =	vst v0  }
0x49: {  	[tilespmem:s0+$0xAA70] =	vst v0;
	s26 =	rddreg [dreg:$0x9];
	s1 =	simm.s32 $0xAA60  }
0x4a: {  	[spmem:s26] =	stream.linear.scatter [tilespmem:s1], [sflag:$0x3], $0x4040, $0x38;
	[tilespmem:$0x12BE0] =	vst v63  }
0x4b: {  	_ =	swait.ge [sflag:s9], $0x4040  }
0x4c: {  	[sflag:s9] =	ssyncset.done $0x0  }
0x4d: {  	[sflag:s9] =	ssyncadd.s32 $0xFFFFBFC0  }
0x4e: {  	s2 =	simm.s32 $0x0;
	s28 =	rddreg [dreg:$0x1]  }
0x4f: {  	[tilespmem:s2], [sflag:$0x3] =	stream.linear.gather [hbm4b:s28+s2], $0x1000, $0x38;
	[tilespmem:$0x12BE0] =	vst v63  }
0x50: {  	_ =	swait.ge [sflag:s9], $0x1000  }
0x51: {  	[sflag:s9] =	ssyncset.done $0x0  }
0x52: {  	[sflag:s9] =	ssyncadd.s32 $0xFFFFF000  }
0x53: {  	s29 =	rddreg [dreg:$0x2]  }
0x54: {  	[tilespmem:s10], [sflag:$0x3] =	stream.linear.gather [hbm4b:s29+s2], $0x1000, $0x38;
	[tilespmem:$0x12BE0] =	vst v63  }
0x55: {  	_ =	swait.ge [sflag:s9], $0x1000  }
0x56: {  	[sflag:s9] =	ssyncset.done $0x0  }
0x57: {  	s31 =	simm.s32 $0x2000;
	s30 =	rddreg [dreg:$0xa];
	[sflag:s9] =	ssyncadd.s32 $0xFFFFF000  }
0x58: {  	[tilespmem:s31], [sflag:$0x3] =	stream.linear.gather [hbm4b:s30+s2], $0xA00, $0x38;
	[tilespmem:$0x12BE0] =	vst v63  }
0x59: {  	_ =	swait.ge [sflag:s9], $0xA00  }
0x5a: {  	[sflag:s9] =	ssyncset.done $0x0  }
0x5b: {  	[sflag:s9] =	ssyncadd.s32 $0xFFFFF600  }
0x5c: {  	s14 =	simm.s32 $0x0;
	[bflag:$0x0] =	sbarrier.arrive $0xFFFF  }
0x5d: {  	s1 =	simm.s32 $0x0;
	s9 =	simm.s32 $0x0;
	s0 =	rddreg [dreg:$0x12]  }
.LBB2_4:
0x5e: {  	s3 =	simm.s32 $0x0  }
0x5f: {  	v11 =	vld.idx.msk [tilespmem:v2+s3+$0x0], $0xffff;
	_ =	sdelay $0x3  }
0x60: {  	v12 =	vor.u32 s0, v1  }
0x61: {  	vm4 =	vgt.s32 v11, v12  }
0x62: {  	v11 =	vsel vm4, $0x0, v2  }
0x63: {  	v13 =	vor.u32 $0x400, v11;
	_ =	sdelay $0x4  }
0x64: {  	v14 =	vld.idx.msk [tilespmem:v13+s3+$0x0], $0xffff;
	_ =	sdelay $0x4  }
0x65: {  	vm4 =	vgt.s32 v14, v12  }
0x66: {  	v11 =	vsel vm4, v11, v13  }
0x67: {  	v13 =	vor.u32 $0x200, v11;
	_ =	sdelay $0x4  }
0x68: {  	v39 =	vld.idx.msk [tilespmem:v13+s3+$0x0], $0xffff;
	_ =	sdelay $0x4  }
0x69: {  	vm4 =	vgt.s32 v39, v12  }
0x6a: {  	v13 =	vsel vm4, v11, v13  }
0x6b: {  	v40 =	vor.u32 $0x100, v13;
	_ =	sdelay $0x1  }
0x6c: {  	s15 =	sshra.s32 s2, $0x2  }
0x6d: {  	v11 =	vld [tilespmem:s15+$0x2000];
	_ =	sdelay $0x1  }
0x6e: {  	v15 =	vld.idx.msk [tilespmem:v40+s3+$0x0], $0xffff;
	_ =	sdelay $0x2  }
0x6f: {  	(v2sf) =	vpush v11, $0xD;
	_ =	sdelay $0x1  }
0x70: {  	vm4 =	vgt.s32 v15, v12  }
0x71: {  	(v2sf) =	vpush v11, $0xC;
	v13 =	vsel vm4, v13, v40  }
0x72: {  	v14 =	vadd.s32 $0x80, v13;
	_ =	sdelay $0x2  }
0x73: {  	(v2sf) =	vpush v11, $0xE;
	_ =	sdelay $0x1  }
0x74: {  	(v2sf) =	vpush v11, $0xF;
	v41 =	vld.idx.msk [tilespmem:v14+s3+$0x0], $0xffff;
	_ =	sdelay $0x3  }
0x75: {  	(v2sf) =	vpush v11, $0x9  }
0x76: {  	vm4 =	vgt.s32 v41, v12  }
0x77: {  	s16 =	spop (v2sf);
	v13 =	vsel vm4, v13, v14  }
0x78: {  	s7 =	smulhi.u32 $0x14F8B589, s16;
	v14 =	vadd.s32 $0x40, v13  }
0x79: {  	[dreg:$0x18] =	wrdreg s0;
	s21 =	sshra.s32 s16, $0x1F;
	s0 =	smulhi.u32 $0x431BDE83, s16  }
0x7a: {  	s24 =	spop (v2sf);
	s15 =	smul.u32 $0x14F8B589, s21  }
0x7b: {  	[dreg:$0x17] =	wrdreg s2;
	s8 =	smulhi.u32 $0x14F8B589, s24  }
0x7c: {  	[dreg:$0x16] =	wrdreg s1;
	(v2sf) =	vpush v11, $0x8;
	s4 =	smul.u32 $0x431BDE83, s21  }
0x7d: {  	[dreg:$0x14] =	wrdreg s9;
	s10 =	sshra.s32 s24, $0x1F;
	s9 =	smulhi.u32 $0x431BDE83, s24;
	v42 =	vld.idx.msk [tilespmem:v14+s3+$0x0], $0xffff  }
0x7e: {  	s12 =	spop (v2sf);
	s17 =	smul.u32 $0x14F8B589, s10  }
0x7f: {  	[dreg:$0x15] =	wrdreg s14;
	s25 =	smulhi.u32 $0x14F8B589, s12  }
0x80: {  	(v2sf) =	vpush v11, $0xA;
	s19 =	spop (v2sf);
	s13 =	smul.u32 $0x431BDE83, s10  }
0x81: {  	s18 =	sshra.s32 s12, $0x1F;
	[smem:$0x7DE] =	sst s0;
	s14 =	smulhi.u32 $0x431BDE83, s12  }
0x82: {  	s26 =	smul.u32 $0x14F8B589, s18;
	[smem:$0x7DF] =	sst s4;
	vm4 =	vgt.s32 v42, v12  }
0x83: {  	(v2sf) =	vpush v11, $0xB;
	s28 =	smulhi.u32 $0x14F8B589, s19;
	[smem:$0x7E0] =	sst s9;
	v13 =	vsel vm4, v13, v14  }
0x84: {  	s22 =	spop (v2sf);
	[smem:$0x7D8] =	sst s25;
	v14 =	vadd.s32 $0x20, v13  }
0x85: {  	s20 =	sshra.s32 s19, $0x1F;
	s16 =	smul.u32 $0x431BDE83, s18;
	[smem:$0x7E1] =	sst s13  }
0x86: {  	s18 =	smulhi.u32 $0x431BDE83, s19;
	s7 =	sadd.s32 s15, s7;
	[smem:$0x7E2] =	sst s14  }
0x87: {  	s6 =	smul.u32 $0x14F8B589, s20;
	[smem:$0x7FA] =	sst s7  }
0x88: {  	s29 =	smulhi.u32 $0x14F8B589, s22;
	[smem:$0x7D9] =	sst s26  }
0x89: {  	s19 =	smul.u32 $0x431BDE83, s20;
	[smem:$0x7DA] =	sst s28;
	v43 =	vld.idx.msk [tilespmem:v14+s3+$0x0], $0xffff  }
0x8a: {  	s20 =	smulhi.u32 $0x431BDE83, s22;
	[smem:$0x7E3] =	sst s16  }
0x8b: {  	s23 =	sshra.s32 s22, $0x1F;
	s28 =	spop (v2sf);
	[smem:$0x7E4] =	sst s18  }
0x8c: {  	(v2sf) =	vpush v11, $0x0;
	s21 =	smul.u32 $0x431BDE83, s23;
	s9 =	sld [smem:$0x7D8]  }
0x8d: {  	[smem:$0x7DB] =	sst s29;
	s29 =	smul.u32 $0x14F8B589, s23  }
0x8e: {  	s30 =	smulhi.u32 $0x14F8B589, s28;
	[smem:$0x7E5] =	sst s19;
	vm4 =	vgt.s32 v43, v12  }
0x8f: {  	(v2sf) =	vpush v11, $0x7;
	s11 =	spop (v2sf);
	[smem:$0x7E6] =	sst s20;
	v13 =	vsel vm4, v13, v14  }
0x90: {  	s22 =	smulhi.u32 $0x431BDE83, s28;
	s12 =	sld [smem:$0x7DA];
	v14 =	vadd.s32 $0x10, v13  }
0x91: {  	s31 =	smulhi.u32 $0x14F8B589, s11;
	[smem:$0x7E7] =	sst s21  }
0x92: {  	(v2sf) =	vpush v11, $0x1;
	s24 =	sshra.s32 s11, $0x1F;
	s25 =	smulhi.u32 $0x431BDE83, s11;
	s26 =	spop (v2sf)  }
0x93: {  	s11 =	sld [smem:$0x7D9];
	s4 =	smul.u32 $0x14F8B589, s24  }
0x94: {  	(v2sf) =	vpush v11, $0x2;
	[smem:$0x7DC] =	sst s30;
	s30 =	sshra.s32 s28, $0x1F;
	s0 =	smul.u32 $0x431BDE83, s24  }
0x95: {  	s18 =	sld [smem:$0x7DB];
	s5 =	smul.u32 $0x14F8B589, s30;
	v44 =	vld.idx.msk [tilespmem:v14+s3+$0x0], $0xffff  }
0x96: {  	(v2sf) =	vpush v11, $0x3;
	[smem:$0x7E8] =	sst s22;
	s23 =	smul.u32 $0x431BDE83, s30  }
0x97: {  	s28 =	sshra.s32 s26, $0x1F;
	[smem:$0x7DD] =	sst s31;
	s31 =	smulhi.u32 $0x14F8B589, s26  }
0x98: {  	(v2sf) =	vpush v11, $0x4;
	[smem:$0x7EA] =	sst s25;
	s2 =	smul.u32 $0x14F8B589, s28  }
0x99: {  	s20 =	smul.u32 $0x431BDE83, s28;
	s28 =	sld [smem:$0x7DC]  }
0x9a: {  	(v2sf) =	vpush v11, $0x5;
	[smem:$0x7EB] =	sst s0;
	s0 =	smulhi.u32 $0x431BDE83, s26;
	vm4 =	vgt.s32 v44, v12  }
0x9b: {  	(v2sf) =	vpush v11, $0x6;
	[smem:$0x7E9] =	sst s23;
	s2 =	sadd.s32 s2, s31;
	s30 =	spop (v2sf);
	v13 =	vsel vm4, v13, v14  }
0x9c: {  	[smem:$0x7EC] =	sst s0;
	s0 =	sadd.s32 s11, s9;
	s19 =	smulhi.u32 $0x14F8B589, s30;
	v14 =	vadd.s32 $0x8, v13  }
0x9d: {  	[smem:$0x7EF] =	sst s2;
	s10 =	sshra.s32 s30, $0x1F;
	s22 =	smulhi.u32 $0x431BDE83, s30  }
0x9e: {  	s28 =	sadd.s32 s5, s28;
	s23 =	spop (v2sf);
	s21 =	smul.u32 $0x14F8B589, s10  }
0x9f: {  	[smem:$0x7FC] =	sst s0;
	s13 =	smulhi.u32 $0x14F8B589, s23;
	s1 =	sshra.s32 s23, $0x1F  }
0xa0: {  	s30 =	sadd.s32 s17, s8;
	[smem:$0x7EE] =	sst s1;
	s24 =	smul.u32 $0x14F8B589, s1  }
0xa1: {  	s1 =	sadd.s32 s6, s12;
	s6 =	sld [smem:$0x7DD];
	v45 =	vld.idx.msk [tilespmem:v14+s3+$0x0], $0xffff;
	s3 =	spop (v2sf)  }
0xa2: {  	[smem:$0x7FD] =	sst s1;
	s25 =	smulhi.u32 $0x14F8B589, s3;
	s14 =	sshra.s32 s3, $0x1F  }
0xa3: {  	s1 =	sadd.s32 s29, s18;
	s15 =	spop (v2sf);
	s16 =	smul.u32 $0x14F8B589, s14  }
0xa4: {  	[smem:$0x7FB] =	sst s1;
	s17 =	smulhi.u32 $0x14F8B589, s15;
	s26 =	sshra.s32 s15, $0x1F  }
0xa5: {  	s19 =	sadd.s32 s21, s19;
	s0 =	spop (v2sf);
	s11 =	smul.u32 $0x14F8B589, s26  }
0xa6: {  	s18 =	sadd.s32 s24, s13;
	s12 =	smulhi.u32 $0x14F8B589, s0;
	s8 =	sshra.s32 s0, $0x1F  }
0xa7: {  	s4 =	sadd.s32 s4, s6;
	s1 =	spop (v2sf);
	s29 =	smul.u32 $0x14F8B589, s8  }
0xa8: {  	[smem:$0x7ED] =	sst s4;
	s7 =	smulhi.u32 $0x14F8B589, s1;
	s9 =	sshra.s32 s1, $0x1F  }
0xa9: {  	s4 =	spop (v2sf);
	s16 =	sadd.s32 s16, s25;
	vm4 =	vgt.s32 v45, v12;
	s6 =	smul.u32 $0x14F8B589, s9  }
0xaa: {  	s5 =	smulhi.u32 $0x14F8B589, s4;
	s31 =	sshra.s32 s4, $0x1F;
	s21 =	spop (v2sf);
	v13 =	vsel vm4, v13, v14  }
0xab: {  	s25 =	sadd.s32 s11, s17;
	s2 =	smul.u32 $0x14F8B589, s31;
	s24 =	sshra.s32 s21, $0x1F;
	v14 =	vadd.s32 $0x4, v13  }
0xac: {  	[smem:$0x7F5] =	sst s24;
	s11 =	smul.u32 $0x14F8B589, s24;
	s24 =	sadd.s32 s29, s12  }
0xad: {  	s29 =	sadd.s32 s6, s7;
	s6 =	smul.u32 $0x431BDE83, s10;
	s10 =	sld [smem:$0x7DF]  }
0xae: {  	s13 =	smulhi.u32 $0x14F8B589, s21;
	s7 =	sadd.s32 s2, s5;
	s5 =	sld [smem:$0x7DE]  }
0xaf: {  	s17 =	simm.s32 $0x0;
	s12 =	sld [smem:$0x7E1]  }
0xb0: {  	v46 =	vld.idx.msk [tilespmem:v14+s17+$0x0], $0xffff;
	s17 =	sadd.s32 s11, s13;
	s11 =	sld [smem:$0x7E0]  }
0xb1: {  	s2 =	smulhi.u32 $0x431BDE83, s3;
	s3 =	sadd.s32 s10, s5;
	s10 =	sld [smem:$0x7E4]  }
0xb2: {  	[smem:$0x7F1] =	sst s3  }
0xb3: {  	s13 =	sld [smem:$0x7E2];
	s3 =	sadd.s32 s12, s11  }
0xb4: {  	[smem:$0x7F0] =	sst s3  }
0xb5: {  	s3 =	smul.u32 $0x431BDE83, s14;
	s14 =	sld [smem:$0x7E3]  }
0xb6: {  	s11 =	sld [smem:$0x7E5]  }
0xb7: {  	s12 =	sld [smem:$0x7E6]  }
0xb8: {  	s5 =	sadd.s32 s14, s13;
	s13 =	sld [smem:$0x7E7]  }
0xb9: {  	s14 =	sld [smem:$0x7E8]  }
0xba: {  	[smem:$0x7F2] =	sst s5  }
0xbb: {  	s5 =	sadd.s32 s11, s10;
	s10 =	smulhi.u32 $0x431BDE83, s15;
	s15 =	sld [smem:$0x7E9]  }
0xbc: {  	s11 =	sld [smem:$0x7EA]  }
0xbd: {  	[smem:$0x7F3] =	sst s5  }
0xbe: {  	s5 =	sadd.s32 s13, s12;
	s13 =	sld [smem:$0x7EB]  }
0xbf: {  	[smem:$0x7F6] =	sst s5  }
0xc0: {  	s0 =	smulhi.u32 $0x431BDE83, s0;
	vm4 =	vgt.s32 v46, v12;
	s5 =	sadd.s32 s15, s14;
	s15 =	sld [smem:$0x7EC]  }
0xc1: {  	s1 =	smulhi.u32 $0x431BDE83, s1;
	v16 =	vsel vm4, v13, v14  }
0xc2: {  	v17 =	vadd.s32 $0x2, v16;
	s14 =	sshra.s32 s18, $0x1F;
	[smem:$0x7F4] =	sst s5;
	s5 =	sadd.s32 s13, s11  }
0xc3: {  	v47 =	vmov s14;
	[smem:$0x7F7] =	sst s5;
	s5 =	sadd.s32 s20, s15;
	s20 =	sshra.s32 s19, $0xD  }
0xc4: {  	[smem:$0x7F9] =	sst s30;
	s12 =	smul.u32 $0x431BDE83, s26;
	s26 =	sshra.s32 s19, $0x1F;
	v48 =	vsel vm8, s20, v47  }
0xc5: {  	[dreg:$0x1c] =	wrdreg s26;
	s14 =	sshra.s32 s16, $0x1F;
	s13 =	sshra.s32 s16, $0xD;
	v13 =	vsel vm5, s26, v48  }
0xc6: {  	s15 =	sshra.s32 s25, $0xD;
	s20 =	sadd.s32 s6, s22;
	s22 =	simm.s32 $0x0;
	v13 =	vsel vm1, s13, v13  }
0xc7: {  	v18 =	vld.idx.msk [tilespmem:v17+s22+$0x0], $0xffff;
	s22 =	smov.u32 s30;
	s26 =	sshra.s32 s30, $0xD;
	s30 =	sshra.s32 s25, $0x1F;
	v13 =	vsel vm6, s14, v13  }
0xc8: {  	s9 =	smul.u32 $0x431BDE83, s9;
	[dreg:$0x1b] =	wrdreg s30;
	v13 =	vsel vm2, s15, v13  }
0xc9: {  	s8 =	smul.u32 $0x431BDE83, s8;
	v13 =	vsel vm13, s30, v13;
	s30 =	sld [smem:$0x7FA]  }
0xca: {  	s10 =	sadd.s32 s12, s10;
	s12 =	sadd.s32 s9, s1;
	s1 =	sshra.s32 s28, $0xD  }
0xcb: {  	v19 =	vmov s1;
	s1 =	sld [smem:$0x7FB]  }
0xcc: {  	s11 =	sadd.s32 s8, s0;
	[dreg:$0x1a] =	wrdreg s14;
	v49 =	vmov s26;
	s0 =	sshra.s32 s30, $0xD  }
0xcd: {  	v14 =	vsel vm1, s0, v49;
	s0 =	sld [smem:$0x7FC]  }
0xce: {  	s13 =	sshra.s32 s1, $0xD;
	s26 =	sld [smem:$0x7FD]  }
0xcf: {  	s6 =	sadd.s32 s3, s2;
	s3 =	sshra.s32 s24, $0xD;
	v19 =	vsel vm1, s13, v19;
	s13 =	sld [smem:$0x7EE]  }
0xd0: {  	s8 =	smulhi.u32 $0x431BDE83, s23;
	s15 =	sshra.s32 s24, $0x1F;
	v13 =	vsel vm12, s3, v13;
	s9 =	sshra.s32 s0, $0xD  }
0xd1: {  	s14 =	smulhi.u32 $0x431BDE83, s4;
	s4 =	sshra.s32 s29, $0xD;
	s23 =	sshra.s32 s26, $0xD;
	v20 =	vsel vm10, s15, v13;
	v14 =	vsel vm2, s9, v14  }
0xd2: {  	[smem:$0x7F8] =	sst s5;
	v52 =	vsel vm3, s4, v20;
	s9 =	smul.u32 $0x431BDE83, s13;
	v50 =	vsel vm12, s23, v14;
	s23 =	sshra.s32 s29, $0x1F  }
0xd3: {  	vm7 =	vcmask $0x2F2C;
	vm9 =	vcmask $0x3734;
	s2 =	smul.u32 $0x431BDE83, s31;
	s31 =	sshra.s32 s7, $0xD;
	s4 =	sshrl.u32 s19, $0x1F;
	v53 =	vsel vm14, s23, v52  }
0xd4: {  	s22 =	sshrl.u32 s22, $0x1F;
	vm4 =	vgt.s32 v18, v12;
	v54 =	vmov s4;
	v18 =	vsel vm15, s31, v53;
	s31 =	sadd.s32 s9, s8;
	s9 =	sshra.s32 s7, $0x1F  }
0xd5: {  	s5 =	smov.u32 s28;
	v58 =	vmov s22;
	s4 =	sshrl.u32 s16, $0x1F;
	v57 =	vnsel vm8, $0x0, v54;
	s13 =	sshra.s32 s17, $0xD;
	v56 =	vsel vm7, s9, v18  }
0xd6: {  	s28 =	sld [smem:$0x7ED];
	s22 =	sshra.s32 s17, $0x1F;
	v55 =	vsel vm4, v16, v17;
	v17 =	vsel vm1, s4, v57;
	s4 =	sshrl.u32 s25, $0x1F;
	v16 =	vsel vm0, s13, v56  }
0xd7: {  	[dreg:$0x19] =	wrdreg s22;
	s30 =	sshrl.u32 s30, $0x1F;
	v17 =	vsel vm2, s4, v17;
	v16 =	vsel vm9, s22, v16;
	s22 =	sshrl.u32 s24, $0x1F  }
0xd8: {  	v18 =	vsel vm1, s30, v58;
	s30 =	sshrl.u32 s5, $0x1F;
	v59 =	vsel vm12, s22, v17;
	s22 =	smov.u32 s5;
	s5 =	sld [smem:$0x7F0]  }
0xd9: {  	s3 =	sshra.s32 s28, $0xD  }
0xda: {  	v51 =	vsel vm2, s3, v19;
	s3 =	sld [smem:$0x7EF];
	s4 =	sshrl.u32 s7, $0x1F  }
0xdb: {  	[dreg:$0x1d] =	wrdreg s23;
	s23 =	smov.u32 s7;
	s7 =	sshrl.u32 s5, $0x1F  }
0xdc: {  	v22 =	vmov s7;
	s7 =	sld [smem:$0x7F1]  }
0xdd: {  	s1 =	sshrl.u32 s1, $0x1F;
	v21 =	vadd.s32 $0x1, v55;
	s13 =	sshrl.u32 s0, $0x1F;
	s0 =	sshrl.u32 s29, $0x1F  }
0xde: {  	[dreg:$0x1f] =	wrdreg s15;
	s26 =	sshrl.u32 s26, $0x1F;
	s15 =	sshra.s32 s3, $0xD;
	v61 =	vmov s30;
	v18 =	vsel vm2, s13, v18;
	v19 =	vsel vm3, s0, v59  }
0xdf: {  	s30 =	sshrl.u32 s17, $0x1F;
	v60 =	vsel vm12, s26, v18;
	v18 =	vsel vm1, s1, v61;
	s1 =	sshrl.u32 s3, $0x1F;
	v19 =	vsel vm15, s4, v19;
	s0 =	sshrl.u32 s7, $0x1F  }
0xe0: {  	v24 =	vsel vm0, s30, v19;
	s30 =	smov.u32 s3;
	s3 =	sshrl.u32 s18, $0x1F;
	v22 =	vsel vm1, s0, v22;
	s0 =	sld [smem:$0x7F2]  }
0xe1: {  	v63 =	vsel vm11, s3, v24;
	s3 =	sld [smem:$0x7F3];
	_ =	sdelay $0x1  }
0xe2: {  	v14 =	vsel vm12, s15, v51;
	s15 =	simm.s32 $0x0;
	s4 =	sshrl.u32 s0, $0x1F  }
0xe3: {  	v23 =	vld.idx.msk [tilespmem:v21+s15+$0x0], $0xffff;
	s15 =	sshrl.u32 s3, $0x1F;
	v22 =	vsel vm2, s4, v22  }
0xe4: {  	s2 =	sadd.s32 s2, s14;
	v22 =	vsel vm12, s15, v22;
	s15 =	sld [smem:$0x7F5]  }
0xe5: {  	[dreg:$0x1e] =	wrdreg s9;
	s26 =	sshrl.u32 s28, $0x1F;
	s4 =	sshrl.u32 s20, $0x1F  }
0xe6: {  	s14 =	sshra.s32 s20, $0x11;
	v13 =	vcombine.low v14, v50;
	v18 =	vsel vm2, s26, v18;
	s26 =	sld [smem:$0x7F4];
	v25 =	vmov s4;
	s4 =	sshra.s32 s31, $0x1F  }
0xe7: {  	s9 =	sshra.s32 s18, $0xD;
	v26 =	vmov s4;
	s8 =	smul.u32 $0x431BDE83, s15;
	s15 =	sld [smem:$0x7F6]  }
0xe8: {  	s21 =	smulhi.u32 $0x431BDE83, s21;
	v13 =	vperm.xlane v13, v3;
	v16 =	vsel vm11, s9, v16;
	s4 =	sshra.s32 s20, $0x1F;
	v26 =	vsel vm8, s14, v26  }
0xe9: {  	s13 =	sshrl.u32 s6, $0x1F;
	vm4 =	vgt.s32 v23, v12;
	v62 =	vsel vm12, s1, v18;
	s1 =	sshrl.u32 s26, $0x1F;
	v34 =	vsel vm5, s4, v26;
	s4 =	sld [smem:$0x7F7]  }
0xea: {  	v12 =	vsel vm4, v55, v21;
	s5 =	sshra.s32 s5, $0x11;
	v32 =	vmov s1;
	s7 =	sshra.s32 s7, $0x11;
	v25 =	vnsel vm8, $0x0, v25;
	s1 =	sshrl.u32 s15, $0x1F  }
0xeb: {  	vm4 =	vmmov vm9;
	v25 =	vsel vm1, s13, v25;
	s13 =	sshrl.u32 s10, $0x1F;
	v24 =	vsel vm1, s1, v32;
	s1 =	sadd.s32 s8, s21;
	s21 =	sshra.s32 s6, $0x11  }
0xec: {  	v16 =	vperm.xlane v16, v4;
	s20 =	sshrl.u32 s11, $0x1F;
	v33 =	vsel vm2, s13, v25;
	s14 =	sshrl.u32 s4, $0x1F;
	s6 =	sshra.s32 s6, $0x1F;
	v37 =	vsel vm1, s21, v34  }
0xed: {  	s13 =	sld [smem:$0x7F8];
	v36 =	vsel vm12, s20, v33;
	v35 =	vsel vm2, s14, v24;
	s14 =	sshrl.u32 s12, $0x1F;
	s21 =	sshra.s32 s10, $0x11;
	v23 =	vsel vm6, s6, v37  }
0xee: {  	v38 =	vmov s5;
	s20 =	sshrl.u32 s2, $0x1F;
	v21 =	vsel vm3, s14, v36;
	s14 =	sshra.s32 s10, $0x1F;
	s10 =	simm.s32 $0x1000;
	v23 =	vsel vm2, s21, v23  }
0xef: {  	v52 =	vperm.xlane v63, v4;
	s8 =	sshra.s32 s3, $0x11;
	v24 =	vsel vm1, s7, v38;
	s7 =	sshra.s32 s11, $0x11;
	s21 =	sshra.s32 s0, $0x11;
	v39 =	vld.idx.msk [tilespmem:v12+s10+$0x0], $0xffff;
	v23 =	vsel vm13, s14, v23  }
0xf0: {  	s3 =	sshra.s32 s19, $0xE;
	v21 =	vsel vm15, s20, v21;
	s20 =	sshrl.u32 s1, $0x1F;
	v24 =	vsel vm2, s21, v24;
	s21 =	sshra.s32 s11, $0x1F;
	v23 =	vsel vm12, s7, v23  }
0xf1: {  	s9 =	sshrl.u32 s13, $0x1F;
	v15 =	vsel vm8, s3, v47;
	v21 =	vsel vm0, s20, v21;
	s20 =	sshra.s32 s26, $0x11;
	s7 =	sshra.s32 s12, $0x11;
	v23 =	vsel vm10, s21, v23  }
0xf2: {  	v47 =	vcombine.low v62, v60;
	v20 =	vsel vm12, s9, v35;
	s11 =	sshra.s32 s12, $0x1F;
	s12 =	sshra.s32 s13, $0x11;
	s13 =	rddreg [dreg:$0x1c];
	v23 =	vsel vm3, s7, v23  }
0xf3: {  	s16 =	sshra.s32 s16, $0xE;
	s26 =	sshra.s32 s15, $0x11;
	s15 =	sshra.s32 s2, $0x11;
	v40 =	vmov s20;
	v15 =	vsel vm5, s13, v15;
	v23 =	vsel vm14, s11, v23  }
0xf4: {  	s19 =	sshra.s32 s2, $0x1F;
	s20 =	rddreg [dreg:$0x1a];
	v15 =	vsel vm1, s16, v15;
	v27 =	vand.u32 $0x1, v39;
	v23 =	vsel vm15, s15, v23  }
0xf5: {  	s21 =	sshra.s32 s1, $0x11;
	v15 =	vsel vm6, s20, v15;
	vm6 =	veq.s32 v27, $0x1;
	v23 =	vsel vm7, s19, v23  }
0xf6: {  	v26 =	vsel vm1, s26, v40;
	s26 =	sshra.s32 s1, $0x1F;
	vm5 =	vmneg vm6;
	v23 =	vsel vm0, s21, v23  }
0xf7: {  	s5 =	sld [smem:$0x7F9];
	s6 =	sshra.s32 s22, $0xE;
	(xrf0) =	vadd.scan.msk.s32 $0xffff, v27;
	v41 =	vsel vm5, $0x1, v5;
	v23 =	vsel vm9, s26, v23;
	vm9 =	veq.s32 v39, $0x2  }
0xf8: {  	v28 =	vmov s6;
	v24 =	vsel vm12, s8, v24;
	s8 =	sshra.s32 s4, $0x11;
	s1 =	rddreg [dreg:$0x1b];
	(xrf0) =	vadd.scan.msk.s32 $0xffff, v41;
	v42 =	vsel vm9, $0x1, v5  }
0xf9: {  	s25 =	sshra.s32 s25, $0xE;
	s0 =	sshrl.u32 s31, $0x1F;
	v49 =	vcombine.low v20, v22;
	v14 =	vperm.xlane v47, v3;
	v26 =	vsel vm2, s8, v26;
	s8 =	sld [smem:$0x7FA];
	(xrf0) =	vadd.scan.msk.s32 $0xffff, v42  }
0xfa: {  	v21 =	vsel vm11, s0, v21;
	v26 =	vsel vm12, s12, v26;
	s11 =	sld [smem:$0x7FB];
	v15 =	vsel vm2, s25, v15  }
0xfb: {  	s2 =	sshra.s32 s24, $0xE;
	s0 =	sshra.s32 s5, $0xE;
	v53 =	vperm.xlane v49, v3;
	s13 =	sld [smem:$0x7FC];
	v50 =	vcombine.low v26, v24;
	v15 =	vsel vm13, s1, v15  }
0xfc: {  	s4 =	rddreg [dreg:$0x1f];
	v43 =	vmov s0;
	v54 =	vperm.xlane v21, v4;
	s0 =	sshra.s32 s8, $0xE;
	v15 =	vsel vm12, s2, v15  }
0xfd: {  	s7 =	sshra.s32 s29, $0xE;
	s20 =	sld [smem:$0x7FD];
	s1 =	sshra.s32 s11, $0xE;
	v44 =	vsel vm1, s0, v43;
	v56 =	vperm.xlane v50, v3;
	v15 =	vsel vm10, s4, v15;
	v46, _, _ =	vpop (xrf0)  }
0xfe: {  	v55 =	vld [tilespmem:$0x1FFF0];
	s12 =	rddreg [dreg:$0x1d];
	s0 =	sshra.s32 s13, $0xE;
	v45 =	vsel vm1, s1, v28;
	v15 =	vsel vm3, s7, v15;
	(v2sf) =	vpush v46, $0xF;
	v48, _, _ =	vpop (xrf0)  }
0xff: {  	s16 =	sshra.s32 s23, $0xE;
	s15 =	sshra.s32 s28, $0xE;
	v25 =	vsel vm2, s0, v44;
	v15 =	vsel vm14, s12, v15;
	(v2sf) =	vpush v48, $0xF;
	v51, _, _ =	vpop (xrf0)  }
0x100: {  	s23 =	rddreg [dreg:$0x1e];
	s21 =	sshra.s32 s30, $0xE;
	s0 =	sshra.s32 s20, $0xE;
	v27 =	vsel vm2, s15, v45;
	v15 =	vsel vm15, s16, v15;
	(v2sf) =	vpush v51, $0xF  }
0x101: {  	s3 =	sshra.s32 s31, $0x11;
	s24 =	sshra.s32 s17, $0xE;
	v25 =	vsel vm12, s0, v25;
	v27 =	vsel vm12, s21, v27;
	v15 =	vsel vm7, s23, v15  }
0x102: {  	s25 =	rddreg [dreg:$0x19];
	v23 =	vsel vm11, s3, v23;
	v59 =	vcombine.low v27, v25;
	v15 =	vsel vm0, s24, v15  }
0x103: {  	v57 =	vperm.xlane v23, v4;
	v15 =	vsel vm4, s25, v15;
	vm4 =	vnez.u8 v55  }
0x104: {  	s26 =	sshra.s32 s18, $0xE;
	v18 =	vperm.xlane v59, v3;
	v13 =	vsel vm4, v16, v13;
	v14 =	vsel vm4, v52, v14  }
0x105: {  	v58 =	vsel vm4, v54, v53;
	v15 =	vsel vm11, s26, v15;
	v13 =	vadd.s32 v14, v13  }
0x106: {  	v16 =	vsel vm4, v57, v56;
	v15 =	vperm.xlane v15, v4;
	v13 =	vmul.u32 $0x186A0, v13  }
0x107: {  	v16 =	vadd.s32 v58, v16  }
0x108: {  	v16 =	vmul.u32 $0x7A120, v16;
	v15 =	vsel vm4, v15, v18;
	v13 =	vsub.s32 v11, v13  }
0x109: {  	s22 =	rddreg [dreg:$0x16];
	v14 =	vadd.s32 v14, v15;
	vm7 =	vlt.s32 v13, $0x0;
	v60 =	vadd.s32 $0x186A0, v13  }
0x10a: {  	s19 =	rddreg [dreg:$0x17];
	v61 =	vsub.s32 v11, v16;
	v14 =	vmul.u32 $0x30D40, v14;
	v13 =	vsel vm7, v60, v13  }
0x10b: {  	p1 =	sne.s32 s19, $0x27C0;
	v62 =	vadd.s32 $0x7A120, v61;
	vm7 =	vlt.s32 v61, $0x0;
	[tilespmem:s22+$0x2A00] =	vst.msk vm6, v13  }
.Ltmp3:
0x10c: {  	s14 =	rddreg [dreg:$0x15];
	v13 =	vsel vm7, v62, v61;
	v11 =	vsub.s32 v11, v14;
	[tilespmem:s22+$0x3490] =	vst.msk vm6, v12;
	(pc) =	sbr.rel @p1 .LBB2_4-.Ltmp3, $4  }
0x10d: {  	s9 =	rddreg [dreg:$0x14];
	vm6 =	vlt.s32 v11, $0x0;
	v63 =	vadd.s32 $0x30D40, v11;
	[tilespmem:s14+$0x3F20] =	vst.msk vm5, v13;
	s28 =	spop (v2sf)  }
0x10e: {  	s31 =	rddreg [dreg:$0x18];
	v11 =	vsel vm6, v63, v11;
	[tilespmem:s14+$0x49B0] =	vst.msk vm5, v12;
	s29 =	spop (v2sf)  }
0x10f: {  	s2 =	sadd.s32 $0x40, s19;
	s0 =	sadd.s32 $0x10, s31;
	[tilespmem:s9+$0x5440] =	vst.msk vm9, v11;
	s30 =	spop (v2sf)  }
0x110: {  	vm6 =	vcmask $0xF0C;
	vm5 =	vcmask $0x704;
	[tilespmem:s9+$0x5ED0] =	vst.msk vm9, v12;
	s1 =	sadd.s32 s22, s28;
	s14 =	sadd.s32 s14, s29;
	s9 =	sadd.s32 s9, s30  }
0x111: {  	[tilespmem:s1+$0x2A00] =	vst v5  }
0x112: {  	[tilespmem:s1+$0x3490] =	vst v6  }
0x113: {  	[tilespmem:s1+$0x2A10] =	vst v5  }
0x114: {  	[tilespmem:s1+$0x34A0] =	vst v6  }
0x115: {  	[tilespmem:s1+$0x2A20] =	vst v5  }
0x116: {  	[tilespmem:s1+$0x34B0] =	vst v6  }
0x117: {  	[tilespmem:s1+$0x2A30] =	vst v5  }
0x118: {  	[tilespmem:s1+$0x34C0] =	vst v6  }
0x119: {  	[tilespmem:s1+$0x2A40] =	vst v5  }
0x11a: {  	[tilespmem:s1+$0x34D0] =	vst v6  }
0x11b: {  	[tilespmem:s1+$0x2A50] =	vst v5  }
0x11c: {  	[tilespmem:s1+$0x34E0] =	vst v6  }
0x11d: {  	[tilespmem:s1+$0x2A60] =	vst v5  }
0x11e: {  	[tilespmem:s1+$0x34F0] =	vst v6  }
0x11f: {  	[tilespmem:s1+$0x2A70] =	vst v5  }
0x120: {  	[tilespmem:s1+$0x3500] =	vst v6  }
0x121: {  	[tilespmem:s14+$0x3F20] =	vst v5  }
0x122: {  	[tilespmem:s14+$0x49B0] =	vst v6  }
0x123: {  	[tilespmem:s14+$0x3F30] =	vst v5  }
0x124: {  	[tilespmem:s14+$0x49C0] =	vst v6  }
0x125: {  	[tilespmem:s14+$0x3F40] =	vst v5  }
0x126: {  	[tilespmem:s14+$0x49D0] =	vst v6  }
0x127: {  	[tilespmem:s14+$0x3F50] =	vst v5  }
0x128: {  	[tilespmem:s14+$0x49E0] =	vst v6  }
0x129: {  	[tilespmem:s14+$0x3F60] =	vst v5  }
0x12a: {  	[tilespmem:s14+$0x49F0] =	vst v6  }
0x12b: {  	[tilespmem:s14+$0x3F70] =	vst v5  }
0x12c: {  	[tilespmem:s14+$0x4A00] =	vst v6  }
0x12d: {  	[tilespmem:s14+$0x3F80] =	vst v5  }
0x12e: {  	[tilespmem:s14+$0x4A10] =	vst v6  }
0x12f: {  	[tilespmem:s14+$0x3F90] =	vst v5  }
0x130: {  	[tilespmem:s14+$0x4A20] =	vst v6  }
0x131: {  	[tilespmem:s9+$0x5440] =	vst v5  }
0x132: {  	[tilespmem:s9+$0x5ED0] =	vst v6  }
0x133: {  	[tilespmem:s9+$0x5450] =	vst v5  }
0x134: {  	[tilespmem:s9+$0x5EE0] =	vst v6  }
0x135: {  	[tilespmem:s9+$0x5460] =	vst v5  }
0x136: {  	[tilespmem:s9+$0x5EF0] =	vst v6  }
0x137: {  	s0 =	sadd.s32 $0x7F, s1;
	[tilespmem:s9+$0x5470] =	vst v5  }
0x138: {  	s1 =	sand.u32 $0x7F, s0;
	[tilespmem:s9+$0x5F00] =	vst v6  }
0x139: {  	s2 =	sshra.s32 s0, $0x1F;
	p1 =	slt.s32 s0, $0x1;
	[tilespmem:s9+$0x5480] =	vst v5;
	p2 =	sne.s32 s1, $0x0  }
0x13a: {  	[tilespmem:s9+$0x5F10] =	vst v6;
	s28 =	sshrl.u32 s2, $0x19;
	p1 =	por !p1, !p2  }
0x13b: {  	[tilespmem:s9+$0x5490] =	vst v5;
	s1 =	simm.s32 $0x1;
	s0 =	sadd.s32 s28, s0;
	p1 =	por !p1, !p1  }
0x13c: {  	[tilespmem:s9+$0x5F20] =	vst v6;
	s0 =	sshra.s32 s0, $0x7;
	s1 =	simm.s32 @!p1 $0x0  }
0x13d: {  	[tilespmem:s9+$0x54A0] =	vst v5;
	s18 =	ssub.s32 s0, s1  }
0x13e: {  	[tilespmem:s9+$0x5F30] =	vst v6;
	p1 =	slt.s32 s18, $0x1  }
0x13f: {  	s11 =	rddreg [dreg:$0x6];
	[tilespmem:s9+$0x54B0] =	vst v5;
	s29 =	sadd.s32 $0x1, s18;
	s0 =	simm.s32 @!p1 $0x80  }
0x140: {  	[tilespmem:s9+$0x5F40] =	vst v6;
	s1 =	simm.s32 @!p1 $0x2A00;
	s2 =	simm.s32 @!p1 $0x6A60;
	s30 =	sand.u32 $0x1, s29  }
0x141: {  	[tilespmem:s2], [sflag:$0x1] =	stream.indirect.gather @!p1 [hbm4b:s11+s0], $0x40, s1, s0, $0xb8;
	[tilespmem:$0x12BE0] =	vst v63  }
0x142: {  	p5 =	slt.s32 s18, $0x0;
	p6 =	seq.s32 s30, $0x1  }
0x143: {  	s31 =	sshrl.u32 s29, $0x1F;
	p1 =	por !p5, !p6  }
0x144: {  	s0 =	sadd.s32 s31, s29;
	s1 =	simm.s32 $0x1;
	p1 =	por !p1, !p1  }
0x145: {  	s0 =	sshra.s32 s0, $0x1;
	s1 =	simm.s32 @!p1 $0x0  }
0x146: {  	s0 =	ssub.s32 s0, s1  }
0x147: {  	p1 =	slt.s32 s0, $0x1  }
.Ltmp4:
0x148: {  	_ = 	snop;
	(pc) =	sbr.rel @p1 .LBB2_11-.Ltmp4, $4  }
0x149: {  	_ = 	snop  }
0x14a: {  	s8 =	rddreg [dreg:$0x4]  }
0x14b: {  	s12 =	rddreg [dreg:$0x7]  }
0x14c: {  	s13 =	rddreg [dreg:$0x8]  }
0x14d: {  	s0 =	sadd.s32 $0xFFFFFFFF, s0  }
0x14e: {  	p3 =	sne.s32 s0, $0x0  }
.Ltmp5:
0x14f: {  	_ = 	snop;
	(pc) =	sbr.rel @!p3 .LBB2_7-.Ltmp5, $4  }
0x150: {  	_ = 	snop  }
0x151: {  	p1 =	sle.s32 s18, $0x0  }
0x152: {  	s1 =	simm.s32 $0x1;
	s31 =	simm.s32 $0x2B00;
	p2 =	sle.s32 @!p1 s18, $0x1  }
0x153: {  	s30 =	simm.s32 $0x3510;
	p5 =	por p2, p1;
	p2 =	por $0x0, $0x0  }
0x154: {  	s1 =	simm.s32 @!p5 $0x8A60;
	s2 =	simm.s32 @!p5 $0x2A80;
	s3 =	simm.s32 @!p5 $0x80  }
0x155: {  	[tilespmem:s1], [sflag:$0x2] =	stream.indirect.gather @!p5 [hbm4b:s11+s3], $0x40, s2, s3, $0xb8;
	[tilespmem:$0x12BE0] =	vst v63  }
0x156: {  	v11 =	vld @!p1 [tilespmem:s30+$0xFFFFFF80];
	_ =	sdelay $0x4  }
0x157: {  	[tilespmem:$0x6960] =	vst @!p1 v11  }
0x158: {  	v11 =	vld @!p1 [tilespmem:s30+$0xFFFFFF90];
	_ =	sdelay $0x4  }
0x159: {  	[tilespmem:$0x6970] =	vst @!p1 v11  }
0x15a: {  	v11 =	vld @!p1 [tilespmem:s30+$0xFFFFFFA0];
	_ =	sdelay $0x4  }
0x15b: {  	[tilespmem:$0x6980] =	vst @!p1 v11  }
0x15c: {  	v11 =	vld @!p1 [tilespmem:s30+$0xFFFFFFB0];
	_ =	sdelay $0x4  }
0x15d: {  	[tilespmem:$0x6990] =	vst @!p1 v11  }
0x15e: {  	v11 =	vld @!p1 [tilespmem:s30+$0xFFFFFFC0];
	_ =	sdelay $0x4  }
0x15f: {  	[tilespmem:$0x69A0] =	vst @!p1 v11  }
0x160: {  	v11 =	vld @!p1 [tilespmem:s30+$0xFFFFFFD0];
	_ =	sdelay $0x4  }
0x161: {  	[tilespmem:$0x69B0] =	vst @!p1 v11  }
0x162: {  	v11 =	vld @!p1 [tilespmem:s30+$0xFFFFFFE0];
	_ =	sdelay $0x4  }
0x163: {  	[tilespmem:$0x69C0] =	vst @!p1 v11  }
0x164: {  	v11 =	vld @!p1 [tilespmem:s30+$0xFFFFFFF0];
	_ =	sdelay $0x4  }
0x165: {  	s1 =	simm.s32 @!p1 $0x1;
	[tilespmem:$0x69D0] =	vst @!p1 v11  }
0x166: {  	p4 =	sle.s32 s18, $0x1;
	_ =	swait.ge @!p1 [sflag:s1], $0x2000  }
0x167: {  	s4 =	simm.s32 @!p1 $0x6960;
	s2 =	simm.s32 @!p1 $0x4;
	[sflag:s1] =	ssyncset.done @!p1 $0x0  }
0x168: {  	s3 =	simm.s32 @!p1 $0x6A60;
	[sflag:s1] =	ssyncadd.s32 @!p1 $0xFFFFE000;
	s1 =	simm.s32 @!p1 $0x80  }
0x169: {  	[spmem:s8] =	stream.indirect.scatter.add.f32 @!p1 [tilespmem:s3], [sflag:$0x4], $0x40, s4, s1, $0xb8;
	[tilespmem:$0x12BE0] =	vst v63  }
0x16a: {  	p2 =	sle.s32 @!p4 s18, $0x2;
	_ =	swait.ge @!p1 [sflag:s2], $0x2000  }
0x16b: {  	p2 =	por p2, p4;
	[sflag:s2] =	ssyncset.done @!p1 $0x0  }
0x16c: {  	s1 =	simm.s32 @!p2 $0x80;
	[sflag:s2] =	ssyncadd.s32 @!p1 $0xFFFFE000;
	s2 =	simm.s32 @!p2 $0x6A60  }
0x16d: {  	[tilespmem:s2], [sflag:$0x1] =	stream.indirect.gather @!p2 [hbm4b:s11+s1], $0x40, s31, s1, $0xb8;
	[tilespmem:$0x12BE0] =	vst v63  }
0x16e: {  	v11 =	vld @!p4 [tilespmem:s30+$0x0];
	_ =	sdelay $0x4  }
0x16f: {  	[tilespmem:$0x69E0] =	vst @!p4 v11  }
0x170: {  	v11 =	vld @!p4 [tilespmem:s30+$0x10];
	_ =	sdelay $0x4  }
0x171: {  	[tilespmem:$0x69F0] =	vst @!p4 v11  }
0x172: {  	v11 =	vld @!p4 [tilespmem:s30+$0x20];
	_ =	sdelay $0x4  }
0x173: {  	[tilespmem:$0x6A00] =	vst @!p4 v11  }
0x174: {  	v11 =	vld @!p4 [tilespmem:s30+$0x30];
	_ =	sdelay $0x4  }
0x175: {  	[tilespmem:$0x6A10] =	vst @!p4 v11  }
0x176: {  	v11 =	vld @!p4 [tilespmem:s30+$0x40];
	_ =	sdelay $0x4  }
0x177: {  	[tilespmem:$0x6A20] =	vst @!p4 v11  }
0x178: {  	v11 =	vld @!p4 [tilespmem:s30+$0x50];
	_ =	sdelay $0x4  }
0x179: {  	[tilespmem:$0x6A30] =	vst @!p4 v11  }
0x17a: {  	v11 =	vld @!p4 [tilespmem:s30+$0x60];
	_ =	sdelay $0x4  }
0x17b: {  	[tilespmem:$0x6A40] =	vst @!p4 v11  }
0x17c: {  	v11 =	vld @!p4 [tilespmem:s30+$0x70];
	_ =	sdelay $0x1  }
0x17d: {  	s2 =	sadd.s32 $0xFFFFFFFF, s0  }
0x17e: {  	s5 =	simm.s32 @!p4 $0x69E0;
	p3 =	sne.s32 s2, $0x0  }
.Ltmp6:
0x17f: {  	s6 =	simm.s32 @!p4 $0x80;
	s3 =	simm.s32 @!p4 $0x2;
	(pc) =	sbr.rel @!p3 .LBB2_10-.Ltmp6, $4  }
0x180: {  	s4 =	simm.s32 @!p4 $0x3;
	p1 =	sle.s32 s18, $0x2;
	s0 =	simm.s32 @!p4 $0x8A60;
	[tilespmem:$0x6A50] =	vst @!p4 v11  }
0x181: {  	s1 =	simm.s32 $0x3;
	p2 =	sle.s32 @!p1 s18, $0x3;
	_ =	swait.ge @!p4 [sflag:s3], $0x2000  }
0x182: {  	s31 =	simm.s32 $0x2C00;
	p5 =	por p2, p1;
	[sflag:s3] =	ssyncset.done @!p4 $0x0  }
0x183: {  	p2 =	por $0x1, $0x1;
	s30 =	simm.s32 $0x3610;
	[sflag:s3] =	ssyncadd.s32 @!p4 $0xFFFFE000  }
.LBB2_9:
0x184: {  	[spmem:s8] =	stream.indirect.scatter.add.f32 @!p4 [tilespmem:s0], [sflag:$0x3], $0x40, s5, s6, $0xb8;
	[tilespmem:$0x12BE0] =	vst v63  }
0x185: {  	s2 =	sadd.s32 $0xFFFFFFFF, s2;
	_ =	swait.ge @!p4 [sflag:s4], $0x2000  }
0x186: {  	s0 =	simm.s32 @!p5 $0x8A60;
	p3 =	sne.s32 s2, $0x0;
	[sflag:s4] =	ssyncset.done @!p4 $0x0  }
0x187: {  	s3 =	sadd.s32 @!p5 $0xFFFFFF80, s31;
	s5 =	simm.s32 @!p5 $0x80;
	[sflag:s4] =	ssyncadd.s32 @!p4 $0xFFFFE000  }
0x188: {  	[tilespmem:s0], [sflag:$0x2] =	stream.indirect.gather @!p5 [hbm4b:s11+s5], $0x40, s3, s5, $0xb8;
	[tilespmem:$0x12BE0] =	vst v63  }
0x189: {  	v11 =	vld @!p1 [tilespmem:s30+$0xFFFFFF80];
	_ =	sdelay $0x4  }
0x18a: {  	[tilespmem:$0x6960] =	vst @!p1 v11  }
0x18b: {  	v11 =	vld @!p1 [tilespmem:s30+$0xFFFFFF90];
	_ =	sdelay $0x4  }
0x18c: {  	[tilespmem:$0x6970] =	vst @!p1 v11  }
0x18d: {  	v11 =	vld @!p1 [tilespmem:s30+$0xFFFFFFA0];
	_ =	sdelay $0x4  }
0x18e: {  	[tilespmem:$0x6980] =	vst @!p1 v11  }
0x18f: {  	v11 =	vld @!p1 [tilespmem:s30+$0xFFFFFFB0];
	_ =	sdelay $0x4  }
0x190: {  	[tilespmem:$0x6990] =	vst @!p1 v11  }
0x191: {  	v11 =	vld @!p1 [tilespmem:s30+$0xFFFFFFC0];
	_ =	sdelay $0x4  }
0x192: {  	[tilespmem:$0x69A0] =	vst @!p1 v11  }
0x193: {  	v11 =	vld @!p1 [tilespmem:s30+$0xFFFFFFD0];
	_ =	sdelay $0x4  }
0x194: {  	[tilespmem:$0x69B0] =	vst @!p1 v11  }
0x195: {  	v11 =	vld @!p1 [tilespmem:s30+$0xFFFFFFE0];
	_ =	sdelay $0x4  }
0x196: {  	[tilespmem:$0x69C0] =	vst @!p1 v11  }
0x197: {  	v11 =	vld @!p1 [tilespmem:s30+$0xFFFFFFF0];
	_ =	sdelay $0x4  }
0x198: {  	s0 =	simm.s32 @!p1 $0x1;
	[tilespmem:$0x69D0] =	vst @!p1 v11  }
0x199: {  	p4 =	sge.s32 s1, s18;
	s3 =	simm.s32 @!p1 $0x4;
	_ =	swait.ge @!p1 [sflag:s0], $0x2000  }
0x19a: {  	s4 =	simm.s32 @!p1 $0x6A60;
	s5 =	sadd.s32 @!p4 $0x1, s1;
	[sflag:s0] =	ssyncset.done @!p1 $0x0  }
0x19b: {  	s6 =	simm.s32 @!p1 $0x6960;
	[sflag:s0] =	ssyncadd.s32 @!p1 $0xFFFFE000;
	s0 =	simm.s32 @!p1 $0x80  }
0x19c: {  	[spmem:s8] =	stream.indirect.scatter.add.f32 @!p1 [tilespmem:s4], [sflag:$0x4], $0x40, s6, s0, $0xb8;
	[tilespmem:$0x12BE0] =	vst v63  }
0x19d: {  	p5 =	sge.s32 @!p4 s5, s18;
	_ =	swait.ge @!p1 [sflag:s3], $0x2000  }
0x19e: {  	p5 =	por p5, p4;
	[sflag:s3] =	ssyncset.done @!p1 $0x0  }
0x19f: {  	s0 =	simm.s32 @!p5 $0x80;
	[sflag:s3] =	ssyncadd.s32 @!p1 $0xFFFFE000;
	s3 =	simm.s32 @!p5 $0x6A60  }
0x1a0: {  	[tilespmem:s3], [sflag:$0x1] =	stream.indirect.gather @!p5 [hbm4b:s11+s0], $0x40, s31, s0, $0xb8;
	[tilespmem:$0x12BE0] =	vst v63  }
0x1a1: {  	v11 =	vld @!p4 [tilespmem:s30+$0x0];
	_ =	sdelay $0x4  }
0x1a2: {  	[tilespmem:$0x69E0] =	vst @!p4 v11  }
0x1a3: {  	v11 =	vld @!p4 [tilespmem:s30+$0x10];
	_ =	sdelay $0x4  }
0x1a4: {  	[tilespmem:$0x69F0] =	vst @!p4 v11  }
0x1a5: {  	v11 =	vld @!p4 [tilespmem:s30+$0x20];
	_ =	sdelay $0x4  }
0x1a6: {  	[tilespmem:$0x6A00] =	vst @!p4 v11  }
0x1a7: {  	v11 =	vld @!p4 [tilespmem:s30+$0x30];
	_ =	sdelay $0x4  }
0x1a8: {  	[tilespmem:$0x6A10] =	vst @!p4 v11  }
0x1a9: {  	v11 =	vld @!p4 [tilespmem:s30+$0x40];
	_ =	sdelay $0x4  }
0x1aa: {  	[tilespmem:$0x6A20] =	vst @!p4 v11  }
0x1ab: {  	v11 =	vld @!p4 [tilespmem:s30+$0x50];
	_ =	sdelay $0x4  }
0x1ac: {  	[tilespmem:$0x6A30] =	vst @!p4 v11  }
0x1ad: {  	v11 =	vld @!p4 [tilespmem:s30+$0x60];
	_ =	sdelay $0x4  }
0x1ae: {  	[tilespmem:$0x6A40] =	vst @!p4 v11  }
0x1af: {  	v11 =	vld @!p4 [tilespmem:s30+$0x70];
	_ =	sdelay $0x2  }
0x1b0: {  	s30 =	sadd.s32 $0x100, s30  }
.Ltmp7:
0x1b1: {  	s1 =	sadd.s32 $0x2, s1;
	s0 =	simm.s32 @!p4 $0x8A60;
	(pc) =	sbr.rel @p3 .LBB2_9-.Ltmp7, $4  }
0x1b2: {  	s7 =	simm.s32 @!p4 $0x2;
	s5 =	simm.s32 @!p4 $0x69E0;
	s3 =	sadd.s32 $0xFFFFFFFF, s1;
	[tilespmem:$0x6A50] =	vst @!p4 v11  }
0x1b3: {  	s4 =	simm.s32 @!p4 $0x3;
	p1 =	sge.s32 s3, s18;
	_ =	swait.ge @!p4 [sflag:s7], $0x2000  }
0x1b4: {  	s6 =	simm.s32 @!p4 $0x80;
	p5 =	sge.s32 @!p1 s1, s18;
	[sflag:s7] =	ssyncset.done @!p4 $0x0  }
0x1b5: {  	s31 =	sadd.s32 $0x100, s31;
	p5 =	por p5, p1;
	[sflag:s7] =	ssyncadd.s32 @!p4 $0xFFFFE000  }
.LBB2_10:
0x1b6: {  	p2 =	por p4, !p2  }
0x1b7: {  	[spmem:s8] =	stream.indirect.scatter.add.f32 @!p2 [tilespmem:s0], [sflag:$0x3], $0x40, s5, s6, $0xb8;
	[tilespmem:$0x12BE0] =	vst v63  }
0x1b8: {  	_ =	swait.ge @!p2 [sflag:s4], $0x2000  }
0x1b9: {  	s2 =	sadd.s32 @!p5 $0xFFFFFF80, s31;
	[sflag:s4] =	ssyncset.done @!p2 $0x0  }
0x1ba: {  	s3 =	simm.s32 @!p5 $0x80;
	s0 =	simm.s32 @!p5 $0x8A60;
	[sflag:s4] =	ssyncadd.s32 @!p2 $0xFFFFE000  }
0x1bb: {  	[tilespmem:s0], [sflag:$0x2] =	stream.indirect.gather @!p5 [hbm4b:s11+s3], $0x40, s2, s3, $0xb8;
	[tilespmem:$0x12BE0] =	vst v63  }
0x1bc: {  	v11 =	vld @!p1 [tilespmem:s30+$0xFFFFFF80];
	_ =	sdelay $0x4  }
0x1bd: {  	[tilespmem:$0x6960] =	vst @!p1 v11  }
0x1be: {  	v11 =	vld @!p1 [tilespmem:s30+$0xFFFFFF90];
	_ =	sdelay $0x4  }
0x1bf: {  	[tilespmem:$0x6970] =	vst @!p1 v11  }
0x1c0: {  	v11 =	vld @!p1 [tilespmem:s30+$0xFFFFFFA0];
	_ =	sdelay $0x4  }
0x1c1: {  	[tilespmem:$0x6980] =	vst @!p1 v11  }
0x1c2: {  	v11 =	vld @!p1 [tilespmem:s30+$0xFFFFFFB0];
	_ =	sdelay $0x4  }
0x1c3: {  	[tilespmem:$0x6990] =	vst @!p1 v11  }
0x1c4: {  	v11 =	vld @!p1 [tilespmem:s30+$0xFFFFFFC0];
	_ =	sdelay $0x4  }
0x1c5: {  	[tilespmem:$0x69A0] =	vst @!p1 v11  }
0x1c6: {  	v11 =	vld @!p1 [tilespmem:s30+$0xFFFFFFD0];
	_ =	sdelay $0x4  }
0x1c7: {  	[tilespmem:$0x69B0] =	vst @!p1 v11  }
0x1c8: {  	v11 =	vld @!p1 [tilespmem:s30+$0xFFFFFFE0];
	_ =	sdelay $0x4  }
0x1c9: {  	[tilespmem:$0x69C0] =	vst @!p1 v11  }
0x1ca: {  	v11 =	vld @!p1 [tilespmem:s30+$0xFFFFFFF0];
	_ =	sdelay $0x4  }
0x1cb: {  	s0 =	simm.s32 @!p1 $0x1;
	[tilespmem:$0x69D0] =	vst @!p1 v11  }
0x1cc: {  	p2 =	sge.s32 s1, s18;
	s4 =	simm.s32 @!p1 $0x6960;
	_ =	swait.ge @!p1 [sflag:s0], $0x2000  }
0x1cd: {  	s2 =	simm.s32 @!p1 $0x4;
	s3 =	simm.s32 @!p1 $0x6A60;
	[sflag:s0] =	ssyncset.done @!p1 $0x0  }
0x1ce: {  	s1 =	sadd.s32 @!p2 $0x1, s1;
	[sflag:s0] =	ssyncadd.s32 @!p1 $0xFFFFE000;
	s0 =	simm.s32 @!p1 $0x80  }
0x1cf: {  	[spmem:s8] =	stream.indirect.scatter.add.f32 @!p1 [tilespmem:s3], [sflag:$0x4], $0x40, s4, s0, $0xb8;
	[tilespmem:$0x12BE0] =	vst v63  }
0x1d0: {  	p3 =	sge.s32 @!p2 s1, s18;
	_ =	swait.ge @!p1 [sflag:s2], $0x2000  }
0x1d1: {  	p3 =	por p3, p2;
	[sflag:s2] =	ssyncset.done @!p1 $0x0  }
0x1d2: {  	s1 =	simm.s32 @!p3 $0x6A60;
	s0 =	simm.s32 @!p3 $0x80;
	[sflag:s2] =	ssyncadd.s32 @!p1 $0xFFFFE000  }
0x1d3: {  	[tilespmem:s1], [sflag:$0x1] =	stream.indirect.gather @!p3 [hbm4b:s11+s0], $0x40, s31, s0, $0xb8;
	[tilespmem:$0x12BE0] =	vst v63  }
0x1d4: {  	v11 =	vld @!p2 [tilespmem:s30+$0x0];
	_ =	sdelay $0x4  }
0x1d5: {  	[tilespmem:$0x69E0] =	vst @!p2 v11  }
0x1d6: {  	v11 =	vld @!p2 [tilespmem:s30+$0x10];
	_ =	sdelay $0x4  }
0x1d7: {  	[tilespmem:$0x69F0] =	vst @!p2 v11  }
0x1d8: {  	v11 =	vld @!p2 [tilespmem:s30+$0x20];
	_ =	sdelay $0x4  }
0x1d9: {  	[tilespmem:$0x6A00] =	vst @!p2 v11  }
0x1da: {  	v11 =	vld @!p2 [tilespmem:s30+$0x30];
	_ =	sdelay $0x4  }
0x1db: {  	[tilespmem:$0x6A10] =	vst @!p2 v11  }
0x1dc: {  	v11 =	vld @!p2 [tilespmem:s30+$0x40];
	_ =	sdelay $0x4  }
0x1dd: {  	[tilespmem:$0x6A20] =	vst @!p2 v11  }
0x1de: {  	v11 =	vld @!p2 [tilespmem:s30+$0x50];
	_ =	sdelay $0x4  }
0x1df: {  	[tilespmem:$0x6A30] =	vst @!p2 v11  }
0x1e0: {  	v11 =	vld @!p2 [tilespmem:s30+$0x60];
	_ =	sdelay $0x4  }
0x1e1: {  	[tilespmem:$0x6A40] =	vst @!p2 v11  }
0x1e2: {  	v11 =	vld @!p2 [tilespmem:s30+$0x70];
	_ =	sdelay $0x4  }
0x1e3: {  	s0 =	simm.s32 @!p2 $0x2;
	[tilespmem:$0x6A50] =	vst @!p2 v11  }
0x1e4: {  	_ =	swait.ge @!p2 [sflag:s0], $0x2000  }
0x1e5: {  	s3 =	simm.s32 @!p2 $0x3;
	s4 =	simm.s32 @!p2 $0x80;
	[sflag:s0] =	ssyncset.done @!p2 $0x0  }
0x1e6: {  	s2 =	simm.s32 @!p2 $0x69E0;
	s1 =	simm.s32 @!p2 $0x8A60;
	[sflag:s0] =	ssyncadd.s32 @!p2 $0xFFFFE000  }
0x1e7: {  	[spmem:s8] =	stream.indirect.scatter.add.f32 @!p2 [tilespmem:s1], [sflag:$0x3], $0x40, s2, s4, $0xb8;
	[tilespmem:$0x12BE0] =	vst v63  }
0x1e8: {  	_ =	swait.ge @!p2 [sflag:s3], $0x2000  }
0x1e9: {  	[sflag:s3] =	ssyncset.done @!p2 $0x0  }
0x1ea: {  	[sflag:s3] =	ssyncadd.s32 @!p2 $0xFFFFE000  }
.LBB2_11:
0x1eb: {  	s0 =	sadd.s32 $0x7F, s14  }
0x1ec: {  	s1 =	sand.u32 $0x7F, s0  }
0x1ed: {  	s2 =	sshra.s32 s0, $0x1F;
	p1 =	slt.s32 s0, $0x1;
	p2 =	sne.s32 s1, $0x0  }
0x1ee: {  	s28 =	sshrl.u32 s2, $0x19;
	p1 =	por !p1, !p2  }
0x1ef: {  	s1 =	simm.s32 $0x1;
	s0 =	sadd.s32 s28, s0;
	p1 =	por !p1, !p1  }
0x1f0: {  	s0 =	sshra.s32 s0, $0x7;
	s1 =	simm.s32 @!p1 $0x0  }
0x1f1: {  	s18 =	ssub.s32 s0, s1  }
0x1f2: {  	p1 =	slt.s32 s18, $0x1  }
0x1f3: {  	s29 =	sadd.s32 $0x1, s18;
	s0 =	simm.s32 @!p1 $0x80  }
0x1f4: {  	s1 =	simm.s32 @!p1 $0x3F20;
	s2 =	simm.s32 @!p1 $0x6A60;
	s30 =	sand.u32 $0x1, s29  }
0x1f5: {  	[tilespmem:s2], [sflag:$0x1] =	stream.indirect.gather @!p1 [hbm4b:s12+s0], $0x40, s1, s0, $0xb8;
	[tilespmem:$0x12BE0] =	vst v63  }
0x1f6: {  	p5 =	slt.s32 s18, $0x0;
	p6 =	seq.s32 s30, $0x1  }
0x1f7: {  	s31 =	sshrl.u32 s29, $0x1F;
	p1 =	por !p5, !p6  }
0x1f8: {  	s0 =	sadd.s32 s31, s29;
	s1 =	simm.s32 $0x1;
	p1 =	por !p1, !p1  }
0x1f9: {  	s0 =	sshra.s32 s0, $0x1;
	s1 =	simm.s32 @!p1 $0x0  }
0x1fa: {  	s0 =	ssub.s32 s0, s1  }
0x1fb: {  	p1 =	slt.s32 s0, $0x1  }
.Ltmp8:
0x1fc: {  	_ = 	snop;
	(pc) =	sbr.rel @p1 .LBB2_17-.Ltmp8, $1  }
0x1fd: {  	_ =	sdelay $0x3  }
0x1fe: {  	s0 =	sadd.s32 $0xFFFFFFFF, s0  }
0x1ff: {  	p3 =	sne.s32 s0, $0x0  }
.Ltmp9:
0x200: {  	_ = 	snop;
	(pc) =	sbr.rel @!p3 .LBB2_13-.Ltmp9, $4  }
0x201: {  	_ = 	snop  }
0x202: {  	p1 =	sle.s32 s18, $0x0  }
0x203: {  	s1 =	simm.s32 $0x1;
	s30 =	simm.s32 $0x4020;
	p2 =	sle.s32 @!p1 s18, $0x1  }
0x204: {  	s29 =	simm.s32 $0x4A30;
	p5 =	por p2, p1;
	p2 =	por $0x0, $0x0  }
0x205: {  	s1 =	simm.s32 @!p5 $0x8A60;
	s2 =	simm.s32 @!p5 $0x3FA0;
	s3 =	simm.s32 @!p5 $0x80  }
0x206: {  	[tilespmem:s1], [sflag:$0x2] =	stream.indirect.gather @!p5 [hbm4b:s12+s3], $0x40, s2, s3, $0xb8;
	[tilespmem:$0x12BE0] =	vst v63  }
0x207: {  	v11 =	vld @!p1 [tilespmem:s29+$0xFFFFFF80];
	_ =	sdelay $0x4  }
0x208: {  	[tilespmem:$0x6960] =	vst @!p1 v11  }
0x209: {  	v11 =	vld @!p1 [tilespmem:s29+$0xFFFFFF90];
	_ =	sdelay $0x4  }
0x20a: {  	[tilespmem:$0x6970] =	vst @!p1 v11  }
0x20b: {  	v11 =	vld @!p1 [tilespmem:s29+$0xFFFFFFA0];
	_ =	sdelay $0x4  }
0x20c: {  	[tilespmem:$0x6980] =	vst @!p1 v11  }
0x20d: {  	v11 =	vld @!p1 [tilespmem:s29+$0xFFFFFFB0];
	_ =	sdelay $0x4  }
0x20e: {  	[tilespmem:$0x6990] =	vst @!p1 v11  }
0x20f: {  	v11 =	vld @!p1 [tilespmem:s29+$0xFFFFFFC0];
	_ =	sdelay $0x4  }
0x210: {  	[tilespmem:$0x69A0] =	vst @!p1 v11  }
0x211: {  	v11 =	vld @!p1 [tilespmem:s29+$0xFFFFFFD0];
	_ =	sdelay $0x4  }
0x212: {  	[tilespmem:$0x69B0] =	vst @!p1 v11  }
0x213: {  	v11 =	vld @!p1 [tilespmem:s29+$0xFFFFFFE0];
	_ =	sdelay $0x4  }
0x214: {  	[tilespmem:$0x69C0] =	vst @!p1 v11  }
0x215: {  	v11 =	vld @!p1 [tilespmem:s29+$0xFFFFFFF0];
	_ =	sdelay $0x4  }
0x216: {  	s1 =	simm.s32 @!p1 $0x1;
	[tilespmem:$0x69D0] =	vst @!p1 v11  }
0x217: {  	p4 =	sle.s32 s18, $0x1;
	_ =	swait.ge @!p1 [sflag:s1], $0x2000  }
0x218: {  	s4 =	simm.s32 @!p1 $0x6960;
	s2 =	simm.s32 @!p1 $0x4;
	[sflag:s1] =	ssyncset.done @!p1 $0x0  }
0x219: {  	s3 =	simm.s32 @!p1 $0x6A60;
	[sflag:s1] =	ssyncadd.s32 @!p1 $0xFFFFE000;
	s1 =	simm.s32 @!p1 $0x80  }
0x21a: {  	[spmem:s8] =	stream.indirect.scatter.add.f32 @!p1 [tilespmem:s3], [sflag:$0x4], $0x40, s4, s1, $0xb8;
	[tilespmem:$0x12BE0] =	vst v63  }
0x21b: {  	p2 =	sle.s32 @!p4 s18, $0x2;
	_ =	swait.ge @!p1 [sflag:s2], $0x2000  }
0x21c: {  	p2 =	por p2, p4;
	[sflag:s2] =	ssyncset.done @!p1 $0x0  }
0x21d: {  	s1 =	simm.s32 @!p2 $0x80;
	[sflag:s2] =	ssyncadd.s32 @!p1 $0xFFFFE000;
	s2 =	simm.s32 @!p2 $0x6A60  }
0x21e: {  	[tilespmem:s2], [sflag:$0x1] =	stream.indirect.gather @!p2 [hbm4b:s12+s1], $0x40, s30, s1, $0xb8;
	[tilespmem:$0x12BE0] =	vst v63  }
0x21f: {  	v11 =	vld @!p4 [tilespmem:s29+$0x0];
	_ =	sdelay $0x4  }
0x220: {  	[tilespmem:$0x69E0] =	vst @!p4 v11  }
0x221: {  	v11 =	vld @!p4 [tilespmem:s29+$0x10];
	_ =	sdelay $0x4  }
0x222: {  	[tilespmem:$0x69F0] =	vst @!p4 v11  }
0x223: {  	v11 =	vld @!p4 [tilespmem:s29+$0x20];
	_ =	sdelay $0x4  }
0x224: {  	[tilespmem:$0x6A00] =	vst @!p4 v11  }
0x225: {  	v11 =	vld @!p4 [tilespmem:s29+$0x30];
	_ =	sdelay $0x4  }
0x226: {  	[tilespmem:$0x6A10] =	vst @!p4 v11  }
0x227: {  	v11 =	vld @!p4 [tilespmem:s29+$0x40];
	_ =	sdelay $0x4  }
0x228: {  	[tilespmem:$0x6A20] =	vst @!p4 v11  }
0x229: {  	v11 =	vld @!p4 [tilespmem:s29+$0x50];
	_ =	sdelay $0x4  }
0x22a: {  	[tilespmem:$0x6A30] =	vst @!p4 v11  }
0x22b: {  	v11 =	vld @!p4 [tilespmem:s29+$0x60];
	_ =	sdelay $0x4  }
0x22c: {  	[tilespmem:$0x6A40] =	vst @!p4 v11  }
0x22d: {  	v11 =	vld @!p4 [tilespmem:s29+$0x70];
	_ =	sdelay $0x1  }
0x22e: {  	s2 =	sadd.s32 $0xFFFFFFFF, s0  }
0x22f: {  	s5 =	simm.s32 @!p4 $0x69E0;
	p3 =	sne.s32 s2, $0x0  }
.Ltmp10:
0x230: {  	s6 =	simm.s32 @!p4 $0x80;
	s3 =	simm.s32 @!p4 $0x2;
	(pc) =	sbr.rel @!p3 .LBB2_16-.Ltmp10, $4  }
0x231: {  	s4 =	simm.s32 @!p4 $0x3;
	p1 =	sle.s32 s18, $0x2;
	s0 =	simm.s32 @!p4 $0x8A60;
	[tilespmem:$0x6A50] =	vst @!p4 v11  }
0x232: {  	s1 =	simm.s32 $0x3;
	p2 =	sle.s32 @!p1 s18, $0x3;
	_ =	swait.ge @!p4 [sflag:s3], $0x2000  }
0x233: {  	s30 =	simm.s32 $0x4120;
	p5 =	por p2, p1;
	[sflag:s3] =	ssyncset.done @!p4 $0x0  }
0x234: {  	p2 =	por $0x1, $0x1;
	s29 =	simm.s32 $0x4B30;
	[sflag:s3] =	ssyncadd.s32 @!p4 $0xFFFFE000  }
.LBB2_15:
0x235: {  	[spmem:s8] =	stream.indirect.scatter.add.f32 @!p4 [tilespmem:s0], [sflag:$0x3], $0x40, s5, s6, $0xb8;
	[tilespmem:$0x12BE0] =	vst v63  }
0x236: {  	s2 =	sadd.s32 $0xFFFFFFFF, s2;
	_ =	swait.ge @!p4 [sflag:s4], $0x2000  }
0x237: {  	s0 =	simm.s32 @!p5 $0x8A60;
	p3 =	sne.s32 s2, $0x0;
	[sflag:s4] =	ssyncset.done @!p4 $0x0  }
0x238: {  	s3 =	sadd.s32 @!p5 $0xFFFFFF80, s30;
	s5 =	simm.s32 @!p5 $0x80;
	[sflag:s4] =	ssyncadd.s32 @!p4 $0xFFFFE000  }
0x239: {  	[tilespmem:s0], [sflag:$0x2] =	stream.indirect.gather @!p5 [hbm4b:s12+s5], $0x40, s3, s5, $0xb8;
	[tilespmem:$0x12BE0] =	vst v63  }
0x23a: {  	v11 =	vld @!p1 [tilespmem:s29+$0xFFFFFF80];
	_ =	sdelay $0x4  }
0x23b: {  	[tilespmem:$0x6960] =	vst @!p1 v11  }
0x23c: {  	v11 =	vld @!p1 [tilespmem:s29+$0xFFFFFF90];
	_ =	sdelay $0x4  }
0x23d: {  	[tilespmem:$0x6970] =	vst @!p1 v11  }
0x23e: {  	v11 =	vld @!p1 [tilespmem:s29+$0xFFFFFFA0];
	_ =	sdelay $0x4  }
0x23f: {  	[tilespmem:$0x6980] =	vst @!p1 v11  }
0x240: {  	v11 =	vld @!p1 [tilespmem:s29+$0xFFFFFFB0];
	_ =	sdelay $0x4  }
0x241: {  	[tilespmem:$0x6990] =	vst @!p1 v11  }
0x242: {  	v11 =	vld @!p1 [tilespmem:s29+$0xFFFFFFC0];
	_ =	sdelay $0x4  }
0x243: {  	[tilespmem:$0x69A0] =	vst @!p1 v11  }
0x244: {  	v11 =	vld @!p1 [tilespmem:s29+$0xFFFFFFD0];
	_ =	sdelay $0x4  }
0x245: {  	[tilespmem:$0x69B0] =	vst @!p1 v11  }
0x246: {  	v11 =	vld @!p1 [tilespmem:s29+$0xFFFFFFE0];
	_ =	sdelay $0x4  }
0x247: {  	[tilespmem:$0x69C0] =	vst @!p1 v11  }
0x248: {  	v11 =	vld @!p1 [tilespmem:s29+$0xFFFFFFF0];
	_ =	sdelay $0x4  }
0x249: {  	s0 =	simm.s32 @!p1 $0x1;
	[tilespmem:$0x69D0] =	vst @!p1 v11  }
0x24a: {  	p4 =	sge.s32 s1, s18;
	s3 =	simm.s32 @!p1 $0x4;
	_ =	swait.ge @!p1 [sflag:s0], $0x2000  }
0x24b: {  	s4 =	simm.s32 @!p1 $0x6A60;
	s5 =	sadd.s32 @!p4 $0x1, s1;
	[sflag:s0] =	ssyncset.done @!p1 $0x0  }
0x24c: {  	s6 =	simm.s32 @!p1 $0x6960;
	[sflag:s0] =	ssyncadd.s32 @!p1 $0xFFFFE000;
	s0 =	simm.s32 @!p1 $0x80  }
0x24d: {  	[spmem:s8] =	stream.indirect.scatter.add.f32 @!p1 [tilespmem:s4], [sflag:$0x4], $0x40, s6, s0, $0xb8;
	[tilespmem:$0x12BE0] =	vst v63  }
0x24e: {  	p5 =	sge.s32 @!p4 s5, s18;
	_ =	swait.ge @!p1 [sflag:s3], $0x2000  }
0x24f: {  	p5 =	por p5, p4;
	[sflag:s3] =	ssyncset.done @!p1 $0x0  }
0x250: {  	s0 =	simm.s32 @!p5 $0x80;
	[sflag:s3] =	ssyncadd.s32 @!p1 $0xFFFFE000;
	s3 =	simm.s32 @!p5 $0x6A60  }
0x251: {  	[tilespmem:s3], [sflag:$0x1] =	stream.indirect.gather @!p5 [hbm4b:s12+s0], $0x40, s30, s0, $0xb8;
	[tilespmem:$0x12BE0] =	vst v63  }
0x252: {  	v11 =	vld @!p4 [tilespmem:s29+$0x0];
	_ =	sdelay $0x4  }
0x253: {  	[tilespmem:$0x69E0] =	vst @!p4 v11  }
0x254: {  	v11 =	vld @!p4 [tilespmem:s29+$0x10];
	_ =	sdelay $0x4  }
0x255: {  	[tilespmem:$0x69F0] =	vst @!p4 v11  }
0x256: {  	v11 =	vld @!p4 [tilespmem:s29+$0x20];
	_ =	sdelay $0x4  }
0x257: {  	[tilespmem:$0x6A00] =	vst @!p4 v11  }
0x258: {  	v11 =	vld @!p4 [tilespmem:s29+$0x30];
	_ =	sdelay $0x4  }
0x259: {  	[tilespmem:$0x6A10] =	vst @!p4 v11  }
0x25a: {  	v11 =	vld @!p4 [tilespmem:s29+$0x40];
	_ =	sdelay $0x4  }
0x25b: {  	[tilespmem:$0x6A20] =	vst @!p4 v11  }
0x25c: {  	v11 =	vld @!p4 [tilespmem:s29+$0x50];
	_ =	sdelay $0x4  }
0x25d: {  	[tilespmem:$0x6A30] =	vst @!p4 v11  }
0x25e: {  	v11 =	vld @!p4 [tilespmem:s29+$0x60];
	_ =	sdelay $0x4  }
0x25f: {  	[tilespmem:$0x6A40] =	vst @!p4 v11  }
0x260: {  	v11 =	vld @!p4 [tilespmem:s29+$0x70];
	_ =	sdelay $0x2  }
0x261: {  	s29 =	sadd.s32 $0x100, s29  }
.Ltmp11:
0x262: {  	s1 =	sadd.s32 $0x2, s1;
	s0 =	simm.s32 @!p4 $0x8A60;
	(pc) =	sbr.rel @p3 .LBB2_15-.Ltmp11, $4  }
0x263: {  	s7 =	simm.s32 @!p4 $0x2;
	s5 =	simm.s32 @!p4 $0x69E0;
	s3 =	sadd.s32 $0xFFFFFFFF, s1;
	[tilespmem:$0x6A50] =	vst @!p4 v11  }
0x264: {  	s4 =	simm.s32 @!p4 $0x3;
	p1 =	sge.s32 s3, s18;
	_ =	swait.ge @!p4 [sflag:s7], $0x2000  }
0x265: {  	s6 =	simm.s32 @!p4 $0x80;
	p5 =	sge.s32 @!p1 s1, s18;
	[sflag:s7] =	ssyncset.done @!p4 $0x0  }
0x266: {  	s30 =	sadd.s32 $0x100, s30;
	p5 =	por p5, p1;
	[sflag:s7] =	ssyncadd.s32 @!p4 $0xFFFFE000  }
.LBB2_16:
0x267: {  	p2 =	por p4, !p2  }
0x268: {  	[spmem:s8] =	stream.indirect.scatter.add.f32 @!p2 [tilespmem:s0], [sflag:$0x3], $0x40, s5, s6, $0xb8;
	[tilespmem:$0x12BE0] =	vst v63  }
0x269: {  	_ =	swait.ge @!p2 [sflag:s4], $0x2000  }
0x26a: {  	s2 =	sadd.s32 @!p5 $0xFFFFFF80, s30;
	[sflag:s4] =	ssyncset.done @!p2 $0x0  }
0x26b: {  	s3 =	simm.s32 @!p5 $0x80;
	s0 =	simm.s32 @!p5 $0x8A60;
	[sflag:s4] =	ssyncadd.s32 @!p2 $0xFFFFE000  }
0x26c: {  	[tilespmem:s0], [sflag:$0x2] =	stream.indirect.gather @!p5 [hbm4b:s12+s3], $0x40, s2, s3, $0xb8;
	[tilespmem:$0x12BE0] =	vst v63  }
0x26d: {  	v11 =	vld @!p1 [tilespmem:s29+$0xFFFFFF80];
	_ =	sdelay $0x4  }
0x26e: {  	[tilespmem:$0x6960] =	vst @!p1 v11  }
0x26f: {  	v11 =	vld @!p1 [tilespmem:s29+$0xFFFFFF90];
	_ =	sdelay $0x4  }
0x270: {  	[tilespmem:$0x6970] =	vst @!p1 v11  }
0x271: {  	v11 =	vld @!p1 [tilespmem:s29+$0xFFFFFFA0];
	_ =	sdelay $0x4  }
0x272: {  	[tilespmem:$0x6980] =	vst @!p1 v11  }
0x273: {  	v11 =	vld @!p1 [tilespmem:s29+$0xFFFFFFB0];
	_ =	sdelay $0x4  }
0x274: {  	[tilespmem:$0x6990] =	vst @!p1 v11  }
0x275: {  	v11 =	vld @!p1 [tilespmem:s29+$0xFFFFFFC0];
	_ =	sdelay $0x4  }
0x276: {  	[tilespmem:$0x69A0] =	vst @!p1 v11  }
0x277: {  	v11 =	vld @!p1 [tilespmem:s29+$0xFFFFFFD0];
	_ =	sdelay $0x4  }
0x278: {  	[tilespmem:$0x69B0] =	vst @!p1 v11  }
0x279: {  	v11 =	vld @!p1 [tilespmem:s29+$0xFFFFFFE0];
	_ =	sdelay $0x4  }
0x27a: {  	[tilespmem:$0x69C0] =	vst @!p1 v11  }
0x27b: {  	v11 =	vld @!p1 [tilespmem:s29+$0xFFFFFFF0];
	_ =	sdelay $0x4  }
0x27c: {  	s0 =	simm.s32 @!p1 $0x1;
	[tilespmem:$0x69D0] =	vst @!p1 v11  }
0x27d: {  	p2 =	sge.s32 s1, s18;
	s4 =	simm.s32 @!p1 $0x6960;
	_ =	swait.ge @!p1 [sflag:s0], $0x2000  }
0x27e: {  	s2 =	simm.s32 @!p1 $0x4;
	s3 =	simm.s32 @!p1 $0x6A60;
	[sflag:s0] =	ssyncset.done @!p1 $0x0  }
0x27f: {  	s1 =	sadd.s32 @!p2 $0x1, s1;
	[sflag:s0] =	ssyncadd.s32 @!p1 $0xFFFFE000;
	s0 =	simm.s32 @!p1 $0x80  }
0x280: {  	[spmem:s8] =	stream.indirect.scatter.add.f32 @!p1 [tilespmem:s3], [sflag:$0x4], $0x40, s4, s0, $0xb8;
	[tilespmem:$0x12BE0] =	vst v63  }
0x281: {  	p3 =	sge.s32 @!p2 s1, s18;
	_ =	swait.ge @!p1 [sflag:s2], $0x2000  }
0x282: {  	p3 =	por p3, p2;
	[sflag:s2] =	ssyncset.done @!p1 $0x0  }
0x283: {  	s1 =	simm.s32 @!p3 $0x6A60;
	s0 =	simm.s32 @!p3 $0x80;
	[sflag:s2] =	ssyncadd.s32 @!p1 $0xFFFFE000  }
0x284: {  	[tilespmem:s1], [sflag:$0x1] =	stream.indirect.gather @!p3 [hbm4b:s12+s0], $0x40, s30, s0, $0xb8;
	[tilespmem:$0x12BE0] =	vst v63  }
0x285: {  	v11 =	vld @!p2 [tilespmem:s29+$0x0];
	_ =	sdelay $0x4  }
0x286: {  	[tilespmem:$0x69E0] =	vst @!p2 v11  }
0x287: {  	v11 =	vld @!p2 [tilespmem:s29+$0x10];
	_ =	sdelay $0x4  }
0x288: {  	[tilespmem:$0x69F0] =	vst @!p2 v11  }
0x289: {  	v11 =	vld @!p2 [tilespmem:s29+$0x20];
	_ =	sdelay $0x4  }
0x28a: {  	[tilespmem:$0x6A00] =	vst @!p2 v11  }
0x28b: {  	v11 =	vld @!p2 [tilespmem:s29+$0x30];
	_ =	sdelay $0x4  }
0x28c: {  	[tilespmem:$0x6A10] =	vst @!p2 v11  }
0x28d: {  	v11 =	vld @!p2 [tilespmem:s29+$0x40];
	_ =	sdelay $0x4  }
0x28e: {  	[tilespmem:$0x6A20] =	vst @!p2 v11  }
0x28f: {  	v11 =	vld @!p2 [tilespmem:s29+$0x50];
	_ =	sdelay $0x4  }
0x290: {  	[tilespmem:$0x6A30] =	vst @!p2 v11  }
0x291: {  	v11 =	vld @!p2 [tilespmem:s29+$0x60];
	_ =	sdelay $0x4  }
0x292: {  	[tilespmem:$0x6A40] =	vst @!p2 v11  }
0x293: {  	v11 =	vld @!p2 [tilespmem:s29+$0x70];
	_ =	sdelay $0x4  }
0x294: {  	s0 =	simm.s32 @!p2 $0x2;
	[tilespmem:$0x6A50] =	vst @!p2 v11  }
0x295: {  	_ =	swait.ge @!p2 [sflag:s0], $0x2000  }
0x296: {  	s3 =	simm.s32 @!p2 $0x3;
	s4 =	simm.s32 @!p2 $0x80;
	[sflag:s0] =	ssyncset.done @!p2 $0x0  }
0x297: {  	s2 =	simm.s32 @!p2 $0x69E0;
	s1 =	simm.s32 @!p2 $0x8A60;
	[sflag:s0] =	ssyncadd.s32 @!p2 $0xFFFFE000  }
0x298: {  	[spmem:s8] =	stream.indirect.scatter.add.f32 @!p2 [tilespmem:s1], [sflag:$0x3], $0x40, s2, s4, $0xb8;
	[tilespmem:$0x12BE0] =	vst v63  }
0x299: {  	_ =	swait.ge @!p2 [sflag:s3], $0x2000  }
0x29a: {  	[sflag:s3] =	ssyncset.done @!p2 $0x0  }
0x29b: {  	[sflag:s3] =	ssyncadd.s32 @!p2 $0xFFFFE000  }
.LBB2_17:
0x29c: {  	s0 =	sadd.s32 $0x7F, s9  }
0x29d: {  	s1 =	sand.u32 $0x7F, s0  }
0x29e: {  	s2 =	sshra.s32 s0, $0x1F;
	p1 =	slt.s32 s0, $0x1;
	p2 =	sne.s32 s1, $0x0  }
0x29f: {  	s28 =	sshrl.u32 s2, $0x19;
	p1 =	por !p1, !p2  }
0x2a0: {  	s1 =	simm.s32 $0x1;
	s0 =	sadd.s32 s28, s0;
	p1 =	por !p1, !p1  }
0x2a1: {  	s0 =	sshra.s32 s0, $0x7;
	s1 =	simm.s32 @!p1 $0x0  }
0x2a2: {  	s18 =	ssub.s32 s0, s1  }
0x2a3: {  	p1 =	slt.s32 s18, $0x1  }
0x2a4: {  	s29 =	sadd.s32 $0x1, s18;
	s0 =	simm.s32 @!p1 $0x80  }
0x2a5: {  	s1 =	simm.s32 @!p1 $0x5440;
	s2 =	simm.s32 @!p1 $0x6A60;
	s30 =	sand.u32 $0x1, s29  }
0x2a6: {  	[tilespmem:s2], [sflag:$0x1] =	stream.indirect.gather @!p1 [hbm4b:s13+s0], $0x40, s1, s0, $0xb8;
	[tilespmem:$0x12BE0] =	vst v63  }
0x2a7: {  	p5 =	slt.s32 s18, $0x0;
	p6 =	seq.s32 s30, $0x1  }
0x2a8: {  	s31 =	sshrl.u32 s29, $0x1F;
	p1 =	por !p5, !p6  }
0x2a9: {  	s0 =	sadd.s32 s31, s29;
	s1 =	simm.s32 $0x1;
	p1 =	por !p1, !p1  }
0x2aa: {  	s0 =	sshra.s32 s0, $0x1;
	s1 =	simm.s32 @!p1 $0x0  }
0x2ab: {  	s0 =	ssub.s32 s0, s1  }
0x2ac: {  	p1 =	slt.s32 s0, $0x1  }
.Ltmp12:
0x2ad: {  	_ = 	snop;
	(pc) =	sbr.rel @p1 .LBB2_23-.Ltmp12, $2  }
0x2ae: {  	_ =	sdelay $0x2  }
0x2af: {  	s9 =	simm.s32 $0x3  }
0x2b0: {  	s0 =	sadd.s32 $0xFFFFFFFF, s0  }
0x2b1: {  	p3 =	sne.s32 s0, $0x0  }
.Ltmp13:
0x2b2: {  	_ = 	snop;
	(pc) =	sbr.rel @!p3 .LBB2_19-.Ltmp13, $4  }
0x2b3: {  	_ = 	snop  }
0x2b4: {  	p1 =	sle.s32 s18, $0x0  }
0x2b5: {  	s1 =	simm.s32 $0x1;
	s29 =	simm.s32 $0x5540;
	p2 =	sle.s32 @!p1 s18, $0x1  }
0x2b6: {  	s28 =	simm.s32 $0x5F50;
	p5 =	por p2, p1;
	p2 =	por $0x0, $0x0  }
0x2b7: {  	s1 =	simm.s32 @!p5 $0x8A60;
	s2 =	simm.s32 @!p5 $0x54C0;
	s3 =	simm.s32 @!p5 $0x80  }
0x2b8: {  	[tilespmem:s1], [sflag:$0x2] =	stream.indirect.gather @!p5 [hbm4b:s13+s3], $0x40, s2, s3, $0xb8;
	[tilespmem:$0x12BE0] =	vst v63  }
0x2b9: {  	v11 =	vld @!p1 [tilespmem:s28+$0xFFFFFF80];
	_ =	sdelay $0x4  }
0x2ba: {  	[tilespmem:$0x6960] =	vst @!p1 v11  }
0x2bb: {  	v11 =	vld @!p1 [tilespmem:s28+$0xFFFFFF90];
	_ =	sdelay $0x4  }
0x2bc: {  	[tilespmem:$0x6970] =	vst @!p1 v11  }
0x2bd: {  	v11 =	vld @!p1 [tilespmem:s28+$0xFFFFFFA0];
	_ =	sdelay $0x4  }
0x2be: {  	[tilespmem:$0x6980] =	vst @!p1 v11  }
0x2bf: {  	v11 =	vld @!p1 [tilespmem:s28+$0xFFFFFFB0];
	_ =	sdelay $0x4  }
0x2c0: {  	[tilespmem:$0x6990] =	vst @!p1 v11  }
0x2c1: {  	v11 =	vld @!p1 [tilespmem:s28+$0xFFFFFFC0];
	_ =	sdelay $0x4  }
0x2c2: {  	[tilespmem:$0x69A0] =	vst @!p1 v11  }
0x2c3: {  	v11 =	vld @!p1 [tilespmem:s28+$0xFFFFFFD0];
	_ =	sdelay $0x4  }
0x2c4: {  	[tilespmem:$0x69B0] =	vst @!p1 v11  }
0x2c5: {  	v11 =	vld @!p1 [tilespmem:s28+$0xFFFFFFE0];
	_ =	sdelay $0x4  }
0x2c6: {  	[tilespmem:$0x69C0] =	vst @!p1 v11  }
0x2c7: {  	v11 =	vld @!p1 [tilespmem:s28+$0xFFFFFFF0];
	_ =	sdelay $0x4  }
0x2c8: {  	s1 =	simm.s32 @!p1 $0x1;
	[tilespmem:$0x69D0] =	vst @!p1 v11  }
0x2c9: {  	p4 =	sle.s32 s18, $0x1;
	_ =	swait.ge @!p1 [sflag:s1], $0x2000  }
0x2ca: {  	s4 =	simm.s32 @!p1 $0x6960;
	s2 =	simm.s32 @!p1 $0x4;
	[sflag:s1] =	ssyncset.done @!p1 $0x0  }
0x2cb: {  	s3 =	simm.s32 @!p1 $0x6A60;
	[sflag:s1] =	ssyncadd.s32 @!p1 $0xFFFFE000;
	s1 =	simm.s32 @!p1 $0x80  }
0x2cc: {  	[spmem:s8] =	stream.indirect.scatter.add.f32 @!p1 [tilespmem:s3], [sflag:$0x4], $0x40, s4, s1, $0xb8;
	[tilespmem:$0x12BE0] =	vst v63  }
0x2cd: {  	p2 =	sle.s32 @!p4 s18, $0x2;
	_ =	swait.ge @!p1 [sflag:s2], $0x2000  }
0x2ce: {  	p2 =	por p2, p4;
	[sflag:s2] =	ssyncset.done @!p1 $0x0  }
0x2cf: {  	s1 =	simm.s32 @!p2 $0x80;
	[sflag:s2] =	ssyncadd.s32 @!p1 $0xFFFFE000;
	s2 =	simm.s32 @!p2 $0x6A60  }
0x2d0: {  	[tilespmem:s2], [sflag:$0x1] =	stream.indirect.gather @!p2 [hbm4b:s13+s1], $0x40, s29, s1, $0xb8;
	[tilespmem:$0x12BE0] =	vst v63  }
0x2d1: {  	v11 =	vld @!p4 [tilespmem:s28+$0x0];
	_ =	sdelay $0x4  }
0x2d2: {  	[tilespmem:$0x69E0] =	vst @!p4 v11  }
0x2d3: {  	v11 =	vld @!p4 [tilespmem:s28+$0x10];
	_ =	sdelay $0x4  }
0x2d4: {  	[tilespmem:$0x69F0] =	vst @!p4 v11  }
0x2d5: {  	v11 =	vld @!p4 [tilespmem:s28+$0x20];
	_ =	sdelay $0x4  }
0x2d6: {  	[tilespmem:$0x6A00] =	vst @!p4 v11  }
0x2d7: {  	v11 =	vld @!p4 [tilespmem:s28+$0x30];
	_ =	sdelay $0x4  }
0x2d8: {  	[tilespmem:$0x6A10] =	vst @!p4 v11  }
0x2d9: {  	v11 =	vld @!p4 [tilespmem:s28+$0x40];
	_ =	sdelay $0x4  }
0x2da: {  	[tilespmem:$0x6A20] =	vst @!p4 v11  }
0x2db: {  	v11 =	vld @!p4 [tilespmem:s28+$0x50];
	_ =	sdelay $0x4  }
0x2dc: {  	[tilespmem:$0x6A30] =	vst @!p4 v11  }
0x2dd: {  	v11 =	vld @!p4 [tilespmem:s28+$0x60];
	_ =	sdelay $0x4  }
0x2de: {  	[tilespmem:$0x6A40] =	vst @!p4 v11  }
0x2df: {  	v11 =	vld @!p4 [tilespmem:s28+$0x70];
	_ =	sdelay $0x1  }
0x2e0: {  	s2 =	sadd.s32 $0xFFFFFFFF, s0  }
0x2e1: {  	s5 =	simm.s32 @!p4 $0x69E0;
	p3 =	sne.s32 s2, $0x0  }
.Ltmp14:
0x2e2: {  	s6 =	simm.s32 @!p4 $0x80;
	s3 =	simm.s32 @!p4 $0x2;
	(pc) =	sbr.rel @!p3 .LBB2_22-.Ltmp14, $4  }
0x2e3: {  	s4 =	simm.s32 @!p4 $0x3;
	p1 =	sle.s32 s18, $0x2;
	s0 =	simm.s32 @!p4 $0x8A60;
	[tilespmem:$0x6A50] =	vst @!p4 v11  }
0x2e4: {  	s1 =	simm.s32 $0x3;
	p2 =	sle.s32 @!p1 s18, $0x3;
	_ =	swait.ge @!p4 [sflag:s3], $0x2000  }
0x2e5: {  	s29 =	simm.s32 $0x5640;
	p5 =	por p2, p1;
	[sflag:s3] =	ssyncset.done @!p4 $0x0  }
0x2e6: {  	p2 =	por $0x1, $0x1;
	s28 =	simm.s32 $0x6050;
	[sflag:s3] =	ssyncadd.s32 @!p4 $0xFFFFE000  }
.LBB2_21:
0x2e7: {  	[spmem:s8] =	stream.indirect.scatter.add.f32 @!p4 [tilespmem:s0], [sflag:$0x3], $0x40, s5, s6, $0xb8;
	[tilespmem:$0x12BE0] =	vst v63  }
0x2e8: {  	s2 =	sadd.s32 $0xFFFFFFFF, s2;
	_ =	swait.ge @!p4 [sflag:s4], $0x2000  }
0x2e9: {  	s0 =	simm.s32 @!p5 $0x8A60;
	p3 =	sne.s32 s2, $0x0;
	[sflag:s4] =	ssyncset.done @!p4 $0x0  }
0x2ea: {  	s3 =	sadd.s32 @!p5 $0xFFFFFF80, s29;
	s5 =	simm.s32 @!p5 $0x80;
	[sflag:s4] =	ssyncadd.s32 @!p4 $0xFFFFE000  }
0x2eb: {  	[tilespmem:s0], [sflag:$0x2] =	stream.indirect.gather @!p5 [hbm4b:s13+s5], $0x40, s3, s5, $0xb8;
	[tilespmem:$0x12BE0] =	vst v63  }
0x2ec: {  	v11 =	vld @!p1 [tilespmem:s28+$0xFFFFFF80];
	_ =	sdelay $0x4  }
0x2ed: {  	[tilespmem:$0x6960] =	vst @!p1 v11  }
0x2ee: {  	v11 =	vld @!p1 [tilespmem:s28+$0xFFFFFF90];
	_ =	sdelay $0x4  }
0x2ef: {  	[tilespmem:$0x6970] =	vst @!p1 v11  }
0x2f0: {  	v11 =	vld @!p1 [tilespmem:s28+$0xFFFFFFA0];
	_ =	sdelay $0x4  }
0x2f1: {  	[tilespmem:$0x6980] =	vst @!p1 v11  }
0x2f2: {  	v11 =	vld @!p1 [tilespmem:s28+$0xFFFFFFB0];
	_ =	sdelay $0x4  }
0x2f3: {  	[tilespmem:$0x6990] =	vst @!p1 v11  }
0x2f4: {  	v11 =	vld @!p1 [tilespmem:s28+$0xFFFFFFC0];
	_ =	sdelay $0x4  }
0x2f5: {  	[tilespmem:$0x69A0] =	vst @!p1 v11  }
0x2f6: {  	v11 =	vld @!p1 [tilespmem:s28+$0xFFFFFFD0];
	_ =	sdelay $0x4  }
0x2f7: {  	[tilespmem:$0x69B0] =	vst @!p1 v11  }
0x2f8: {  	v11 =	vld @!p1 [tilespmem:s28+$0xFFFFFFE0];
	_ =	sdelay $0x4  }
0x2f9: {  	[tilespmem:$0x69C0] =	vst @!p1 v11  }
0x2fa: {  	v11 =	vld @!p1 [tilespmem:s28+$0xFFFFFFF0];
	_ =	sdelay $0x4  }
0x2fb: {  	s0 =	simm.s32 @!p1 $0x1;
	[tilespmem:$0x69D0] =	vst @!p1 v11  }
0x2fc: {  	p4 =	sge.s32 s1, s18;
	s3 =	simm.s32 @!p1 $0x4;
	_ =	swait.ge @!p1 [sflag:s0], $0x2000  }
0x2fd: {  	s4 =	simm.s32 @!p1 $0x6A60;
	s5 =	sadd.s32 @!p4 $0x1, s1;
	[sflag:s0] =	ssyncset.done @!p1 $0x0  }
0x2fe: {  	s6 =	simm.s32 @!p1 $0x6960;
	[sflag:s0] =	ssyncadd.s32 @!p1 $0xFFFFE000;
	s0 =	simm.s32 @!p1 $0x80  }
0x2ff: {  	[spmem:s8] =	stream.indirect.scatter.add.f32 @!p1 [tilespmem:s4], [sflag:$0x4], $0x40, s6, s0, $0xb8;
	[tilespmem:$0x12BE0] =	vst v63  }
0x300: {  	p5 =	sge.s32 @!p4 s5, s18;
	_ =	swait.ge @!p1 [sflag:s3], $0x2000  }
0x301: {  	p5 =	por p5, p4;
	[sflag:s3] =	ssyncset.done @!p1 $0x0  }
0x302: {  	s0 =	simm.s32 @!p5 $0x80;
	[sflag:s3] =	ssyncadd.s32 @!p1 $0xFFFFE000;
	s3 =	simm.s32 @!p5 $0x6A60  }
0x303: {  	[tilespmem:s3], [sflag:$0x1] =	stream.indirect.gather @!p5 [hbm4b:s13+s0], $0x40, s29, s0, $0xb8;
	[tilespmem:$0x12BE0] =	vst v63  }
0x304: {  	v11 =	vld @!p4 [tilespmem:s28+$0x0];
	_ =	sdelay $0x4  }
0x305: {  	[tilespmem:$0x69E0] =	vst @!p4 v11  }
0x306: {  	v11 =	vld @!p4 [tilespmem:s28+$0x10];
	_ =	sdelay $0x4  }
0x307: {  	[tilespmem:$0x69F0] =	vst @!p4 v11  }
0x308: {  	v11 =	vld @!p4 [tilespmem:s28+$0x20];
	_ =	sdelay $0x4  }
0x309: {  	[tilespmem:$0x6A00] =	vst @!p4 v11  }
0x30a: {  	v11 =	vld @!p4 [tilespmem:s28+$0x30];
	_ =	sdelay $0x4  }
0x30b: {  	[tilespmem:$0x6A10] =	vst @!p4 v11  }
0x30c: {  	v11 =	vld @!p4 [tilespmem:s28+$0x40];
	_ =	sdelay $0x4  }
0x30d: {  	[tilespmem:$0x6A20] =	vst @!p4 v11  }
0x30e: {  	v11 =	vld @!p4 [tilespmem:s28+$0x50];
	_ =	sdelay $0x4  }
0x30f: {  	[tilespmem:$0x6A30] =	vst @!p4 v11  }
0x310: {  	v11 =	vld @!p4 [tilespmem:s28+$0x60];
	_ =	sdelay $0x4  }
0x311: {  	[tilespmem:$0x6A40] =	vst @!p4 v11  }
0x312: {  	v11 =	vld @!p4 [tilespmem:s28+$0x70];
	_ =	sdelay $0x2  }
0x313: {  	s28 =	sadd.s32 $0x100, s28  }
.Ltmp15:
0x314: {  	s1 =	sadd.s32 $0x2, s1;
	s0 =	simm.s32 @!p4 $0x8A60;
	(pc) =	sbr.rel @p3 .LBB2_21-.Ltmp15, $4  }
0x315: {  	s7 =	simm.s32 @!p4 $0x2;
	s5 =	simm.s32 @!p4 $0x69E0;
	s3 =	sadd.s32 $0xFFFFFFFF, s1;
	[tilespmem:$0x6A50] =	vst @!p4 v11  }
0x316: {  	s4 =	simm.s32 @!p4 $0x3;
	p1 =	sge.s32 s3, s18;
	_ =	swait.ge @!p4 [sflag:s7], $0x2000  }
0x317: {  	s6 =	simm.s32 @!p4 $0x80;
	p5 =	sge.s32 @!p1 s1, s18;
	[sflag:s7] =	ssyncset.done @!p4 $0x0  }
0x318: {  	s29 =	sadd.s32 $0x100, s29;
	p5 =	por p5, p1;
	[sflag:s7] =	ssyncadd.s32 @!p4 $0xFFFFE000  }
.LBB2_22:
0x319: {  	p2 =	por p4, !p2  }
0x31a: {  	[spmem:s8] =	stream.indirect.scatter.add.f32 @!p2 [tilespmem:s0], [sflag:$0x3], $0x40, s5, s6, $0xb8;
	[tilespmem:$0x12BE0] =	vst v63  }
0x31b: {  	_ =	swait.ge @!p2 [sflag:s4], $0x2000  }
0x31c: {  	s2 =	sadd.s32 @!p5 $0xFFFFFF80, s29;
	[sflag:s4] =	ssyncset.done @!p2 $0x0  }
0x31d: {  	s3 =	simm.s32 @!p5 $0x80;
	s0 =	simm.s32 @!p5 $0x8A60;
	[sflag:s4] =	ssyncadd.s32 @!p2 $0xFFFFE000  }
0x31e: {  	[tilespmem:s0], [sflag:$0x2] =	stream.indirect.gather @!p5 [hbm4b:s13+s3], $0x40, s2, s3, $0xb8;
	[tilespmem:$0x12BE0] =	vst v63  }
0x31f: {  	v11 =	vld @!p1 [tilespmem:s28+$0xFFFFFF80];
	_ =	sdelay $0x4  }
0x320: {  	[tilespmem:$0x6960] =	vst @!p1 v11  }
0x321: {  	v11 =	vld @!p1 [tilespmem:s28+$0xFFFFFF90];
	_ =	sdelay $0x4  }
0x322: {  	[tilespmem:$0x6970] =	vst @!p1 v11  }
0x323: {  	v11 =	vld @!p1 [tilespmem:s28+$0xFFFFFFA0];
	_ =	sdelay $0x4  }
0x324: {  	[tilespmem:$0x6980] =	vst @!p1 v11  }
0x325: {  	v11 =	vld @!p1 [tilespmem:s28+$0xFFFFFFB0];
	_ =	sdelay $0x4  }
0x326: {  	[tilespmem:$0x6990] =	vst @!p1 v11  }
0x327: {  	v11 =	vld @!p1 [tilespmem:s28+$0xFFFFFFC0];
	_ =	sdelay $0x4  }
0x328: {  	[tilespmem:$0x69A0] =	vst @!p1 v11  }
0x329: {  	v11 =	vld @!p1 [tilespmem:s28+$0xFFFFFFD0];
	_ =	sdelay $0x4  }
0x32a: {  	[tilespmem:$0x69B0] =	vst @!p1 v11  }
0x32b: {  	v11 =	vld @!p1 [tilespmem:s28+$0xFFFFFFE0];
	_ =	sdelay $0x4  }
0x32c: {  	[tilespmem:$0x69C0] =	vst @!p1 v11  }
0x32d: {  	v11 =	vld @!p1 [tilespmem:s28+$0xFFFFFFF0];
	_ =	sdelay $0x4  }
0x32e: {  	s0 =	simm.s32 @!p1 $0x1;
	[tilespmem:$0x69D0] =	vst @!p1 v11  }
0x32f: {  	p2 =	sge.s32 s1, s18;
	s4 =	simm.s32 @!p1 $0x6960;
	_ =	swait.ge @!p1 [sflag:s0], $0x2000  }
0x330: {  	s2 =	simm.s32 @!p1 $0x4;
	s3 =	simm.s32 @!p1 $0x6A60;
	[sflag:s0] =	ssyncset.done @!p1 $0x0  }
0x331: {  	s1 =	sadd.s32 @!p2 $0x1, s1;
	[sflag:s0] =	ssyncadd.s32 @!p1 $0xFFFFE000;
	s0 =	simm.s32 @!p1 $0x80  }
0x332: {  	[spmem:s8] =	stream.indirect.scatter.add.f32 @!p1 [tilespmem:s3], [sflag:$0x4], $0x40, s4, s0, $0xb8;
	[tilespmem:$0x12BE0] =	vst v63  }
0x333: {  	p3 =	sge.s32 @!p2 s1, s18;
	_ =	swait.ge @!p1 [sflag:s2], $0x2000  }
0x334: {  	p3 =	por p3, p2;
	[sflag:s2] =	ssyncset.done @!p1 $0x0  }
0x335: {  	s1 =	simm.s32 @!p3 $0x6A60;
	s0 =	simm.s32 @!p3 $0x80;
	[sflag:s2] =	ssyncadd.s32 @!p1 $0xFFFFE000  }
0x336: {  	[tilespmem:s1], [sflag:$0x1] =	stream.indirect.gather @!p3 [hbm4b:s13+s0], $0x40, s29, s0, $0xb8;
	[tilespmem:$0x12BE0] =	vst v63  }
0x337: {  	v11 =	vld @!p2 [tilespmem:s28+$0x0];
	_ =	sdelay $0x4  }
0x338: {  	[tilespmem:$0x69E0] =	vst @!p2 v11  }
0x339: {  	v11 =	vld @!p2 [tilespmem:s28+$0x10];
	_ =	sdelay $0x4  }
0x33a: {  	[tilespmem:$0x69F0] =	vst @!p2 v11  }
0x33b: {  	v11 =	vld @!p2 [tilespmem:s28+$0x20];
	_ =	sdelay $0x4  }
0x33c: {  	[tilespmem:$0x6A00] =	vst @!p2 v11  }
0x33d: {  	v11 =	vld @!p2 [tilespmem:s28+$0x30];
	_ =	sdelay $0x4  }
0x33e: {  	[tilespmem:$0x6A10] =	vst @!p2 v11  }
0x33f: {  	v11 =	vld @!p2 [tilespmem:s28+$0x40];
	_ =	sdelay $0x4  }
0x340: {  	[tilespmem:$0x6A20] =	vst @!p2 v11  }
0x341: {  	v11 =	vld @!p2 [tilespmem:s28+$0x50];
	_ =	sdelay $0x4  }
0x342: {  	[tilespmem:$0x6A30] =	vst @!p2 v11  }
0x343: {  	v11 =	vld @!p2 [tilespmem:s28+$0x60];
	_ =	sdelay $0x4  }
0x344: {  	[tilespmem:$0x6A40] =	vst @!p2 v11  }
0x345: {  	v11 =	vld @!p2 [tilespmem:s28+$0x70];
	_ =	sdelay $0x4  }
0x346: {  	s0 =	simm.s32 @!p2 $0x2;
	[tilespmem:$0x6A50] =	vst @!p2 v11  }
0x347: {  	_ =	swait.ge @!p2 [sflag:s0], $0x2000  }
0x348: {  	s3 =	simm.s32 @!p2 $0x3;
	s4 =	simm.s32 @!p2 $0x80;
	[sflag:s0] =	ssyncset.done @!p2 $0x0  }
0x349: {  	s2 =	simm.s32 @!p2 $0x69E0;
	s1 =	simm.s32 @!p2 $0x8A60;
	[sflag:s0] =	ssyncadd.s32 @!p2 $0xFFFFE000  }
0x34a: {  	[spmem:s8] =	stream.indirect.scatter.add.f32 @!p2 [tilespmem:s1], [sflag:$0x3], $0x40, s2, s4, $0xb8;
	[tilespmem:$0x12BE0] =	vst v63  }
0x34b: {  	_ =	swait.ge @!p2 [sflag:s3], $0x2000  }
0x34c: {  	[sflag:s3] =	ssyncset.done @!p2 $0x0  }
0x34d: {  	[sflag:s3] =	ssyncadd.s32 @!p2 $0xFFFFE000  }
.LBB2_23:
.Ltmp16:
0x34e: {  	(pc) =	sbr.rel @p0 .LBB2_27-.Ltmp16, $2  }
0x34f: {  	_ =	sdelay $0x2  }
0x350: {  	s2 =	rddreg [dreg:$0x13]  }
0x351: {  	s1 =	rddreg [dreg:$0xb]  }
0x352: {  	v11 =	vadd.s32 s1, v7  }
0x353: {  	vm4 =	vlt.u32 v10, v8;
	v11 =	vand.u32 $0x1FF8, v11  }
0x354: {  	v11 =	vor.u32 v9, v11;
	_ =	sdelay $0x3  }
0x355: {  	s2 =	simm.s32 $0x0  }
0x356: {  	s0 =	simm.s32 $0x0;
	v11 =	vld.idx.msk [tilespmem:v11+s2+$0x0], vm4  }
0x357: {  	v12 =	vld.idx.msk [tilespmem:v10+s0+$0x0 ss:$0x1], $0xffff;
	_ =	sdelay $0x2  }
0x358: {  	vm4 =	veq.s32 v10, v8  }
0x359: {  	v11 =	vsel vm4, $0x14000, v11  }
0x35a: {  	v11 =	vsub.s32 v11, v12  }
0x35b: {  	vm4 =	vgt.s32 v11, $0x1  }
0x35c: {  	v11 =	vnsel vm4, $0x1, v11  }
0x35d: {  	v11 =	vcvt.s32.f32 v11;
	_ =	sdelay $0x1  }
0x35e: {  	(erf) = vrcp.f32 v11;
	_ =	sdelay $0x2  }
0x35f: {  	s2 =	sadd.s32 $0x10, s1  }
0x360: {  	s4 =	simm.s32 $0x80;
	s1 =	simm.s32 $0x40;
	v12 =	vadd.s32 s2, v7;
	v11 =	vmov s2  }
.LBB2_25:
0x361: {  	p1 =	sne.s32 s4, $0x3C0;
	vm4 =	vlt.u32 v11, v8;
	v12 =	vand.u32 $0x1FF8, v12  }
0x362: {  	v12 =	vor.u32 v9, v12;
	_ =	sdelay $0x2  }
0x363: {  	v13 =	vpop (erf)  }
0x364: {  	[tilespmem:s0+$0xEAA0] =	vst v13;
	s0 =	sshra.s32 s1, $0x2;
	s1 =	simm.s32 $0x0  }
0x365: {  	v12 =	vld.idx.msk [tilespmem:v12+s1+$0x0], vm4;
	s1 =	smov.u32 s4  }
0x366: {  	v13 =	vld.idx.msk [tilespmem:v10+s0+$0x0 ss:$0x1], $0xffff;
	_ =	sdelay $0x3  }
0x367: {  	vm4 =	veq.s32 v11, v8  }
0x368: {  	v11 =	vsel vm4, $0x14000, v12  }
0x369: {  	v11 =	vsub.s32 v11, v13  }
0x36a: {  	vm4 =	vgt.s32 v11, $0x1  }
0x36b: {  	v11 =	vnsel vm4, $0x1, v11  }
0x36c: {  	v11 =	vcvt.s32.f32 v11;
	_ =	sdelay $0x1  }
.Ltmp17:
0x36d: {  	(erf) = vrcp.f32 v11;
	(pc) =	sbr.rel @p1 .LBB2_25-.Ltmp17, $3  }
0x36e: {  	_ =	sdelay $0x1  }
0x36f: {  	s2 =	sadd.s32 $0x10, s2  }
0x370: {  	s4 =	sadd.s32 $0x40, s4;
	v12 =	vadd.s32 s2, v7;
	v11 =	vmov s2  }
.Ltmp18:
0x371: {  	_ = 	snop;
	(pc) =	sbr.rel .LBB2_26-.Ltmp18, $1  }
0x372: {  	_ =	sdelay $0x3  }
.LBB2_7:
.Ltmp19:
0x373: {  	(pc) =	sbr.rel .LBB2_10-.Ltmp19, $2  }
0x374: {  	_ =	sdelay $0x2  }
0x375: {  	_ = 	snop  }
.LBB2_13:
.Ltmp20:
0x376: {  	(pc) =	sbr.rel .LBB2_16-.Ltmp20, $2  }
0x377: {  	_ =	sdelay $0x2  }
0x378: {  	_ = 	snop  }
.LBB2_19:
.Ltmp21:
0x379: {  	(pc) =	sbr.rel .LBB2_22-.Ltmp21, $2  }
0x37a: {  	_ =	sdelay $0x2  }
0x37b: {  	_ = 	snop  }
.LBB2_28:
0x37c: {  	_ =	sfence.sel $0x180000  }
0x37d: {  	[bflag:$0x0] =	sbarrier.arrive $0xFFFF  }
0x37e: {  	_ =	strace $0x90000047  }
0x37f: {  	s0 =	stileid.u32;
	[bflag:$0x2] =	sbarrier.arrive $0xFFFF  }
0x380: {  	p0 =	sne.s32 s0, $0x0;
	s0 =	rddreg [dreg:$0x5]  }
0x381: {  	s0 =	sadd.s32 @!p0 $0x100000, s0  }
0x382: {  	[sflag:s0] =	ssyncadd.tile.s32 @!p0 $0x1;
	_ =	shalt  }
.Lfunc_end2:
_tile_overlayer_lowered:
.L_overlay_start_2:
0x383: {  	(tag) =	ssettag $0x2  }
0x384: {  	s0 =	rddreg [dreg:$0x0];
	s2 =	stileid.u32  }
0x385: {  	s1 =	rddreg [dreg:$0x1];
	p0 =	sne.s32 s2, $0x0  }
0x386: {  	s3 =	rddreg [dreg:$0x2];
	[bflag:$0x3] =	sbarrier.arrive $0xFFFF;
	s2 =	simm.s32 @!p0 $0x1C03  }
0x387: {  	[timem:s3], [sflag:s2] =	dma.local @!p0 [hbm:s0], s1  }
0x388: {  	s0 =	simm.s32 @!p0 $0x3  }
0x389: {  	_ =	swait.ge @!p0 [sflag:s0], s1  }
0x38a: {  	s1 =	ssub.s32 @!p0 $0x0, s1;
	[sflag:s0] =	ssyncset.done @!p0 $0x0  }
0x38b: {  	[sflag:s0] =	ssyncadd.s32 @!p0 s1  }
0x38c: {  	[bflag:$0x3] =	sbarrier.arrive $0xFFFF  }
0x38d: {  	_ =	shalt  }

</sc_bundles>
